<compile_context>
chip_gen: v7x
topology: tpu7x:2x2x1
jax: 0.10.2.dev20260603
libtpu: 0.0.44.dev20260713+nightly
codegen_flags: <defaults>
</compile_context>

<pallas_src>
import functools

import jax
import jax.numpy as jnp
from jax import lax
from jax.experimental import pallas as pl
from jax.experimental.pallas import tpu as pltpu
from jax.experimental.pallas import tpu_sc as plsc

N_INF = -1e10
L, B, D, V = 512, 128, 128, 128
TOK_PAD, TOK_START, TOK_CONST, TOK_SUB, TOK_STOP = 0, 1, 2, 3, 4
D4 = 4 * D
D2 = 2 * D
NHEAD = 4
TL = 16


def _sig(x):
    return jax.nn.sigmoid(x)


def _dot(a, b):
    return jnp.dot(a, b, preferred_element_type=jnp.float32)


def _dott(a, b):
    return lax.dot_general(a, b, (((0,), (1,)), ((), ())),
                           preferred_element_type=jnp.float32)


def _dotl(a, b):
    return lax.dot_general(a, b, (((0,), (0,)), ((), ())),
                           preferred_element_type=jnp.float32)



def _limbs(tab):
    t1 = tab.astype(jnp.bfloat16)
    r1 = tab - t1.astype(jnp.float32)
    t2 = r1.astype(jnp.bfloat16)
    t3 = (r1 - t2.astype(jnp.float32)).astype(jnp.bfloat16)
    return t1, t2, t3


def _prep_body(emb_ref, wif_ref, bif_ref, wib_ref, bib_ref, ctx_ref,
               wcf_ref, b0f_ref, wcb_ref, b0b_ref,
               tf1_ref, tf2_ref, tf3_ref, tb1_ref, tb2_ref, tb3_ref,
               hcf_ref, hcb_ref):
    emb = emb_ref[...]
    tff = _dot(emb, wif_ref[...]) + bif_ref[...]
    tfb = _dot(emb, wib_ref[...]) + bib_ref[...]
    tf1_ref[...], tf2_ref[...], tf3_ref[...] = _limbs(tff)
    tb1_ref[...], tb2_ref[...], tb3_ref[...] = _limbs(tfb)
    ctx = ctx_ref[...]
    hcf_ref[...] = jnp.tanh(_dot(ctx, wcf_ref[...]) + b0f_ref[...])
    hcb_ref[...] = jnp.tanh(_dot(ctx, wcb_ref[...]) + b0b_ref[...])


def _prep(emb, wif, bif, wib, bib, ctx, wcf, b0f, wcb, b0b):
    return pl.pallas_call(
        _prep_body,
        out_shape=[
            jax.ShapeDtypeStruct((V, D4), jnp.bfloat16),
            jax.ShapeDtypeStruct((V, D4), jnp.bfloat16),
            jax.ShapeDtypeStruct((V, D4), jnp.bfloat16),
            jax.ShapeDtypeStruct((V, D4), jnp.bfloat16),
            jax.ShapeDtypeStruct((V, D4), jnp.bfloat16),
            jax.ShapeDtypeStruct((V, D4), jnp.bfloat16),
            jax.ShapeDtypeStruct((B, D2), jnp.float32),
            jax.ShapeDtypeStruct((B, D2), jnp.float32),
        ],
    )(emb, wif, bif, wib, bib, ctx, wcf, b0f, wcb, b0b)



SU = 8


def _cell(x, wh_ref, h, c):
    gates = x + _dot(h, wh_ref[...])
    i_g = _sig(gates[:, :D])
    f_g = _sig(gates[:, D:2 * D])
    g_g = jnp.tanh(gates[:, 2 * D:3 * D])
    o_g = _sig(gates[:, 3 * D:])
    c_n = f_g * c + i_g * g_g
    h_n = o_g * jnp.tanh(c_n)
    return h_n, c_n


def _lookup(tokens_ref, t1_ref, t2_ref, t3_ref, row0):
    tok = tokens_ref[pl.ds(row0, SU), :].reshape(1, SU * B)
    iot = lax.broadcasted_iota(jnp.int32, (V, SU * B), 0)
    oh = (iot == tok).astype(jnp.bfloat16)
    return ((_dotl(oh, t1_ref[...]) + _dotl(oh, t2_ref[...]))
            + _dotl(oh, t3_ref[...]))


def _scan_body(tokens_ref, tf1_ref, tf2_ref, tf3_ref, whf_ref,
               tb1_ref, tb2_ref, tb3_ref, whb_ref,
               hcf_ref, hcb_ref, hsf_ref, hsb_ref,
               hf_s, cf_s, hb_s, cb_s, xfa_s, xba_s, xfb_s, xbb_s):
    j = pl.program_id(0)
    nj = L // SU

    @pl.when(j == 0)
    def _init():
        hf_s[...] = hcf_ref[:, :D]
        cf_s[...] = hcf_ref[:, D:]
        hb_s[...] = hcb_ref[:, :D]
        cb_s[...] = hcb_ref[:, D:]
        xfa_s[...] = _lookup(tokens_ref, tf1_ref, tf2_ref, tf3_ref, 0)
        xba_s[...] = _lookup(tokens_ref, tb1_ref, tb2_ref, tb3_ref, L - SU)

    def _halfiter(xsrc_f, xsrc_b, xdst_f, xdst_b):
        jn = jnp.minimum(j + 1, nj - 1)
        xdst_f[...] = _lookup(tokens_ref, tf1_ref, tf2_ref, tf3_ref, jn * SU)
        xdst_b[...] = _lookup(tokens_ref, tb1_ref, tb2_ref, tb3_ref,
                              L - (jn + 1) * SU)
        hf, cf = hf_s[...], cf_s[...]
        hb, cb = hb_s[...], cb_s[...]
        for u in range(SU):
            hf, cf = _cell(xsrc_f[pl.ds(u * B, B), :], whf_ref, hf, cf)
            hsf_ref[u, :, :] = hf
            hb, cb = _cell(xsrc_b[pl.ds((SU - 1 - u) * B, B), :],
                           whb_ref, hb, cb)
            hsb_ref[SU - 1 - u, :, :] = hb
        hf_s[...] = hf
        cf_s[...] = cf
        hb_s[...] = hb
        cb_s[...] = cb

    jm = lax.rem(j, 2)

    @pl.when(jm == 0)
    def _even():
        _halfiter(xfa_s, xba_s, xfb_s, xbb_s)

    @pl.when(jm == 1)
    def _odd():
        _halfiter(xfb_s, xbb_s, xfa_s, xba_s)


def _lstm_scan(tokens, tf1, tf2, tf3, whf, tb1, tb2, tb3, whb, hcf, hcb):
    cparams = pltpu.CompilerParams(dimension_semantics=("arbitrary",))
    return pl.pallas_call(
        _scan_body,
        grid=(L // SU,),
        in_specs=[
            pl.BlockSpec((L, B), lambda j: (0, 0)),
            pl.BlockSpec((V, D4), lambda j: (0, 0)),
            pl.BlockSpec((V, D4), lambda j: (0, 0)),
            pl.BlockSpec((V, D4), lambda j: (0, 0)),
            pl.BlockSpec((D, D4), lambda j: (0, 0)),
            pl.BlockSpec((V, D4), lambda j: (0, 0)),
            pl.BlockSpec((V, D4), lambda j: (0, 0)),
            pl.BlockSpec((V, D4), lambda j: (0, 0)),
            pl.BlockSpec((D, D4), lambda j: (0, 0)),
            pl.BlockSpec((B, D2), lambda j: (0, 0)),
            pl.BlockSpec((B, D2), lambda j: (0, 0)),
        ],
        out_specs=[
            pl.BlockSpec((SU, B, D), lambda j: (j, 0, 0)),
            pl.BlockSpec((SU, B, D), lambda j: (L // SU - 1 - j, 0, 0)),
        ],
        out_shape=[
            jax.ShapeDtypeStruct((L, B, D), jnp.float32),
            jax.ShapeDtypeStruct((L, B, D), jnp.float32),
        ],
        scratch_shapes=(
            [pltpu.VMEM((B, D), jnp.float32) for _ in range(4)]
            + [pltpu.VMEM((SU * B, D4), jnp.float32) for _ in range(4)]),
        compiler_params=cparams,
    )(tokens, tf1, tf2, tf3, whf, tb1, tb2, tb3, whb, hcf, hcb)



def _heads_body(hf_ref, hb_ref, w1_ref, b1_ref, w2_ref, b2_ref, tok_ref,
                ll_ref, tgt_ref, gidx_ref, sc_s):
    j = pl.program_id(0)
    hf = hf_ref[...].reshape(TL * B, D)
    hb = hb_ref[...].reshape(TL * B, D)
    out2 = jnp.concatenate([hf, hb], axis=1)
    hid = _dot(out2, w1_ref[...])
    hid = jnp.maximum(hid + b1_ref[...], 0.0)
    st = _dott(w2_ref[...], hid)
    st = st + b2_ref[...]
    sc_s[:, pl.ds(j * TL, TL), :] = st.reshape(NHEAD, TL, B)

    @pl.when(j == L // TL - 1)
    def _assemble():
        tok = tok_ref[...]
        mod_s = sc_s[0]
        del_s = sc_s[1]
        ins_s = sc_s[2]
        stop_s = sc_s[3]
        expr = (tok == TOK_CONST) | (tok == TOK_SUB)
        zf = jnp.zeros((1, B), dtype=jnp.float32)
        expr_f = expr.astype(jnp.float32)
        expr_sh = jnp.concatenate([zf, expr_f[:-1]], axis=0) != 0.0
        del_sh = jnp.concatenate([zf, del_s[:-1]], axis=0)
        score = jnp.full((L, B), N_INF, dtype=jnp.float32)
        score = jnp.where(expr, mod_s, score)
        score = jnp.where(expr_sh, del_sh, score)
        score = jnp.where(tok == TOK_START, ins_s, score)
        score = jnp.where(tok == TOK_STOP, stop_s, score)
        m = jnp.max(score, axis=0, keepdims=True)
        z = jnp.log(jnp.sum(jnp.exp(score - m), axis=0, keepdims=True))
        ll_ref[...] = -z
        iot = lax.broadcasted_iota(jnp.int32, (L, B), 0)
        cand = jnp.where(score == m, iot, L)
        tgt = jnp.min(cand, axis=0, keepdims=True)
        tgt_ref[...] = tgt
        gidx_ref[...] = tgt * B + lax.broadcasted_iota(jnp.int32, (1, B), 1)


def _heads(hs_f, hs_b, w1, b1, w2, b2, tokens):
    return pl.pallas_call(
        _heads_body,
        grid=(L // TL,),
        in_specs=[
            pl.BlockSpec((TL, B, D), lambda j: (j, 0, 0)),
            pl.BlockSpec((TL, B, D), lambda j: (j, 0, 0)),
            pl.BlockSpec((D2, NHEAD * D2), lambda j: (0, 0)),
            pl.BlockSpec((1, NHEAD * D2), lambda j: (0, 0)),
            pl.BlockSpec((NHEAD * D2, NHEAD), lambda j: (0, 0)),
            pl.BlockSpec((NHEAD, 1), lambda j: (0, 0)),
            pl.BlockSpec((L, B), lambda j: (0, 0)),
        ],
        out_specs=[
            pl.BlockSpec((1, B), lambda j: (0, 0)),
            pl.BlockSpec((1, B), lambda j: (0, 0)),
            pl.BlockSpec((1, B), lambda j: (0, 0)),
        ],
        out_shape=[
            jax.ShapeDtypeStruct((1, B), jnp.float32),
            jax.ShapeDtypeStruct((1, B), jnp.int32),
            jax.ShapeDtypeStruct((1, B), jnp.int32),
        ],
        scratch_shapes=[pltpu.VMEM((NHEAD, L, B), jnp.float32)],
        compiler_params=pltpu.CompilerParams(
            dimension_semantics=("arbitrary",)),
    )(hs_f, hs_b, w1, b1, w2, b2, tokens)



_ROWS_PER_W = 16
_NW_ACT = B // _ROWS_PER_W


def _gather_sc_body(hsf_hbm, hsb_hbm, gidx_hbm, updf_hbm, updb_hbm,
                    idx_v, rf_v, rb_v, sem):
    wid = lax.axis_index("s") * 2 + lax.axis_index("c")

    @pl.when(wid < _NW_ACT)
    def _():
        base = wid * _ROWS_PER_W
        pltpu.sync_copy(gidx_hbm.at[pl.ds(base, _ROWS_PER_W)], idx_v)
        pltpu.async_copy(hsf_hbm.at[idx_v], rf_v, sem).wait()
        pltpu.async_copy(hsb_hbm.at[idx_v], rb_v, sem).wait()
        pltpu.sync_copy(rf_v, updf_hbm.at[pl.ds(base, _ROWS_PER_W)])
        pltpu.sync_copy(rb_v, updb_hbm.at[pl.ds(base, _ROWS_PER_W)])


@functools.cache
def _gather_sc_kernel():
    return pl.kernel(
        _gather_sc_body,
        out_type=[
            jax.ShapeDtypeStruct((B, D), jnp.float32),
            jax.ShapeDtypeStruct((B, D), jnp.float32),
        ],
        mesh=plsc.VectorSubcoreMesh(core_axis_name="c", subcore_axis_name="s"),
        scratch_types=[
            pltpu.VMEM((_ROWS_PER_W,), jnp.int32),
            pltpu.VMEM((_ROWS_PER_W, D), jnp.float32),
            pltpu.VMEM((_ROWS_PER_W, D), jnp.float32),
            pltpu.SemaphoreType.DMA,
        ],
    )



def kernel(context_embeds, params, tokens):
    p = params

    wc_f = jnp.concatenate([p['Wch'][:, :D], p['Wcc'][:, :D]], axis=1)
    wc_b = jnp.concatenate([p['Wch'][:, D:], p['Wcc'][:, D:]], axis=1)
    b0_f = jnp.concatenate([p['bch'][:D], p['bcc'][:D]]).reshape(1, D2)
    b0_b = jnp.concatenate([p['bch'][D:], p['bcc'][D:]]).reshape(1, D2)
    names = ['mod', 'dele', 'ins', 'stop']
    w1 = jnp.concatenate([p[nm + '_W1'] for nm in names], axis=1)
    b1 = jnp.concatenate([p[nm + '_b1'] for nm in names]).reshape(1, NHEAD * D2)
    w2 = jnp.zeros((NHEAD * D2, NHEAD), jnp.float32)
    for k, nm in enumerate(names):
        w2 = w2.at[k * D2:(k + 1) * D2, k].set(p[nm + '_W2'][:, 0])
    b2 = jnp.stack([p[nm + '_b2'][0] for nm in names]).reshape(NHEAD, 1)

    tf1, tf2, tf3, tb1, tb2, tb3, hcf, hcb = _prep(
        p['emb'], p['Wi_f'], p['b_f'].reshape(1, D4),
        p['Wi_b'], p['b_b'].reshape(1, D4),
        context_embeds, wc_f, b0_f, wc_b, b0_b)
    hs_f, hs_b = _lstm_scan(tokens, tf1, tf2, tf3, p['Wh_f'],
                            tb1, tb2, tb3, p['Wh_b'], hcf, hcb)
    ll, tgt, gidx = _heads(hs_f, hs_b, w1, b1, w2, b2, tokens)
    updf, updb = _gather_sc_kernel()(hs_f.reshape(L * B, D),
                                     hs_b.reshape(L * B, D), gidx.reshape(B))
    update_embed = jnp.concatenate([updf, updb], axis=1)
    return ll.reshape(B, 1), tgt.reshape(B), update_embed

# --- scband reference (transcript-rebuilt; emitter-appended) ---
"""Pipeline reference for scband-edit-location-predictor-58188216926897 (READ-ONLY COPY).

The authoritative reference and input builder live on the scoring server;
editing this copy changes nothing except your own understanding.
"""

import jax, jax.numpy as jnp
import numpy as np

N_INF = -1e10
L, B, D, V = 512, 128, 128, 128
TOK_PAD, TOK_START, TOK_CONST, TOK_SUB, TOK_STOP = 0, 1, 2, 3, 4


def setup_inputs(seed: int = 0):
    key = jax.random.key(seed)
    ks = jax.random.split(key, 24)
    tokens = jax.random.randint(ks[0], (L, B), 0, V).astype(jnp.int32)
    # every sequence ends with the stop token (as in the original, which appends tok_stop)
    tokens = tokens.at[L - 1].set(TOK_STOP)
    context_embeds = jax.random.normal(ks[1], (B, D), dtype=jnp.float32)

    def g(k, shape, s=0.05):
        return jax.random.normal(k, shape, dtype=jnp.float32) * s

    params = {
        'emb': g(ks[2], (V, D), 1.0),
        'Wi_f': g(ks[3], (D, 4 * D)), 'Wh_f': g(ks[4], (D, 4 * D)), 'b_f': jnp.zeros((4 * D,), jnp.float32),
        'Wi_b': g(ks[5], (D, 4 * D)), 'Wh_b': g(ks[6], (D, 4 * D)), 'b_b': jnp.zeros((4 * D,), jnp.float32),
        'Wch': g(ks[7], (D, 2 * D)), 'bch': jnp.zeros((2 * D,), jnp.float32),
        'Wcc': g(ks[8], (D, 2 * D)), 'bcc': jnp.zeros((2 * D,), jnp.float32),
    }
    for i, nm in enumerate(['mod', 'dele', 'ins', 'stop']):
        params[nm + '_W1'] = g(ks[9 + 2 * i], (2 * D, 2 * D))
        params[nm + '_b1'] = jnp.zeros((2 * D,), jnp.float32)
        params[nm + '_W2'] = g(ks[10 + 2 * i], (2 * D, 1))
        params[nm + '_b2'] = jnp.zeros((1,), jnp.float32)
    return {'context_embeds': context_embeds, 'params': params, 'tokens': tokens}


def _mlp2(x, W1, b1, W2, b2):
    return jax.nn.relu(x @ W1 + b1) @ W2 + b2


def _lstm_dir(xs, h0, c0, Wh):
    # xs: [L, B, 4D] precomputed input projections (torch gate order i, f, g, o)
    def step(carry, x_t):
        h, c = carry
        gates = x_t + h @ Wh
        i, f, gg, o = jnp.split(gates, 4, axis=-1)
        c = jax.nn.sigmoid(f) * c + jax.nn.sigmoid(i) * jnp.tanh(gg)
        h = jax.nn.sigmoid(o) * jnp.tanh(c)
        return (h, c), h
    _, hs = jax.lax.scan(step, (h0, c0), xs)
    return hs


def _forward(context_embeds, params, tokens):
    p = params
    tok_embed = p['emb'][tokens]  # [L, B, D] embedding gather
    # ctx2h / ctx2c : MLP(D -> 2D) with tanh, then view(B, 2, D) -> [dir, B, D]
    h = jnp.tanh(context_embeds @ p['Wch'] + p['bch']).reshape(B, 2, D)
    c = jnp.tanh(context_embeds @ p['Wcc'] + p['bcc']).reshape(B, 2, D)
    xs_f = tok_embed @ p['Wi_f'] + p['b_f']
    hs_f = _lstm_dir(xs_f, h[:, 0], c[:, 0], p['Wh_f'])
    xs_b = (tok_embed @ p['Wi_b'] + p['b_b'])[::-1]
    hs_b = _lstm_dir(xs_b, h[:, 1], c[:, 1], p['Wh_b'])[::-1]
    out = jnp.concatenate([hs_f, hs_b], axis=-1)  # [L, B, 2D] == unpacked_out

    expr_poses = (tokens == TOK_CONST) | (tokens == TOK_SUB)
    ins_poses = tokens == TOK_START
    stop_poses = tokens == TOK_STOP

    mod_scores = _mlp2(out, p['mod_W1'], p['mod_b1'], p['mod_W2'], p['mod_b2'])[..., 0]
    del_scores = _mlp2(out, p['dele_W1'], p['dele_b1'], p['dele_W2'], p['dele_b2'])[..., 0]
    insert_scores = _mlp2(out, p['ins_W1'], p['ins_b1'], p['ins_W2'], p['ins_b2'])[..., 0]
    stop_scores = _mlp2(out, p['stop_W1'], p['stop_b1'], p['stop_W2'], p['stop_b2'])[..., 0]

    # LocScoreFunc: scatter-overwrite scores into the N_INF-initialized score memory
    expr_shifted = jnp.concatenate(
        [jnp.zeros((1, B), dtype=expr_poses.dtype), expr_poses[:-1]], axis=0)
    del_shifted = jnp.concatenate(
        [jnp.zeros((1, B), dtype=del_scores.dtype), del_scores[:-1]], axis=0)

    out_score = jnp.full((L, B), N_INF, dtype=jnp.float32)
    out_score = jnp.where(expr_poses, mod_scores, out_score)
    out_score = jnp.where(expr_shifted, del_shifted, out_score)
    out_score = jnp.where(ins_poses, insert_scores, out_score)
    out_score = jnp.where(stop_poses, stop_scores, out_score)

    log_prob = jax.nn.log_softmax(out_score, axis=0).T  # [B, L]
    target = jnp.argmax(log_prob, axis=1)               # gen_method='argmax'
    ll_step = log_prob[jnp.arange(B), target]
    update_embed = out[target, jnp.arange(B)]
    return ll_step.reshape(-1, 1), target, update_embed


def reference(context_embeds, params, tokens):
    return _forward(context_embeds, params, tokens)

if __name__ == "__main__":
    import jax
    _d = setup_inputs()
    print(jax.jit(kernel)(*tuple(_d.values())))

</pallas_src>

<mosaic_0001>
#map = affine_map<(d0, d1) -> (0, 0)>
#map1 = affine_map<(d0, d1) -> (0)>
module attributes {stable_mosaic.version = 14 : i64} {
  func.func @_gather_sc_body(%arg0: i32, %arg1: i32, %arg2: memref<65536x128xf32, #tpu.memory_space<hbm>>, %arg3: memref<65536x128xf32, #tpu.memory_space<hbm>>, %arg4: memref<128xi32, #tpu.memory_space<hbm>>, %arg5: memref<128x128xf32, #tpu.memory_space<hbm>>, %arg6: memref<128x128xf32, #tpu.memory_space<hbm>>, %arg7: memref<16xi32, #tpu.memory_space<vmem>>, %arg8: memref<16x128xf32, #tpu.memory_space<vmem>>, %arg9: memref<16x128xf32, #tpu.memory_space<vmem>>, %arg10: memref<!tpu.dma_semaphore, #tpu.memory_space<semaphore_mem>>) attributes {dimension_semantics = [#tpu.dimension_semantics<core_parallel>, #tpu.dimension_semantics<subcore_parallel>], iteration_bounds = array<i64: 2, 16>, scalar_prefetch = 0 : i64, scratch_operands = 4 : i64, tpu.core_type = #tpu.core_type<sc_vector_subcore>, window_params = [{transform_indices = #map}, {transform_indices = #map}, {transform_indices = #map1}, {transform_indices = #map}, {transform_indices = #map}]} {
    %mul3A = arith.constant 2 : i32
    %mul3A_0 = arith.muli %arg1, %mul3A : i32
    %add3A = arith.addi %mul3A_0, %arg0 : i32
    %lt3A = arith.constant 8 : i32
    %lt3A_1 = arith.cmpi slt, %add3A, %lt3A : i32
    %convert_element_type3A = arith.extui %lt3A_1 : i1 to i32
    %cond3A = arith.constant 0 : i32
    %cond3A_2 = arith.cmpi ne, %convert_element_type3A, %cond3A : i32
    scf.if %cond3A_2 {
      %mul3A_3 = arith.constant 16 : i32
      %mul3A_4 = arith.muli %add3A, %mul3A_3 : i32
      "tpu.region"() ({
        %run_scoped3A = tpu.sem_alloc : memref<!tpu.dma_semaphore, #tpu.memory_space<semaphore_mem>>
        %dma_start3A_15 = tpu.memref_slice %arg4[%mul3A_4] : memref<128xi32, #tpu.memory_space<hbm>> -> memref<16xi32, #tpu.memory_space<hbm>>
        %dma_start3A_16 = tpu.memref_slice %arg4[%mul3A_4] : memref<128xi32, #tpu.memory_space<hbm>> -> memref<16xi32, #tpu.memory_space<hbm>>
        tpu.enqueue_dma source(%dma_start3A_16 : memref<16xi32, #tpu.memory_space<hbm>>) target(%arg7 : memref<16xi32, #tpu.memory_space<vmem>>) target_semaphore(%run_scoped3A : memref<!tpu.dma_semaphore, #tpu.memory_space<semaphore_mem>>)
        %dma_wait3A_17 = tpu.memref_slice %arg4[%mul3A_4] : memref<128xi32, #tpu.memory_space<hbm>> -> memref<16xi32, #tpu.memory_space<hbm>>
        %dma_wait3A_18 = tpu.memref_slice %arg4[%mul3A_4] : memref<128xi32, #tpu.memory_space<hbm>> -> memref<16xi32, #tpu.memory_space<hbm>>
        tpu.wait_dma2 semaphore(%run_scoped3A : memref<!tpu.dma_semaphore, #tpu.memory_space<semaphore_mem>>) src(%dma_wait3A_18 : memref<16xi32, #tpu.memory_space<hbm>>) dst(%arg7 : memref<16xi32, #tpu.memory_space<vmem>>)
        tpu.yield
      }) : () -> ()
      %dma_start3A = arith.constant 0 : i32
      %dma_start3A_5 = arith.constant 0 : i32
      %dma_start3A_6 = tpu.memref_slice %arg2[%dma_start3A, %dma_start3A_5] : memref<65536x128xf32, #tpu.memory_space<hbm>> -> memref<65536x128xf32, #tpu.memory_space<hbm>>
      tpu.enqueue_indirect_dma source(%dma_start3A_6 : memref<65536x128xf32, #tpu.memory_space<hbm>>) target(%arg8 : memref<16x128xf32, #tpu.memory_space<vmem>>) offsets(%arg7 : memref<16xi32, #tpu.memory_space<vmem>>) semaphore(%arg10 : memref<!tpu.dma_semaphore, #tpu.memory_space<semaphore_mem>>)
      %dma_wait3A = arith.constant 0 : i32
      %dma_wait3A_7 = arith.constant 0 : i32
      %dma_wait3A_8 = tpu.memref_slice %arg2[%dma_wait3A, %dma_wait3A_7] : memref<65536x128xf32, #tpu.memory_space<hbm>> -> memref<65536x128xf32, #tpu.memory_space<hbm>>
      tpu.wait_indirect_dma semaphore(%arg10 : memref<!tpu.dma_semaphore, #tpu.memory_space<semaphore_mem>>) src(%dma_wait3A_8 : memref<65536x128xf32, #tpu.memory_space<hbm>>) dst(%arg8 : memref<16x128xf32, #tpu.memory_space<vmem>>)
      %dma_start3A_9 = arith.constant 0 : i32
      %dma_start3A_10 = arith.constant 0 : i32
      %dma_start3A_11 = tpu.memref_slice %arg3[%dma_start3A_9, %dma_start3A_10] : memref<65536x128xf32, #tpu.memory_space<hbm>> -> memref<65536x128xf32, #tpu.memory_space<hbm>>
      tpu.enqueue_indirect_dma source(%dma_start3A_11 : memref<65536x128xf32, #tpu.memory_space<hbm>>) target(%arg9 : memref<16x128xf32, #tpu.memory_space<vmem>>) offsets(%arg7 : memref<16xi32, #tpu.memory_space<vmem>>) semaphore(%arg10 : memref<!tpu.dma_semaphore, #tpu.memory_space<semaphore_mem>>)
      %dma_wait3A_12 = arith.constant 0 : i32
      %dma_wait3A_13 = arith.constant 0 : i32
      %dma_wait3A_14 = tpu.memref_slice %arg3[%dma_wait3A_12, %dma_wait3A_13] : memref<65536x128xf32, #tpu.memory_space<hbm>> -> memref<65536x128xf32, #tpu.memory_space<hbm>>
      tpu.wait_indirect_dma semaphore(%arg10 : memref<!tpu.dma_semaphore, #tpu.memory_space<semaphore_mem>>) src(%dma_wait3A_14 : memref<65536x128xf32, #tpu.memory_space<hbm>>) dst(%arg9 : memref<16x128xf32, #tpu.memory_space<vmem>>)
      "tpu.region"() ({
        %run_scoped3A = tpu.sem_alloc : memref<!tpu.dma_semaphore, #tpu.memory_space<semaphore_mem>>
        %dma_start3A_15 = arith.constant 0 : i32
        %dma_start3A_16 = tpu.memref_slice %arg5[%mul3A_4, %dma_start3A_15] : memref<128x128xf32, #tpu.memory_space<hbm>> -> memref<16x128xf32, #tpu.memory_space<hbm>>
        %dma_start3A_17 = arith.constant 0 : i32
        %dma_start3A_18 = tpu.memref_slice %arg5[%mul3A_4, %dma_start3A_17] : memref<128x128xf32, #tpu.memory_space<hbm>> -> memref<16x128xf32, #tpu.memory_space<hbm>>
        tpu.enqueue_dma source(%arg8 : memref<16x128xf32, #tpu.memory_space<vmem>>) target(%dma_start3A_18 : memref<16x128xf32, #tpu.memory_space<hbm>>) target_semaphore(%run_scoped3A : memref<!tpu.dma_semaphore, #tpu.memory_space<semaphore_mem>>)
        %dma_wait3A_19 = arith.constant 0 : i32
        %dma_wait3A_20 = tpu.memref_slice %arg5[%mul3A_4, %dma_wait3A_19] : memref<128x128xf32, #tpu.memory_space<hbm>> -> memref<16x128xf32, #tpu.memory_space<hbm>>
        %dma_wait3A_21 = arith.constant 0 : i32
        %dma_wait3A_22 = tpu.memref_slice %arg5[%mul3A_4, %dma_wait3A_21] : memref<128x128xf32, #tpu.memory_space<hbm>> -> memref<16x128xf32, #tpu.memory_space<hbm>>
        tpu.wait_dma2 semaphore(%run_scoped3A : memref<!tpu.dma_semaphore, #tpu.memory_space<semaphore_mem>>) src(%arg8 : memref<16x128xf32, #tpu.memory_space<vmem>>) dst(%dma_wait3A_22 : memref<16x128xf32, #tpu.memory_space<hbm>>)
        tpu.yield
      }) : () -> ()
      "tpu.region"() ({
        %run_scoped3A = tpu.sem_alloc : memref<!tpu.dma_semaphore, #tpu.memory_space<semaphore_mem>>
        %dma_start3A_15 = arith.constant 0 : i32
        %dma_start3A_16 = tpu.memref_slice %arg6[%mul3A_4, %dma_start3A_15] : memref<128x128xf32, #tpu.memory_space<hbm>> -> memref<16x128xf32, #tpu.memory_space<hbm>>
        %dma_start3A_17 = arith.constant 0 : i32
        %dma_start3A_18 = tpu.memref_slice %arg6[%mul3A_4, %dma_start3A_17] : memref<128x128xf32, #tpu.memory_space<hbm>> -> memref<16x128xf32, #tpu.memory_space<hbm>>
        tpu.enqueue_dma source(%arg9 : memref<16x128xf32, #tpu.memory_space<vmem>>) target(%dma_start3A_18 : memref<16x128xf32, #tpu.memory_space<hbm>>) target_semaphore(%run_scoped3A : memref<!tpu.dma_semaphore, #tpu.memory_space<semaphore_mem>>)
        %dma_wait3A_19 = arith.constant 0 : i32
        %dma_wait3A_20 = tpu.memref_slice %arg6[%mul3A_4, %dma_wait3A_19] : memref<128x128xf32, #tpu.memory_space<hbm>> -> memref<16x128xf32, #tpu.memory_space<hbm>>
        %dma_wait3A_21 = arith.constant 0 : i32
        %dma_wait3A_22 = tpu.memref_slice %arg6[%mul3A_4, %dma_wait3A_21] : memref<128x128xf32, #tpu.memory_space<hbm>> -> memref<16x128xf32, #tpu.memory_space<hbm>>
        tpu.wait_dma2 semaphore(%run_scoped3A : memref<!tpu.dma_semaphore, #tpu.memory_space<semaphore_mem>>) src(%arg9 : memref<16x128xf32, #tpu.memory_space<vmem>>) dst(%dma_wait3A_22 : memref<16x128xf32, #tpu.memory_space<hbm>>)
        tpu.yield
      }) : () -> ()
    } else {
    }
    return
  }
}

module attributes {stable_mosaic.version = 14 : i64} {
  func.func @_prep_body(%arg0: memref<128x128xf32, #tpu.memory_space<vmem>>, %arg1: memref<128x512xf32, #tpu.memory_space<vmem>>, %arg2: memref<1x512xf32, #tpu.memory_space<vmem>>, %arg3: memref<128x512xf32, #tpu.memory_space<vmem>>, %arg4: memref<1x512xf32, #tpu.memory_space<vmem>>, %arg5: memref<128x128xf32, #tpu.memory_space<vmem>>, %arg6: memref<128x256xf32, #tpu.memory_space<vmem>>, %arg7: memref<1x256xf32, #tpu.memory_space<vmem>>, %arg8: memref<128x256xf32, #tpu.memory_space<vmem>>, %arg9: memref<1x256xf32, #tpu.memory_space<vmem>>, %arg10: memref<128x512xbf16, #tpu.memory_space<vmem>>, %arg11: memref<128x512xbf16, #tpu.memory_space<vmem>>, %arg12: memref<128x512xbf16, #tpu.memory_space<vmem>>, %arg13: memref<128x512xbf16, #tpu.memory_space<vmem>>, %arg14: memref<128x512xbf16, #tpu.memory_space<vmem>>, %arg15: memref<128x512xbf16, #tpu.memory_space<vmem>>, %arg16: memref<128x256xf32, #tpu.memory_space<vmem>>, %arg17: memref<128x256xf32, #tpu.memory_space<vmem>>) attributes {dimension_semantics = [], scalar_prefetch = 0 : i64, scratch_operands = 0 : i64, tpu.core_type = #tpu.core_type<tc>} {
    %get3A = arith.constant 0 : index
    %get3A_0 = arith.constant 0 : index
    %get3A_1 = vector.load %arg0[%get3A, %get3A_0] : memref<128x128xf32, #tpu.memory_space<vmem>>, vector<128x128xf32>
    %get3A_2 = arith.constant 0 : index
    %get3A_3 = arith.constant 0 : index
    %get3A_4 = vector.load %arg1[%get3A_2, %get3A_3] : memref<128x512xf32, #tpu.memory_space<vmem>>, vector<128x512xf32>
    %dot_general3A = arith.constant dense<0.000000e+00> : vector<128x512xf32>
    %dot_general3A_5 = tpu.matmul %get3A_1, %get3A_4, %dot_general3A {dimension_numbers = #tpu.dot_dimension_numbers<[1], [0], [0], [1], [0, 0, 1, 1], [], []>, transpose_lhs_hint = false} : vector<128x128xf32>, vector<128x512xf32>, vector<128x512xf32> -> vector<128x512xf32>
    %get3A_6 = arith.constant 0 : index
    %get3A_7 = arith.constant 0 : index
    %get3A_8 = vector.load %arg2[%get3A_6, %get3A_7] : memref<1x512xf32, #tpu.memory_space<vmem>>, vector<1x512xf32>
    %add3A = vector.broadcast %get3A_8 : vector<1x512xf32> to vector<128x512xf32>
    %add3A_9 = arith.addf %dot_general3A_5, %add3A : vector<128x512xf32>
    %get3A_10 = arith.constant 0 : index
    %get3A_11 = arith.constant 0 : index
    %get3A_12 = vector.load %arg3[%get3A_10, %get3A_11] : memref<128x512xf32, #tpu.memory_space<vmem>>, vector<128x512xf32>
    %dot_general3A_13 = arith.constant dense<0.000000e+00> : vector<128x512xf32>
    %dot_general3A_14 = tpu.matmul %get3A_1, %get3A_12, %dot_general3A_13 {dimension_numbers = #tpu.dot_dimension_numbers<[1], [0], [0], [1], [0, 0, 1, 1], [], []>, transpose_lhs_hint = false} : vector<128x128xf32>, vector<128x512xf32>, vector<128x512xf32> -> vector<128x512xf32>
    %get3A_15 = arith.constant 0 : index
    %get3A_16 = arith.constant 0 : index
    %get3A_17 = vector.load %arg4[%get3A_15, %get3A_16] : memref<1x512xf32, #tpu.memory_space<vmem>>, vector<1x512xf32>
    %add3A_18 = vector.broadcast %get3A_17 : vector<1x512xf32> to vector<128x512xf32>
    %add3A_19 = arith.addf %dot_general3A_14, %add3A_18 : vector<128x512xf32>
    %convert_element_type3A = arith.truncf %add3A_9 : vector<128x512xf32> to vector<128x512xbf16>
    %convert_element_type3A_20 = arith.extf %convert_element_type3A : vector<128x512xbf16> to vector<128x512xf32>
    %sub3A = arith.subf %add3A_9, %convert_element_type3A_20 : vector<128x512xf32>
    %convert_element_type3A_21 = arith.truncf %sub3A : vector<128x512xf32> to vector<128x512xbf16>
    %convert_element_type3A_22 = arith.extf %convert_element_type3A_21 : vector<128x512xbf16> to vector<128x512xf32>
    %sub3A_23 = arith.subf %sub3A, %convert_element_type3A_22 : vector<128x512xf32>
    %convert_element_type3A_24 = arith.truncf %sub3A_23 : vector<128x512xf32> to vector<128x512xbf16>
    %swap3A = arith.constant 0 : index
    %swap3A_25 = arith.constant 0 : index
    %swap3A_26 = vector.load %arg10[%swap3A, %swap3A_25] : memref<128x512xbf16, #tpu.memory_space<vmem>>, vector<128x512xbf16>
    tpu.vector_store %arg10[%swap3A, %swap3A_25], %convert_element_type3A {strides = array<i32>} : memref<128x512xbf16, #tpu.memory_space<vmem>>, vector<128x512xbf16>,
    %swap3A_27 = arith.constant 0 : index
    %swap3A_28 = arith.constant 0 : index
    %swap3A_29 = vector.load %arg11[%swap3A_27, %swap3A_28] : memref<128x512xbf16, #tpu.memory_space<vmem>>, vector<128x512xbf16>
    tpu.vector_store %arg11[%swap3A_27, %swap3A_28], %convert_element_type3A_21 {strides = array<i32>} : memref<128x512xbf16, #tpu.memory_space<vmem>>, vector<128x512xbf16>,
    %swap3A_30 = arith.constant 0 : index
    %swap3A_31 = arith.constant 0 : index
    %swap3A_32 = vector.load %arg12[%swap3A_30, %swap3A_31] : memref<128x512xbf16, #tpu.memory_space<vmem>>, vector<128x512xbf16>
    tpu.vector_store %arg12[%swap3A_30, %swap3A_31], %convert_element_type3A_24 {strides = array<i32>} : memref<128x512xbf16, #tpu.memory_space<vmem>>, vector<128x512xbf16>,
    %convert_element_type3A_33 = arith.truncf %add3A_19 : vector<128x512xf32> to vector<128x512xbf16>
    %convert_element_type3A_34 = arith.extf %convert_element_type3A_33 : vector<128x512xbf16> to vector<128x512xf32>
    %sub3A_35 = arith.subf %add3A_19, %convert_element_type3A_34 : vector<128x512xf32>
    %convert_element_type3A_36 = arith.truncf %sub3A_35 : vector<128x512xf32> to vector<128x512xbf16>
    %convert_element_type3A_37 = arith.extf %convert_element_type3A_36 : vector<128x512xbf16> to vector<128x512xf32>
    %sub3A_38 = arith.subf %sub3A_35, %convert_element_type3A_37 : vector<128x512xf32>
    %convert_element_type3A_39 = arith.truncf %sub3A_38 : vector<128x512xf32> to vector<128x512xbf16>
    %swap3A_40 = arith.constant 0 : index
    %swap3A_41 = arith.constant 0 : index
    %swap3A_42 = vector.load %arg13[%swap3A_40, %swap3A_41] : memref<128x512xbf16, #tpu.memory_space<vmem>>, vector<128x512xbf16>
    tpu.vector_store %arg13[%swap3A_40, %swap3A_41], %convert_element_type3A_33 {strides = array<i32>} : memref<128x512xbf16, #tpu.memory_space<vmem>>, vector<128x512xbf16>,
    %swap3A_43 = arith.constant 0 : index
    %swap3A_44 = arith.constant 0 : index
    %swap3A_45 = vector.load %arg14[%swap3A_43, %swap3A_44] : memref<128x512xbf16, #tpu.memory_space<vmem>>, vector<128x512xbf16>
    tpu.vector_store %arg14[%swap3A_43, %swap3A_44], %convert_element_type3A_36 {strides = array<i32>} : memref<128x512xbf16, #tpu.memory_space<vmem>>, vector<128x512xbf16>,
    %swap3A_46 = arith.constant 0 : index
    %swap3A_47 = arith.constant 0 : index
    %swap3A_48 = vector.load %arg15[%swap3A_46, %swap3A_47] : memref<128x512xbf16, #tpu.memory_space<vmem>>, vector<128x512xbf16>
    tpu.vector_store %arg15[%swap3A_46, %swap3A_47], %convert_element_type3A_39 {strides = array<i32>} : memref<128x512xbf16, #tpu.memory_space<vmem>>, vector<128x512xbf16>,
    %get3A_49 = arith.constant 0 : index
    %get3A_50 = arith.constant 0 : index
    %get3A_51 = vector.load %arg5[%get3A_49, %get3A_50] : memref<128x128xf32, #tpu.memory_space<vmem>>, vector<128x128xf32>
    %get3A_52 = arith.constant 0 : index
    %get3A_53 = arith.constant 0 : index
    %get3A_54 = vector.load %arg6[%get3A_52, %get3A_53] : memref<128x256xf32, #tpu.memory_space<vmem>>, vector<128x256xf32>
    %dot_general3A_55 = arith.constant dense<0.000000e+00> : vector<128x256xf32>
    %dot_general3A_56 = tpu.matmul %get3A_51, %get3A_54, %dot_general3A_55 {dimension_numbers = #tpu.dot_dimension_numbers<[1], [0], [0], [1], [0, 0, 1, 1], [], []>, transpose_lhs_hint = false} : vector<128x128xf32>, vector<128x256xf32>, vector<128x256xf32> -> vector<128x256xf32>
    %get3A_57 = arith.constant 0 : index
    %get3A_58 = arith.constant 0 : index
    %get3A_59 = vector.load %arg7[%get3A_57, %get3A_58] : memref<1x256xf32, #tpu.memory_space<vmem>>, vector<1x256xf32>
    %add3A_60 = vector.broadcast %get3A_59 : vector<1x256xf32> to vector<128x256xf32>
    %add3A_61 = arith.addf %dot_general3A_56, %add3A_60 : vector<128x256xf32>
    %tanh3A = math.tanh %add3A_61 : vector<128x256xf32>
    %swap3A_62 = arith.constant 0 : index
    %swap3A_63 = arith.constant 0 : index
    %swap3A_64 = vector.load %arg16[%swap3A_62, %swap3A_63] : memref<128x256xf32, #tpu.memory_space<vmem>>, vector<128x256xf32>
    tpu.vector_store %arg16[%swap3A_62, %swap3A_63], %tanh3A {strides = array<i32>} : memref<128x256xf32, #tpu.memory_space<vmem>>, vector<128x256xf32>,
    %get3A_65 = arith.constant 0 : index
    %get3A_66 = arith.constant 0 : index
    %get3A_67 = vector.load %arg8[%get3A_65, %get3A_66] : memref<128x256xf32, #tpu.memory_space<vmem>>, vector<128x256xf32>
    %dot_general3A_68 = arith.constant dense<0.000000e+00> : vector<128x256xf32>
    %dot_general3A_69 = tpu.matmul %get3A_51, %get3A_67, %dot_general3A_68 {dimension_numbers = #tpu.dot_dimension_numbers<[1], [0], [0], [1], [0, 0, 1, 1], [], []>, transpose_lhs_hint = false} : vector<128x128xf32>, vector<128x256xf32>, vector<128x256xf32> -> vector<128x256xf32>
    %get3A_70 = arith.constant 0 : index
    %get3A_71 = arith.constant 0 : index
    %get3A_72 = vector.load %arg9[%get3A_70, %get3A_71] : memref<1x256xf32, #tpu.memory_space<vmem>>, vector<1x256xf32>
    %add3A_73 = vector.broadcast %get3A_72 : vector<1x256xf32> to vector<128x256xf32>
    %add3A_74 = arith.addf %dot_general3A_69, %add3A_73 : vector<128x256xf32>
    %tanh3A_75 = math.tanh %add3A_74 : vector<128x256xf32>
    %swap3A_76 = arith.constant 0 : index
    %swap3A_77 = arith.constant 0 : index
    %swap3A_78 = vector.load %arg17[%swap3A_76, %swap3A_77] : memref<128x256xf32, #tpu.memory_space<vmem>>, vector<128x256xf32>
    tpu.vector_store %arg17[%swap3A_76, %swap3A_77], %tanh3A_75 {strides = array<i32>} : memref<128x256xf32, #tpu.memory_space<vmem>>, vector<128x256xf32>,
    return
  }
}

module attributes {stable_mosaic.version = 14 : i64} {
  func.func @_heads_body(%arg0: i32, %arg1: memref<16x128x128xf32, #tpu.memory_space<vmem>>, %arg2: memref<16x128x128xf32, #tpu.memory_space<vmem>>, %arg3: memref<256x1024xf32, #tpu.memory_space<vmem>>, %arg4: memref<1x1024xf32, #tpu.memory_space<vmem>>, %arg5: memref<1024x4xf32, #tpu.memory_space<vmem>>, %arg6: memref<4x1xf32, #tpu.memory_space<vmem>>, %arg7: memref<512x128xi32, #tpu.memory_space<vmem>>, %arg8: memref<1x128xf32, #tpu.memory_space<vmem>>, %arg9: memref<1x128xi32, #tpu.memory_space<vmem>>, %arg10: memref<1x128xi32, #tpu.memory_space<vmem>>, %arg11: memref<4x512x128xf32, #tpu.memory_space<vmem>>) attributes {dimension_semantics = [#tpu.dimension_semantics<arbitrary>], iteration_bounds = array<i64: 32>, scalar_prefetch = 0 : i64, scratch_operands = 1 : i64, tpu.core_type = #tpu.core_type<tc>, window_params = [{transform_indices = @transform_0, window_bounds = array<i64: 16, 128, 128>}, {transform_indices = @transform_1, window_bounds = array<i64: 16, 128, 128>}, {pipeline_mode = #tpu.pipeline_mode<synchronous>, transform_indices = @transform_2, window_bounds = array<i64: 256, 1024>}, {pipeline_mode = #tpu.pipeline_mode<synchronous>, transform_indices = @transform_3, window_bounds = array<i64: 1, 1024>}, {pipeline_mode = #tpu.pipeline_mode<synchronous>, transform_indices = @transform_4, window_bounds = array<i64: 1024, 4>}, {pipeline_mode = #tpu.pipeline_mode<synchronous>, transform_indices = @transform_5, window_bounds = array<i64: 4, 1>}, {pipeline_mode = #tpu.pipeline_mode<synchronous>, transform_indices = @transform_6, window_bounds = array<i64: 512, 128>}, {pipeline_mode = #tpu.pipeline_mode<synchronous>, transform_indices = @transform_7, window_bounds = array<i64: 1, 128>}, {pipeline_mode = #tpu.pipeline_mode<synchronous>, transform_indices = @transform_8, window_bounds = array<i64: 1, 128>}, {pipeline_mode = #tpu.pipeline_mode<synchronous>, transform_indices = @transform_9, window_bounds = array<i64: 1, 128>}]} {
    %get3A = arith.constant 0 : index
    %get3A_0 = arith.constant 0 : index
    %get3A_1 = arith.constant 0 : index
    %get3A_2 = vector.load %arg1[%get3A, %get3A_0, %get3A_1] : memref<16x128x128xf32, #tpu.memory_space<vmem>>, vector<16x128x128xf32>
    %reshape3A = vector.shape_cast %get3A_2 : vector<16x128x128xf32> to vector<2048x128xf32>
    %get3A_3 = arith.constant 0 : index
    %get3A_4 = arith.constant 0 : index
    %get3A_5 = arith.constant 0 : index
    %get3A_6 = vector.load %arg2[%get3A_3, %get3A_4, %get3A_5] : memref<16x128x128xf32, #tpu.memory_space<vmem>>, vector<16x128x128xf32>
    %reshape3A_7 = vector.shape_cast %get3A_6 : vector<16x128x128xf32> to vector<2048x128xf32>
    %concatenate3A = tpu.concatenate %reshape3A, %reshape3A_7 in 1 : vector<2048x128xf32>, vector<2048x128xf32> -> vector<2048x256xf32>
    %get3A_8 = arith.constant 0 : index
    %get3A_9 = arith.constant 0 : index
    %get3A_10 = vector.load %arg3[%get3A_8, %get3A_9] : memref<256x1024xf32, #tpu.memory_space<vmem>>, vector<256x1024xf32>
    %dot_general3A = arith.constant dense<0.000000e+00> : vector<2048x1024xf32>
    %dot_general3A_11 = tpu.matmul %concatenate3A, %get3A_10, %dot_general3A {dimension_numbers = #tpu.dot_dimension_numbers<[1], [0], [0], [1], [0, 0, 1, 1], [], []>, transpose_lhs_hint = false} : vector<2048x256xf32>, vector<256x1024xf32>, vector<2048x1024xf32> -> vector<2048x1024xf32>
    %get3A_12 = arith.constant 0 : index
    %get3A_13 = arith.constant 0 : index
    %get3A_14 = vector.load %arg4[%get3A_12, %get3A_13] : memref<1x1024xf32, #tpu.memory_space<vmem>>, vector<1x1024xf32>
    %add3A = vector.broadcast %get3A_14 : vector<1x1024xf32> to vector<2048x1024xf32>
    %add3A_15 = arith.addf %dot_general3A_11, %add3A : vector<2048x1024xf32>
    %max3A = arith.constant 0.000000e+00 : f32
    %max3A_16 = vector.broadcast %max3A : f32 to vector<2048x1024xf32>
    %max3A_17 = arith.maximumf %add3A_15, %max3A_16 : vector<2048x1024xf32>
    %get3A_18 = arith.constant 0 : index
    %get3A_19 = arith.constant 0 : index
    %get3A_20 = vector.load %arg5[%get3A_18, %get3A_19] : memref<1024x4xf32, #tpu.memory_space<vmem>>, vector<1024x4xf32>
    %dot_general3A_21 = arith.constant dense<0.000000e+00> : vector<4x2048xf32>
    %dot_general3A_22 = tpu.matmul %get3A_20, %max3A_17, %dot_general3A_21 {dimension_numbers = #tpu.dot_dimension_numbers<[0], [1], [1], [0], [0, 1, 1, 0], [], []>, transpose_lhs_hint = false} : vector<1024x4xf32>, vector<2048x1024xf32>, vector<4x2048xf32> -> vector<4x2048xf32>
    %get3A_23 = arith.constant 0 : index
    %get3A_24 = arith.constant 0 : index
    %get3A_25 = vector.load %arg6[%get3A_23, %get3A_24] : memref<4x1xf32, #tpu.memory_space<vmem>>, vector<4x1xf32>
    %add3A_26 = vector.broadcast %get3A_25 : vector<4x1xf32> to vector<4x2048xf32>
    %add3A_27 = arith.addf %dot_general3A_22, %add3A_26 : vector<4x2048xf32>
    %reshape3A_28 = vector.shape_cast %add3A_27 : vector<4x2048xf32> to vector<4x16x128xf32>
    %mul3A = arith.constant 16 : i32
    %mul3A_29 = arith.muli %arg0, %mul3A : i32
    %swap3A = arith.constant 0 : index
    %swap3A_30 = arith.index_cast %mul3A_29 : i32 to index
    %swap3A_31 = arith.constant 0 : index
    %swap3A_32 = vector.load %arg11[%swap3A, %swap3A_30, %swap3A_31] : memref<4x512x128xf32, #tpu.memory_space<vmem>>, vector<4x16x128xf32>
    tpu.vector_store %arg11[%swap3A, %swap3A_30, %swap3A_31], %reshape3A_28 {strides = array<i32>} : memref<4x512x128xf32, #tpu.memory_space<vmem>>, vector<4x16x128xf32>,
    %eq3A = arith.constant 31 : i32
    %eq3A_33 = arith.cmpi eq, %arg0, %eq3A : i32
    %convert_element_type3A = arith.extui %eq3A_33 : i1 to i32
    %cond3A = arith.constant 0 : i32
    %cond3A_34 = arith.cmpi ne, %convert_element_type3A, %cond3A : i32
    scf.if %cond3A_34 {
      %get3A_35 = arith.constant 0 : index
      %get3A_36 = arith.constant 0 : index
      %get3A_37 = vector.load %arg7[%get3A_35, %get3A_36] : memref<512x128xi32, #tpu.memory_space<vmem>>, vector<512x128xi32>
      %get3A_38 = arith.constant 0 : index
      %get3A_39 = arith.constant 0 : index
      %get3A_40 = arith.constant 0 : index
      %get3A_41 = vector.load %arg11[%get3A_38, %get3A_39, %get3A_40] : memref<4x512x128xf32, #tpu.memory_space<vmem>>, vector<1x512x128xf32>
      %get3A_42 = vector.shape_cast %get3A_41 : vector<1x512x128xf32> to vector<512x128xf32>
      %get3A_43 = arith.constant 1 : index
      %get3A_44 = arith.constant 0 : index
      %get3A_45 = arith.constant 0 : index
      %get3A_46 = vector.load %arg11[%get3A_43, %get3A_44, %get3A_45] : memref<4x512x128xf32, #tpu.memory_space<vmem>>, vector<1x512x128xf32>
      %get3A_47 = vector.shape_cast %get3A_46 : vector<1x512x128xf32> to vector<512x128xf32>
      %get3A_48 = arith.constant 2 : index
      %get3A_49 = arith.constant 0 : index
      %get3A_50 = arith.constant 0 : index
      %get3A_51 = vector.load %arg11[%get3A_48, %get3A_49, %get3A_50] : memref<4x512x128xf32, #tpu.memory_space<vmem>>, vector<1x512x128xf32>
      %get3A_52 = vector.shape_cast %get3A_51 : vector<1x512x128xf32> to vector<512x128xf32>
      %get3A_53 = arith.constant 3 : index
      %get3A_54 = arith.constant 0 : index
      %get3A_55 = arith.constant 0 : index
      %get3A_56 = vector.load %arg11[%get3A_53, %get3A_54, %get3A_55] : memref<4x512x128xf32, #tpu.memory_space<vmem>>, vector<1x512x128xf32>
      %get3A_57 = vector.shape_cast %get3A_56 : vector<1x512x128xf32> to vector<512x128xf32>
      %eq3A_58 = arith.constant 2 : i32
      %eq3A_59 = vector.broadcast %eq3A_58 : i32 to vector<512x128xi32>
      %eq3A_60 = arith.cmpi eq, %get3A_37, %eq3A_59 : vector<512x128xi32>
      %eq3A_61 = arith.constant 3 : i32
      %eq3A_62 = vector.broadcast %eq3A_61 : i32 to vector<512x128xi32>
      %eq3A_63 = arith.cmpi eq, %get3A_37, %eq3A_62 : vector<512x128xi32>
      %or3A = arith.ori %eq3A_60, %eq3A_63 : vector<512x128xi1>
      %broadcast_in_dim3A = arith.constant 0.000000e+00 : f32
      %broadcast_in_dim3A_64 = vector.broadcast %broadcast_in_dim3A : f32 to vector<1x128xf32>
      %convert_element_type3A_65 = arith.extui %or3A : vector<512x128xi1> to vector<512x128xi32>
      %convert_element_type3A_66 = arith.sitofp %convert_element_type3A_65 : vector<512x128xi32> to vector<512x128xf32>
      %slice3A = vector.extract_strided_slice %convert_element_type3A_66 {offsets = [0, 0], sizes = [511, 128], strides = [1, 1]} : vector<512x128xf32> to vector<511x128xf32>
      %concatenate3A_67 = tpu.concatenate %broadcast_in_dim3A_64, %slice3A in 0 : vector<1x128xf32>, vector<511x128xf32> -> vector<512x128xf32>
      %ne3A = arith.constant 0.000000e+00 : f32
      %ne3A_68 = vector.broadcast %ne3A : f32 to vector<512x128xf32>
      %ne3A_69 = arith.cmpf one, %concatenate3A_67, %ne3A_68 : vector<512x128xf32>
      %slice3A_70 = vector.extract_strided_slice %get3A_47 {offsets = [0, 0], sizes = [511, 128], strides = [1, 1]} : vector<512x128xf32> to vector<511x128xf32>
      %concatenate3A_71 = tpu.concatenate %broadcast_in_dim3A_64, %slice3A_70 in 0 : vector<1x128xf32>, vector<511x128xf32> -> vector<512x128xf32>
      %broadcast_in_dim3A_72 = arith.constant -1.000000e+10 : f32
      %broadcast_in_dim3A_73 = vector.broadcast %broadcast_in_dim3A_72 : f32 to vector<512x128xf32>
      %select_n3A = arith.select %or3A, %get3A_42, %broadcast_in_dim3A_73 : vector<512x128xi1>, vector<512x128xf32>
      %select_n3A_74 = arith.select %ne3A_69, %concatenate3A_71, %select_n3A : vector<512x128xi1>, vector<512x128xf32>
      %eq3A_75 = arith.constant 1 : i32
      %eq3A_76 = vector.broadcast %eq3A_75 : i32 to vector<512x128xi32>
      %eq3A_77 = arith.cmpi eq, %get3A_37, %eq3A_76 : vector<512x128xi32>
      %select_n3A_78 = arith.select %eq3A_77, %get3A_52, %select_n3A_74 : vector<512x128xi1>, vector<512x128xf32>
      %eq3A_79 = arith.constant 4 : i32
      %eq3A_80 = vector.broadcast %eq3A_79 : i32 to vector<512x128xi32>
      %eq3A_81 = arith.cmpi eq, %get3A_37, %eq3A_80 : vector<512x128xi32>
      %select_n3A_82 = arith.select %eq3A_81, %get3A_57, %select_n3A_78 : vector<512x128xi1>, vector<512x128xf32>
      %reduce_max3A = arith.constant dense<0xFF800000> : vector<128xf32>
      %reduce_max3A_83 = vector.multi_reduction <maximumf>, %select_n3A_82, %reduce_max3A [0] : vector<512x128xf32> to vector<128xf32>
      %broadcast_in_dim3A_84 = vector.shape_cast %reduce_max3A_83 : vector<128xf32> to vector<1x128xf32>
      %sub3A = vector.broadcast %broadcast_in_dim3A_84 : vector<1x128xf32> to vector<512x128xf32>
      %sub3A_85 = arith.subf %select_n3A_82, %sub3A : vector<512x128xf32>
      %exp3A = math.exp %sub3A_85 : vector<512x128xf32>
      %reduce_sum3A = arith.constant dense<0.000000e+00> : vector<128xf32>
      %reduce_sum3A_86 = vector.multi_reduction <add>, %exp3A, %reduce_sum3A [0] : vector<512x128xf32> to vector<128xf32>
      %broadcast_in_dim3A_87 = vector.shape_cast %reduce_sum3A_86 : vector<128xf32> to vector<1x128xf32>
      %log3A = math.log %broadcast_in_dim3A_87 : vector<1x128xf32>
      %neg3A = arith.constant 0.000000e+00 : f32
      %neg3A_88 = vector.broadcast %neg3A : f32 to vector<1x128xf32>
      %neg3A_89 = arith.subf %neg3A_88, %log3A : vector<1x128xf32>
      %swap3A_90 = arith.constant 0 : index
      %swap3A_91 = arith.constant 0 : index
      %swap3A_92 = vector.load %arg8[%swap3A_90, %swap3A_91] : memref<1x128xf32, #tpu.memory_space<vmem>>, vector<1x128xf32>
      tpu.vector_store %arg8[%swap3A_90, %swap3A_91], %neg3A_89 {strides = array<i32>} : memref<1x128xf32, #tpu.memory_space<vmem>>, vector<1x128xf32>,
      %iota3A = tpu.iota {dimensions = array<i32: 0>} : vector<512x128xi32>
      %eq3A_93 = vector.broadcast %broadcast_in_dim3A_84 : vector<1x128xf32> to vector<512x128xf32>
      %eq3A_94 = arith.cmpf oeq, %select_n3A_82, %eq3A_93 : vector<512x128xf32>
      %jit3A = arith.constant 512 : i32
      %broadcast_in_dim3A_95 = vector.broadcast %jit3A : i32 to vector<512x128xi32>
      %select_n3A_96 = arith.select %eq3A_94, %iota3A, %broadcast_in_dim3A_95 : vector<512x128xi1>, vector<512x128xi32>
      %reduce_min3A = arith.constant dense<2147483647> : vector<128xi32>
      %reduce_min3A_97 = vector.multi_reduction <minsi>, %select_n3A_96, %reduce_min3A [0] : vector<512x128xi32> to vector<128xi32>
      %broadcast_in_dim3A_98 = vector.shape_cast %reduce_min3A_97 : vector<128xi32> to vector<1x128xi32>
      %swap3A_99 = arith.constant 0 : index
      %swap3A_100 = arith.constant 0 : index
      %swap3A_101 = vector.load %arg9[%swap3A_99, %swap3A_100] : memref<1x128xi32, #tpu.memory_space<vmem>>, vector<1x128xi32>
      tpu.vector_store %arg9[%swap3A_99, %swap3A_100], %broadcast_in_dim3A_98 {strides = array<i32>} : memref<1x128xi32, #tpu.memory_space<vmem>>, vector<1x128xi32>,
      %mul3A_102 = arith.constant 128 : i32
      %mul3A_103 = vector.broadcast %mul3A_102 : i32 to vector<1x128xi32>
      %mul3A_104 = arith.muli %broadcast_in_dim3A_98, %mul3A_103 : vector<1x128xi32>
      %iota3A_105 = tpu.iota {dimensions = array<i32: 1>} : vector<1x128xi32>
      %add3A_106 = arith.addi %mul3A_104, %iota3A_105 : vector<1x128xi32>
      %swap3A_107 = arith.constant 0 : index
      %swap3A_108 = arith.constant 0 : index
      %swap3A_109 = vector.load %arg10[%swap3A_107, %swap3A_108] : memref<1x128xi32, #tpu.memory_space<vmem>>, vector<1x128xi32>
      tpu.vector_store %arg10[%swap3A_107, %swap3A_108], %add3A_106 {strides = array<i32>} : memref<1x128xi32, #tpu.memory_space<vmem>>, vector<1x128xi32>,
    } else {
    }
    return
  }
  func.func @transform_0(%arg0: i32) -> (i32, i32, i32) {
    %c0_i32 = arith.constant 0 : i32
    %c0_i32_0 = arith.constant 0 : i32
    %c0_i32_1 = arith.constant 0 : i32
    return %arg0, %c0_i32, %c0_i32_0 : i32, i32, i32
  }
  func.func @transform_1(%arg0: i32) -> (i32, i32, i32) {
    %c0_i32 = arith.constant 0 : i32
    %c0_i32_0 = arith.constant 0 : i32
    %c0_i32_1 = arith.constant 0 : i32
    return %arg0, %c0_i32, %c0_i32_0 : i32, i32, i32
  }
  func.func @transform_2(%arg0: i32) -> (i32, i32) {
    %c0_i32 = arith.constant 0 : i32
    %c0_i32_0 = arith.constant 0 : i32
    %c0_i32_1 = arith.constant 0 : i32
    return %c0_i32, %c0_i32_0 : i32, i32
  }
  func.func @transform_3(%arg0: i32) -> (i32, i32) {
    %c0_i32 = arith.constant 0 : i32
    %c0_i32_0 = arith.constant 0 : i32
    %c0_i32_1 = arith.constant 0 : i32
    return %c0_i32, %c0_i32_0 : i32, i32
  }
  func.func @transform_4(%arg0: i32) -> (i32, i32) {
    %c0_i32 = arith.constant 0 : i32
    %c0_i32_0 = arith.constant 0 : i32
    %c0_i32_1 = arith.constant 0 : i32
    return %c0_i32, %c0_i32_0 : i32, i32
  }
  func.func @transform_5(%arg0: i32) -> (i32, i32) {
    %c0_i32 = arith.constant 0 : i32
    %c0_i32_0 = arith.constant 0 : i32
    %c0_i32_1 = arith.constant 0 : i32
    return %c0_i32, %c0_i32_0 : i32, i32
  }
  func.func @transform_6(%arg0: i32) -> (i32, i32) {
    %c0_i32 = arith.constant 0 : i32
    %c0_i32_0 = arith.constant 0 : i32
    %c0_i32_1 = arith.constant 0 : i32
    return %c0_i32, %c0_i32_0 : i32, i32
  }
  func.func @transform_7(%arg0: i32) -> (i32, i32) {
    %c0_i32 = arith.constant 0 : i32
    %c0_i32_0 = arith.constant 0 : i32
    %c0_i32_1 = arith.constant 0 : i32
    return %c0_i32, %c0_i32_0 : i32, i32
  }
  func.func @transform_8(%arg0: i32) -> (i32, i32) {
    %c0_i32 = arith.constant 0 : i32
    %c0_i32_0 = arith.constant 0 : i32
    %c0_i32_1 = arith.constant 0 : i32
    return %c0_i32, %c0_i32_0 : i32, i32
  }
  func.func @transform_9(%arg0: i32) -> (i32, i32) {
    %c0_i32 = arith.constant 0 : i32
    %c0_i32_0 = arith.constant 0 : i32
    %c0_i32_1 = arith.constant 0 : i32
    return %c0_i32, %c0_i32_0 : i32, i32
  }
}

module attributes {stable_mosaic.version = 14 : i64} {
  func.func @_scan_body(%arg0: i32, %arg1: memref<512x128xi32, #tpu.memory_space<vmem>>, %arg2: memref<128x512xbf16, #tpu.memory_space<vmem>>, %arg3: memref<128x512xbf16, #tpu.memory_space<vmem>>, %arg4: memref<128x512xbf16, #tpu.memory_space<vmem>>, %arg5: memref<128x512xf32, #tpu.memory_space<vmem>>, %arg6: memref<128x512xbf16, #tpu.memory_space<vmem>>, %arg7: memref<128x512xbf16, #tpu.memory_space<vmem>>, %arg8: memref<128x512xbf16, #tpu.memory_space<vmem>>, %arg9: memref<128x512xf32, #tpu.memory_space<vmem>>, %arg10: memref<128x256xf32, #tpu.memory_space<vmem>>, %arg11: memref<128x256xf32, #tpu.memory_space<vmem>>, %arg12: memref<8x128x128xf32, #tpu.memory_space<vmem>>, %arg13: memref<8x128x128xf32, #tpu.memory_space<vmem>>, %arg14: memref<128x128xf32, #tpu.memory_space<vmem>>, %arg15: memref<128x128xf32, #tpu.memory_space<vmem>>, %arg16: memref<128x128xf32, #tpu.memory_space<vmem>>, %arg17: memref<128x128xf32, #tpu.memory_space<vmem>>, %arg18: memref<1024x512xf32, #tpu.memory_space<vmem>>, %arg19: memref<1024x512xf32, #tpu.memory_space<vmem>>, %arg20: memref<1024x512xf32, #tpu.memory_space<vmem>>, %arg21: memref<1024x512xf32, #tpu.memory_space<vmem>>) attributes {dimension_semantics = [#tpu.dimension_semantics<arbitrary>], iteration_bounds = array<i64: 64>, scalar_prefetch = 0 : i64, scratch_operands = 8 : i64, tpu.core_type = #tpu.core_type<tc>, window_params = [{pipeline_mode = #tpu.pipeline_mode<synchronous>, transform_indices = @transform_0, window_bounds = array<i64: 512, 128>}, {pipeline_mode = #tpu.pipeline_mode<synchronous>, transform_indices = @transform_1, window_bounds = array<i64: 128, 512>}, {pipeline_mode = #tpu.pipeline_mode<synchronous>, transform_indices = @transform_2, window_bounds = array<i64: 128, 512>}, {pipeline_mode = #tpu.pipeline_mode<synchronous>, transform_indices = @transform_3, window_bounds = array<i64: 128, 512>}, {pipeline_mode = #tpu.pipeline_mode<synchronous>, transform_indices = @transform_4, window_bounds = array<i64: 128, 512>}, {pipeline_mode = #tpu.pipeline_mode<synchronous>, transform_indices = @transform_5, window_bounds = array<i64: 128, 512>}, {pipeline_mode = #tpu.pipeline_mode<synchronous>, transform_indices = @transform_6, window_bounds = array<i64: 128, 512>}, {pipeline_mode = #tpu.pipeline_mode<synchronous>, transform_indices = @transform_7, window_bounds = array<i64: 128, 512>}, {pipeline_mode = #tpu.pipeline_mode<synchronous>, transform_indices = @transform_8, window_bounds = array<i64: 128, 512>}, {pipeline_mode = #tpu.pipeline_mode<synchronous>, transform_indices = @transform_9, window_bounds = array<i64: 128, 256>}, {pipeline_mode = #tpu.pipeline_mode<synchronous>, transform_indices = @transform_10, window_bounds = array<i64: 128, 256>}, {transform_indices = @transform_11, window_bounds = array<i64: 8, 128, 128>}, {transform_indices = @transform_12, window_bounds = array<i64: 8, 128, 128>}]} {
    %eq3A = arith.constant 0 : i32
    %eq3A_0 = arith.cmpi eq, %arg0, %eq3A : i32
    %convert_element_type3A = arith.extui %eq3A_0 : i1 to i32
    %cond3A = arith.constant 0 : i32
    %cond3A_1 = arith.cmpi ne, %convert_element_type3A, %cond3A : i32
    scf.if %cond3A_1 {
      %get3A = arith.constant 0 : index
      %get3A_13 = arith.constant 0 : index
      %get3A_14 = vector.load %arg10[%get3A, %get3A_13] : memref<128x256xf32, #tpu.memory_space<vmem>>, vector<128x128xf32>
      %swap3A = arith.constant 0 : index
      %swap3A_15 = arith.constant 0 : index
      %swap3A_16 = vector.load %arg14[%swap3A, %swap3A_15] : memref<128x128xf32, #tpu.memory_space<vmem>>, vector<128x128xf32>
      tpu.vector_store %arg14[%swap3A, %swap3A_15], %get3A_14 {strides = array<i32>} : memref<128x128xf32, #tpu.memory_space<vmem>>, vector<128x128xf32>,
      %get3A_17 = arith.constant 0 : index
      %get3A_18 = arith.constant 128 : index
      %get3A_19 = vector.load %arg10[%get3A_17, %get3A_18] : memref<128x256xf32, #tpu.memory_space<vmem>>, vector<128x128xf32>
      %swap3A_20 = arith.constant 0 : index
      %swap3A_21 = arith.constant 0 : index
      %swap3A_22 = vector.load %arg15[%swap3A_20, %swap3A_21] : memref<128x128xf32, #tpu.memory_space<vmem>>, vector<128x128xf32>
      tpu.vector_store %arg15[%swap3A_20, %swap3A_21], %get3A_19 {strides = array<i32>} : memref<128x128xf32, #tpu.memory_space<vmem>>, vector<128x128xf32>,
      %get3A_23 = arith.constant 0 : index
      %get3A_24 = arith.constant 0 : index
      %get3A_25 = vector.load %arg11[%get3A_23, %get3A_24] : memref<128x256xf32, #tpu.memory_space<vmem>>, vector<128x128xf32>
      %swap3A_26 = arith.constant 0 : index
      %swap3A_27 = arith.constant 0 : index
      %swap3A_28 = vector.load %arg16[%swap3A_26, %swap3A_27] : memref<128x128xf32, #tpu.memory_space<vmem>>, vector<128x128xf32>
      tpu.vector_store %arg16[%swap3A_26, %swap3A_27], %get3A_25 {strides = array<i32>} : memref<128x128xf32, #tpu.memory_space<vmem>>, vector<128x128xf32>,
      %get3A_29 = arith.constant 0 : index
      %get3A_30 = arith.constant 128 : index
      %get3A_31 = vector.load %arg11[%get3A_29, %get3A_30] : memref<128x256xf32, #tpu.memory_space<vmem>>, vector<128x128xf32>
      %swap3A_32 = arith.constant 0 : index
      %swap3A_33 = arith.constant 0 : index
      %swap3A_34 = vector.load %arg17[%swap3A_32, %swap3A_33] : memref<128x128xf32, #tpu.memory_space<vmem>>, vector<128x128xf32>
      tpu.vector_store %arg17[%swap3A_32, %swap3A_33], %get3A_31 {strides = array<i32>} : memref<128x128xf32, #tpu.memory_space<vmem>>, vector<128x128xf32>,
      %get3A_35 = arith.constant 0 : index
      %get3A_36 = arith.constant 0 : index
      %get3A_37 = vector.load %arg1[%get3A_35, %get3A_36] : memref<512x128xi32, #tpu.memory_space<vmem>>, vector<8x128xi32>
      %reshape3A = vector.shape_cast %get3A_37 : vector<8x128xi32> to vector<1x1024xi32>
      %iota3A = tpu.iota {dimensions = array<i32: 0>} : vector<128x1024xi32>
      %eq3A_38 = vector.broadcast %reshape3A : vector<1x1024xi32> to vector<128x1024xi32>
      %eq3A_39 = arith.cmpi eq, %iota3A, %eq3A_38 : vector<128x1024xi32>
      %convert_element_type3A_40 = arith.extui %eq3A_39 : vector<128x1024xi1> to vector<128x1024xi32>
      %convert_element_type3A_41 = arith.sitofp %convert_element_type3A_40 : vector<128x1024xi32> to vector<128x1024xf32>
      %convert_element_type3A_42 = arith.truncf %convert_element_type3A_41 : vector<128x1024xf32> to vector<128x1024xbf16>
      %get3A_43 = arith.constant 0 : index
      %get3A_44 = arith.constant 0 : index
      %get3A_45 = vector.load %arg2[%get3A_43, %get3A_44] : memref<128x512xbf16, #tpu.memory_space<vmem>>, vector<128x512xbf16>
      %dot_general3A = arith.constant dense<0.000000e+00> : vector<1024x512xf32>
      %dot_general3A_46 = tpu.matmul %convert_element_type3A_42, %get3A_45, %dot_general3A {dimension_numbers = #tpu.dot_dimension_numbers<[0], [0], [1], [1], [0, 1, 1, 1], [], []>, transpose_lhs_hint = false} : vector<128x1024xbf16>, vector<128x512xbf16>, vector<1024x512xf32> -> vector<1024x512xf32>
      %get3A_47 = arith.constant 0 : index
      %get3A_48 = arith.constant 0 : index
      %get3A_49 = vector.load %arg3[%get3A_47, %get3A_48] : memref<128x512xbf16, #tpu.memory_space<vmem>>, vector<128x512xbf16>
      %dot_general3A_50 = arith.constant dense<0.000000e+00> : vector<1024x512xf32>
      %dot_general3A_51 = tpu.matmul %convert_element_type3A_42, %get3A_49, %dot_general3A_50 {dimension_numbers = #tpu.dot_dimension_numbers<[0], [0], [1], [1], [0, 1, 1, 1], [], []>, transpose_lhs_hint = false} : vector<128x1024xbf16>, vector<128x512xbf16>, vector<1024x512xf32> -> vector<1024x512xf32>
      %add3A = arith.addf %dot_general3A_46, %dot_general3A_51 : vector<1024x512xf32>
      %get3A_52 = arith.constant 0 : index
      %get3A_53 = arith.constant 0 : index
      %get3A_54 = vector.load %arg4[%get3A_52, %get3A_53] : memref<128x512xbf16, #tpu.memory_space<vmem>>, vector<128x512xbf16>
      %dot_general3A_55 = arith.constant dense<0.000000e+00> : vector<1024x512xf32>
      %dot_general3A_56 = tpu.matmul %convert_element_type3A_42, %get3A_54, %dot_general3A_55 {dimension_numbers = #tpu.dot_dimension_numbers<[0], [0], [1], [1], [0, 1, 1, 1], [], []>, transpose_lhs_hint = false} : vector<128x1024xbf16>, vector<128x512xbf16>, vector<1024x512xf32> -> vector<1024x512xf32>
      %add3A_57 = arith.addf %add3A, %dot_general3A_56 : vector<1024x512xf32>
      %swap3A_58 = arith.constant 0 : index
      %swap3A_59 = arith.constant 0 : index
      %swap3A_60 = vector.load %arg18[%swap3A_58, %swap3A_59] : memref<1024x512xf32, #tpu.memory_space<vmem>>, vector<1024x512xf32>
      tpu.vector_store %arg18[%swap3A_58, %swap3A_59], %add3A_57 {strides = array<i32>} : memref<1024x512xf32, #tpu.memory_space<vmem>>, vector<1024x512xf32>,
      %get3A_61 = arith.constant 504 : index
      %get3A_62 = arith.constant 0 : index
      %get3A_63 = vector.load %arg1[%get3A_61, %get3A_62] : memref<512x128xi32, #tpu.memory_space<vmem>>, vector<8x128xi32>
      %reshape3A_64 = vector.shape_cast %get3A_63 : vector<8x128xi32> to vector<1x1024xi32>
      %iota3A_65 = tpu.iota {dimensions = array<i32: 0>} : vector<128x1024xi32>
      %eq3A_66 = vector.broadcast %reshape3A_64 : vector<1x1024xi32> to vector<128x1024xi32>
      %eq3A_67 = arith.cmpi eq, %iota3A_65, %eq3A_66 : vector<128x1024xi32>
      %convert_element_type3A_68 = arith.extui %eq3A_67 : vector<128x1024xi1> to vector<128x1024xi32>
      %convert_element_type3A_69 = arith.sitofp %convert_element_type3A_68 : vector<128x1024xi32> to vector<128x1024xf32>
      %convert_element_type3A_70 = arith.truncf %convert_element_type3A_69 : vector<128x1024xf32> to vector<128x1024xbf16>
      %get3A_71 = arith.constant 0 : index
      %get3A_72 = arith.constant 0 : index
      %get3A_73 = vector.load %arg6[%get3A_71, %get3A_72] : memref<128x512xbf16, #tpu.memory_space<vmem>>, vector<128x512xbf16>
      %dot_general3A_74 = arith.constant dense<0.000000e+00> : vector<1024x512xf32>
      %dot_general3A_75 = tpu.matmul %convert_element_type3A_70, %get3A_73, %dot_general3A_74 {dimension_numbers = #tpu.dot_dimension_numbers<[0], [0], [1], [1], [0, 1, 1, 1], [], []>, transpose_lhs_hint = false} : vector<128x1024xbf16>, vector<128x512xbf16>, vector<1024x512xf32> -> vector<1024x512xf32>
      %get3A_76 = arith.constant 0 : index
      %get3A_77 = arith.constant 0 : index
      %get3A_78 = vector.load %arg7[%get3A_76, %get3A_77] : memref<128x512xbf16, #tpu.memory_space<vmem>>, vector<128x512xbf16>
      %dot_general3A_79 = arith.constant dense<0.000000e+00> : vector<1024x512xf32>
      %dot_general3A_80 = tpu.matmul %convert_element_type3A_70, %get3A_78, %dot_general3A_79 {dimension_numbers = #tpu.dot_dimension_numbers<[0], [0], [1], [1], [0, 1, 1, 1], [], []>, transpose_lhs_hint = false} : vector<128x1024xbf16>, vector<128x512xbf16>, vector<1024x512xf32> -> vector<1024x512xf32>
      %add3A_81 = arith.addf %dot_general3A_75, %dot_general3A_80 : vector<1024x512xf32>
      %get3A_82 = arith.constant 0 : index
      %get3A_83 = arith.constant 0 : index
      %get3A_84 = vector.load %arg8[%get3A_82, %get3A_83] : memref<128x512xbf16, #tpu.memory_space<vmem>>, vector<128x512xbf16>
      %dot_general3A_85 = arith.constant dense<0.000000e+00> : vector<1024x512xf32>
      %dot_general3A_86 = tpu.matmul %convert_element_type3A_70, %get3A_84, %dot_general3A_85 {dimension_numbers = #tpu.dot_dimension_numbers<[0], [0], [1], [1], [0, 1, 1, 1], [], []>, transpose_lhs_hint = false} : vector<128x1024xbf16>, vector<128x512xbf16>, vector<1024x512xf32> -> vector<1024x512xf32>
      %add3A_87 = arith.addf %add3A_81, %dot_general3A_86 : vector<1024x512xf32>
      %swap3A_88 = arith.constant 0 : index
      %swap3A_89 = arith.constant 0 : index
      %swap3A_90 = vector.load %arg19[%swap3A_88, %swap3A_89] : memref<1024x512xf32, #tpu.memory_space<vmem>>, vector<1024x512xf32>
      tpu.vector_store %arg19[%swap3A_88, %swap3A_89], %add3A_87 {strides = array<i32>} : memref<1024x512xf32, #tpu.memory_space<vmem>>, vector<1024x512xf32>,
    } else {
    }
    %rem3A = arith.constant 2 : i32
    %rem3A_2 = arith.remsi %arg0, %rem3A : i32
    %eq3A_3 = arith.constant 0 : i32
    %eq3A_4 = arith.cmpi eq, %rem3A_2, %eq3A_3 : i32
    %convert_element_type3A_5 = arith.extui %eq3A_4 : i1 to i32
    %cond3A_6 = arith.constant 0 : i32
    %cond3A_7 = arith.cmpi ne, %convert_element_type3A_5, %cond3A_6 : i32
    scf.if %cond3A_7 {
      %add3A = arith.constant 1 : i32
      %add3A_13 = arith.addi %arg0, %add3A : i32
      %min3A = arith.constant 63 : i32
      %min3A_14 = arith.minsi %add3A_13, %min3A : i32
      %mul3A = arith.constant 8 : i32
      %mul3A_15 = arith.muli %min3A_14, %mul3A : i32
      %get3A = arith.index_cast %mul3A_15 : i32 to index
      %get3A_16 = arith.constant 0 : index
      %get3A_17 = vector.load %arg1[%get3A, %get3A_16] : memref<512x128xi32, #tpu.memory_space<vmem>>, vector<8x128xi32>
      %reshape3A = vector.shape_cast %get3A_17 : vector<8x128xi32> to vector<1x1024xi32>
      %iota3A = tpu.iota {dimensions = array<i32: 0>} : vector<128x1024xi32>
      %eq3A_18 = vector.broadcast %reshape3A : vector<1x1024xi32> to vector<128x1024xi32>
      %eq3A_19 = arith.cmpi eq, %iota3A, %eq3A_18 : vector<128x1024xi32>
      %convert_element_type3A_20 = arith.extui %eq3A_19 : vector<128x1024xi1> to vector<128x1024xi32>
      %convert_element_type3A_21 = arith.sitofp %convert_element_type3A_20 : vector<128x1024xi32> to vector<128x1024xf32>
      %convert_element_type3A_22 = arith.truncf %convert_element_type3A_21 : vector<128x1024xf32> to vector<128x1024xbf16>
      %get3A_23 = arith.constant 0 : index
      %get3A_24 = arith.constant 0 : index
      %get3A_25 = vector.load %arg2[%get3A_23, %get3A_24] : memref<128x512xbf16, #tpu.memory_space<vmem>>, vector<128x512xbf16>
      %dot_general3A = arith.constant dense<0.000000e+00> : vector<1024x512xf32>
      %dot_general3A_26 = tpu.matmul %convert_element_type3A_22, %get3A_25, %dot_general3A {dimension_numbers = #tpu.dot_dimension_numbers<[0], [0], [1], [1], [0, 1, 1, 1], [], []>, transpose_lhs_hint = false} : vector<128x1024xbf16>, vector<128x512xbf16>, vector<1024x512xf32> -> vector<1024x512xf32>
      %get3A_27 = arith.constant 0 : index
      %get3A_28 = arith.constant 0 : index
      %get3A_29 = vector.load %arg3[%get3A_27, %get3A_28] : memref<128x512xbf16, #tpu.memory_space<vmem>>, vector<128x512xbf16>
      %dot_general3A_30 = arith.constant dense<0.000000e+00> : vector<1024x512xf32>
      %dot_general3A_31 = tpu.matmul %convert_element_type3A_22, %get3A_29, %dot_general3A_30 {dimension_numbers = #tpu.dot_dimension_numbers<[0], [0], [1], [1], [0, 1, 1, 1], [], []>, transpose_lhs_hint = false} : vector<128x1024xbf16>, vector<128x512xbf16>, vector<1024x512xf32> -> vector<1024x512xf32>
      %add3A_32 = arith.addf %dot_general3A_26, %dot_general3A_31 : vector<1024x512xf32>
      %get3A_33 = arith.constant 0 : index
      %get3A_34 = arith.constant 0 : index
      %get3A_35 = vector.load %arg4[%get3A_33, %get3A_34] : memref<128x512xbf16, #tpu.memory_space<vmem>>, vector<128x512xbf16>
      %dot_general3A_36 = arith.constant dense<0.000000e+00> : vector<1024x512xf32>
      %dot_general3A_37 = tpu.matmul %convert_element_type3A_22, %get3A_35, %dot_general3A_36 {dimension_numbers = #tpu.dot_dimension_numbers<[0], [0], [1], [1], [0, 1, 1, 1], [], []>, transpose_lhs_hint = false} : vector<128x1024xbf16>, vector<128x512xbf16>, vector<1024x512xf32> -> vector<1024x512xf32>
      %add3A_38 = arith.addf %add3A_32, %dot_general3A_37 : vector<1024x512xf32>
      %swap3A = arith.constant 0 : index
      %swap3A_39 = arith.constant 0 : index
      %swap3A_40 = vector.load %arg20[%swap3A, %swap3A_39] : memref<1024x512xf32, #tpu.memory_space<vmem>>, vector<1024x512xf32>
      tpu.vector_store %arg20[%swap3A, %swap3A_39], %add3A_38 {strides = array<i32>} : memref<1024x512xf32, #tpu.memory_space<vmem>>, vector<1024x512xf32>,
      %add3A_41 = arith.constant 1 : i32
      %add3A_42 = arith.addi %min3A_14, %add3A_41 : i32
      %mul3A_43 = arith.constant 8 : i32
      %mul3A_44 = arith.muli %add3A_42, %mul3A_43 : i32
      %sub3A = arith.constant 512 : i32
      %sub3A_45 = arith.subi %sub3A, %mul3A_44 : i32
      %get3A_46 = arith.index_cast %sub3A_45 : i32 to index
      %get3A_47 = arith.constant 0 : index
      %get3A_48 = vector.load %arg1[%get3A_46, %get3A_47] : memref<512x128xi32, #tpu.memory_space<vmem>>, vector<8x128xi32>
      %reshape3A_49 = vector.shape_cast %get3A_48 : vector<8x128xi32> to vector<1x1024xi32>
      %iota3A_50 = tpu.iota {dimensions = array<i32: 0>} : vector<128x1024xi32>
      %eq3A_51 = vector.broadcast %reshape3A_49 : vector<1x1024xi32> to vector<128x1024xi32>
      %eq3A_52 = arith.cmpi eq, %iota3A_50, %eq3A_51 : vector<128x1024xi32>
      %convert_element_type3A_53 = arith.extui %eq3A_52 : vector<128x1024xi1> to vector<128x1024xi32>
      %convert_element_type3A_54 = arith.sitofp %convert_element_type3A_53 : vector<128x1024xi32> to vector<128x1024xf32>
      %convert_element_type3A_55 = arith.truncf %convert_element_type3A_54 : vector<128x1024xf32> to vector<128x1024xbf16>
      %get3A_56 = arith.constant 0 : index
      %get3A_57 = arith.constant 0 : index
      %get3A_58 = vector.load %arg6[%get3A_56, %get3A_57] : memref<128x512xbf16, #tpu.memory_space<vmem>>, vector<128x512xbf16>
      %dot_general3A_59 = arith.constant dense<0.000000e+00> : vector<1024x512xf32>
      %dot_general3A_60 = tpu.matmul %convert_element_type3A_55, %get3A_58, %dot_general3A_59 {dimension_numbers = #tpu.dot_dimension_numbers<[0], [0], [1], [1], [0, 1, 1, 1], [], []>, transpose_lhs_hint = false} : vector<128x1024xbf16>, vector<128x512xbf16>, vector<1024x512xf32> -> vector<1024x512xf32>
      %get3A_61 = arith.constant 0 : index
      %get3A_62 = arith.constant 0 : index
      %get3A_63 = vector.load %arg7[%get3A_61, %get3A_62] : memref<128x512xbf16, #tpu.memory_space<vmem>>, vector<128x512xbf16>
      %dot_general3A_64 = arith.constant dense<0.000000e+00> : vector<1024x512xf32>
      %dot_general3A_65 = tpu.matmul %convert_element_type3A_55, %get3A_63, %dot_general3A_64 {dimension_numbers = #tpu.dot_dimension_numbers<[0], [0], [1], [1], [0, 1, 1, 1], [], []>, transpose_lhs_hint = false} : vector<128x1024xbf16>, vector<128x512xbf16>, vector<1024x512xf32> -> vector<1024x512xf32>
      %add3A_66 = arith.addf %dot_general3A_60, %dot_general3A_65 : vector<1024x512xf32>
      %get3A_67 = arith.constant 0 : index
      %get3A_68 = arith.constant 0 : index
      %get3A_69 = vector.load %arg8[%get3A_67, %get3A_68] : memref<128x512xbf16, #tpu.memory_space<vmem>>, vector<128x512xbf16>
      %dot_general3A_70 = arith.constant dense<0.000000e+00> : vector<1024x512xf32>
      %dot_general3A_71 = tpu.matmul %convert_element_type3A_55, %get3A_69, %dot_general3A_70 {dimension_numbers = #tpu.dot_dimension_numbers<[0], [0], [1], [1], [0, 1, 1, 1], [], []>, transpose_lhs_hint = false} : vector<128x1024xbf16>, vector<128x512xbf16>, vector<1024x512xf32> -> vector<1024x512xf32>
      %add3A_72 = arith.addf %add3A_66, %dot_general3A_71 : vector<1024x512xf32>
      %swap3A_73 = arith.constant 0 : index
      %swap3A_74 = arith.constant 0 : index
      %swap3A_75 = vector.load %arg21[%swap3A_73, %swap3A_74] : memref<1024x512xf32, #tpu.memory_space<vmem>>, vector<1024x512xf32>
      tpu.vector_store %arg21[%swap3A_73, %swap3A_74], %add3A_72 {strides = array<i32>} : memref<1024x512xf32, #tpu.memory_space<vmem>>, vector<1024x512xf32>,
      %get3A_76 = arith.constant 0 : index
      %get3A_77 = arith.constant 0 : index
      %get3A_78 = vector.load %arg14[%get3A_76, %get3A_77] : memref<128x128xf32, #tpu.memory_space<vmem>>, vector<128x128xf32>
      %get3A_79 = arith.constant 0 : index
      %get3A_80 = arith.constant 0 : index
      %get3A_81 = vector.load %arg15[%get3A_79, %get3A_80] : memref<128x128xf32, #tpu.memory_space<vmem>>, vector<128x128xf32>
      %get3A_82 = arith.constant 0 : index
      %get3A_83 = arith.constant 0 : index
      %get3A_84 = vector.load %arg16[%get3A_82, %get3A_83] : memref<128x128xf32, #tpu.memory_space<vmem>>, vector<128x128xf32>
      %get3A_85 = arith.constant 0 : index
      %get3A_86 = arith.constant 0 : index
      %get3A_87 = vector.load %arg17[%get3A_85, %get3A_86] : memref<128x128xf32, #tpu.memory_space<vmem>>, vector<128x128xf32>
      %get3A_88 = arith.constant 0 : index
      %get3A_89 = arith.constant 0 : index
      %get3A_90 = vector.load %arg18[%get3A_88, %get3A_89] : memref<1024x512xf32, #tpu.memory_space<vmem>>, vector<128x512xf32>
      %get3A_91 = arith.constant 0 : index
      %get3A_92 = arith.constant 0 : index
      %get3A_93 = vector.load %arg5[%get3A_91, %get3A_92] : memref<128x512xf32, #tpu.memory_space<vmem>>, vector<128x512xf32>
      %dot_general3A_94 = arith.constant dense<0.000000e+00> : vector<128x512xf32>
      %dot_general3A_95 = tpu.matmul %get3A_78, %get3A_93, %dot_general3A_94 {dimension_numbers = #tpu.dot_dimension_numbers<[1], [0], [0], [1], [0, 0, 1, 1], [], []>, transpose_lhs_hint = false} : vector<128x128xf32>, vector<128x512xf32>, vector<128x512xf32> -> vector<128x512xf32>
      %add3A_96 = arith.addf %get3A_90, %dot_general3A_95 : vector<128x512xf32>
      %slice3A = vector.extract_strided_slice %add3A_96 {offsets = [0, 0], sizes = [128, 128], strides = [1, 1]} : vector<128x512xf32> to vector<128x128xf32>
      %logistic3A = arith.negf %slice3A : vector<128x128xf32>
      %logistic3A_97 = math.exp %logistic3A : vector<128x128xf32>
      %logistic3A_98 = arith.constant 1.000000e+00 : f32
      %logistic3A_99 = vector.broadcast %logistic3A_98 : f32 to vector<128x128xf32>
      %logistic3A_100 = arith.addf %logistic3A_99, %logistic3A_97 : vector<128x128xf32>
      %logistic3A_101 = arith.divf %logistic3A_99, %logistic3A_100 : vector<128x128xf32>
      %slice3A_102 = vector.extract_strided_slice %add3A_96 {offsets = [0, 128], sizes = [128, 128], strides = [1, 1]} : vector<128x512xf32> to vector<128x128xf32>
      %logistic3A_103 = arith.negf %slice3A_102 : vector<128x128xf32>
      %logistic3A_104 = math.exp %logistic3A_103 : vector<128x128xf32>
      %logistic3A_105 = arith.constant 1.000000e+00 : f32
      %logistic3A_106 = vector.broadcast %logistic3A_105 : f32 to vector<128x128xf32>
      %logistic3A_107 = arith.addf %logistic3A_106, %logistic3A_104 : vector<128x128xf32>
      %logistic3A_108 = arith.divf %logistic3A_106, %logistic3A_107 : vector<128x128xf32>
      %slice3A_109 = vector.extract_strided_slice %add3A_96 {offsets = [0, 256], sizes = [128, 128], strides = [1, 1]} : vector<128x512xf32> to vector<128x128xf32>
      %tanh3A = math.tanh %slice3A_109 : vector<128x128xf32>
      %slice3A_110 = vector.extract_strided_slice %add3A_96 {offsets = [0, 384], sizes = [128, 128], strides = [1, 1]} : vector<128x512xf32> to vector<128x128xf32>
      %logistic3A_111 = arith.negf %slice3A_110 : vector<128x128xf32>
      %logistic3A_112 = math.exp %logistic3A_111 : vector<128x128xf32>
      %logistic3A_113 = arith.constant 1.000000e+00 : f32
      %logistic3A_114 = vector.broadcast %logistic3A_113 : f32 to vector<128x128xf32>
      %logistic3A_115 = arith.addf %logistic3A_114, %logistic3A_112 : vector<128x128xf32>
      %logistic3A_116 = arith.divf %logistic3A_114, %logistic3A_115 : vector<128x128xf32>
      %mul3A_117 = arith.mulf %logistic3A_108, %get3A_81 : vector<128x128xf32>
      %mul3A_118 = arith.mulf %logistic3A_101, %tanh3A : vector<128x128xf32>
      %add3A_119 = arith.addf %mul3A_117, %mul3A_118 : vector<128x128xf32>
      %tanh3A_120 = math.tanh %add3A_119 : vector<128x128xf32>
      %mul3A_121 = arith.mulf %logistic3A_116, %tanh3A_120 : vector<128x128xf32>
      %swap3A_122 = arith.constant 0 : index
      %swap3A_123 = arith.constant 0 : index
      %swap3A_124 = arith.constant 0 : index
      %swap3A_125 = vector.load %arg12[%swap3A_122, %swap3A_123, %swap3A_124] : memref<8x128x128xf32, #tpu.memory_space<vmem>>, vector<1x128x128xf32>
      %swap3A_126 = vector.shape_cast %swap3A_125 : vector<1x128x128xf32> to vector<128x128xf32>
      %swap3A_127 = vector.shape_cast %mul3A_121 : vector<128x128xf32> to vector<1x128x128xf32>
      tpu.vector_store %arg12[%swap3A_122, %swap3A_123, %swap3A_124], %swap3A_127 {strides = array<i32>} : memref<8x128x128xf32, #tpu.memory_space<vmem>>, vector<1x128x128xf32>,
      %get3A_128 = arith.constant 896 : index
      %get3A_129 = arith.constant 0 : index
      %get3A_130 = vector.load %arg19[%get3A_128, %get3A_129] : memref<1024x512xf32, #tpu.memory_space<vmem>>, vector<128x512xf32>
      %get3A_131 = arith.constant 0 : index
      %get3A_132 = arith.constant 0 : index
      %get3A_133 = vector.load %arg9[%get3A_131, %get3A_132] : memref<128x512xf32, #tpu.memory_space<vmem>>, vector<128x512xf32>
      %dot_general3A_134 = arith.constant dense<0.000000e+00> : vector<128x512xf32>
      %dot_general3A_135 = tpu.matmul %get3A_84, %get3A_133, %dot_general3A_134 {dimension_numbers = #tpu.dot_dimension_numbers<[1], [0], [0], [1], [0, 0, 1, 1], [], []>, transpose_lhs_hint = false} : vector<128x128xf32>, vector<128x512xf32>, vector<128x512xf32> -> vector<128x512xf32>
      %add3A_136 = arith.addf %get3A_130, %dot_general3A_135 : vector<128x512xf32>
      %slice3A_137 = vector.extract_strided_slice %add3A_136 {offsets = [0, 0], sizes = [128, 128], strides = [1, 1]} : vector<128x512xf32> to vector<128x128xf32>
      %logistic3A_138 = arith.negf %slice3A_137 : vector<128x128xf32>
      %logistic3A_139 = math.exp %logistic3A_138 : vector<128x128xf32>
      %logistic3A_140 = arith.constant 1.000000e+00 : f32
      %logistic3A_141 = vector.broadcast %logistic3A_140 : f32 to vector<128x128xf32>
      %logistic3A_142 = arith.addf %logistic3A_141, %logistic3A_139 : vector<128x128xf32>
      %logistic3A_143 = arith.divf %logistic3A_141, %logistic3A_142 : vector<128x128xf32>
      %slice3A_144 = vector.extract_strided_slice %add3A_136 {offsets = [0, 128], sizes = [128, 128], strides = [1, 1]} : vector<128x512xf32> to vector<128x128xf32>
      %logistic3A_145 = arith.negf %slice3A_144 : vector<128x128xf32>
      %logistic3A_146 = math.exp %logistic3A_145 : vector<128x128xf32>
      %logistic3A_147 = arith.constant 1.000000e+00 : f32
      %logistic3A_148 = vector.broadcast %logistic3A_147 : f32 to vector<128x128xf32>
      %logistic3A_149 = arith.addf %logistic3A_148, %logistic3A_146 : vector<128x128xf32>
      %logistic3A_150 = arith.divf %logistic3A_148, %logistic3A_149 : vector<128x128xf32>
      %slice3A_151 = vector.extract_strided_slice %add3A_136 {offsets = [0, 256], sizes = [128, 128], strides = [1, 1]} : vector<128x512xf32> to vector<128x128xf32>
      %tanh3A_152 = math.tanh %slice3A_151 : vector<128x128xf32>
      %slice3A_153 = vector.extract_strided_slice %add3A_136 {offsets = [0, 384], sizes = [128, 128], strides = [1, 1]} : vector<128x512xf32> to vector<128x128xf32>
      %logistic3A_154 = arith.negf %slice3A_153 : vector<128x128xf32>
      %logistic3A_155 = math.exp %logistic3A_154 : vector<128x128xf32>
      %logistic3A_156 = arith.constant 1.000000e+00 : f32
      %logistic3A_157 = vector.broadcast %logistic3A_156 : f32 to vector<128x128xf32>
      %logistic3A_158 = arith.addf %logistic3A_157, %logistic3A_155 : vector<128x128xf32>
      %logistic3A_159 = arith.divf %logistic3A_157, %logistic3A_158 : vector<128x128xf32>
      %mul3A_160 = arith.mulf %logistic3A_150, %get3A_87 : vector<128x128xf32>
      %mul3A_161 = arith.mulf %logistic3A_143, %tanh3A_152 : vector<128x128xf32>
      %add3A_162 = arith.addf %mul3A_160, %mul3A_161 : vector<128x128xf32>
      %tanh3A_163 = math.tanh %add3A_162 : vector<128x128xf32>
      %mul3A_164 = arith.mulf %logistic3A_159, %tanh3A_163 : vector<128x128xf32>
      %swap3A_165 = arith.constant 7 : index
      %swap3A_166 = arith.constant 0 : index
      %swap3A_167 = arith.constant 0 : index
      %swap3A_168 = vector.load %arg13[%swap3A_165, %swap3A_166, %swap3A_167] : memref<8x128x128xf32, #tpu.memory_space<vmem>>, vector<1x128x128xf32>
      %swap3A_169 = vector.shape_cast %swap3A_168 : vector<1x128x128xf32> to vector<128x128xf32>
      %swap3A_170 = vector.shape_cast %mul3A_164 : vector<128x128xf32> to vector<1x128x128xf32>
      tpu.vector_store %arg13[%swap3A_165, %swap3A_166, %swap3A_167], %swap3A_170 {strides = array<i32>} : memref<8x128x128xf32, #tpu.memory_space<vmem>>, vector<1x128x128xf32>,
      %get3A_171 = arith.constant 128 : index
      %get3A_172 = arith.constant 0 : index
      %get3A_173 = vector.load %arg18[%get3A_171, %get3A_172] : memref<1024x512xf32, #tpu.memory_space<vmem>>, vector<128x512xf32>
      %get3A_174 = arith.constant 0 : index
      %get3A_175 = arith.constant 0 : index
      %get3A_176 = vector.load %arg5[%get3A_174, %get3A_175] : memref<128x512xf32, #tpu.memory_space<vmem>>, vector<128x512xf32>
      %dot_general3A_177 = arith.constant dense<0.000000e+00> : vector<128x512xf32>
      %dot_general3A_178 = tpu.matmul %mul3A_121, %get3A_176, %dot_general3A_177 {dimension_numbers = #tpu.dot_dimension_numbers<[1], [0], [0], [1], [0, 0, 1, 1], [], []>, transpose_lhs_hint = false} : vector<128x128xf32>, vector<128x512xf32>, vector<128x512xf32> -> vector<128x512xf32>
      %add3A_179 = arith.addf %get3A_173, %dot_general3A_178 : vector<128x512xf32>
      %slice3A_180 = vector.extract_strided_slice %add3A_179 {offsets = [0, 0], sizes = [128, 128], strides = [1, 1]} : vector<128x512xf32> to vector<128x128xf32>
      %logistic3A_181 = arith.negf %slice3A_180 : vector<128x128xf32>
      %logistic3A_182 = math.exp %logistic3A_181 : vector<128x128xf32>
      %logistic3A_183 = arith.constant 1.000000e+00 : f32
      %logistic3A_184 = vector.broadcast %logistic3A_183 : f32 to vector<128x128xf32>
      %logistic3A_185 = arith.addf %logistic3A_184, %logistic3A_182 : vector<128x128xf32>
      %logistic3A_186 = arith.divf %logistic3A_184, %logistic3A_185 : vector<128x128xf32>
      %slice3A_187 = vector.extract_strided_slice %add3A_179 {offsets = [0, 128], sizes = [128, 128], strides = [1, 1]} : vector<128x512xf32> to vector<128x128xf32>
      %logistic3A_188 = arith.negf %slice3A_187 : vector<128x128xf32>
      %logistic3A_189 = math.exp %logistic3A_188 : vector<128x128xf32>
      %logistic3A_190 = arith.constant 1.000000e+00 : f32
      %logistic3A_191 = vector.broadcast %logistic3A_190 : f32 to vector<128x128xf32>
      %logistic3A_192 = arith.addf %logistic3A_191, %logistic3A_189 : vector<128x128xf32>
      %logistic3A_193 = arith.divf %logistic3A_191, %logistic3A_192 : vector<128x128xf32>
      %slice3A_194 = vector.extract_strided_slice %add3A_179 {offsets = [0, 256], sizes = [128, 128], strides = [1, 1]} : vector<128x512xf32> to vector<128x128xf32>
      %tanh3A_195 = math.tanh %slice3A_194 : vector<128x128xf32>
      %slice3A_196 = vector.extract_strided_slice %add3A_179 {offsets = [0, 384], sizes = [128, 128], strides = [1, 1]} : vector<128x512xf32> to vector<128x128xf32>
      %logistic3A_197 = arith.negf %slice3A_196 : vector<128x128xf32>
      %logistic3A_198 = math.exp %logistic3A_197 : vector<128x128xf32>
      %logistic3A_199 = arith.constant 1.000000e+00 : f32
      %logistic3A_200 = vector.broadcast %logistic3A_199 : f32 to vector<128x128xf32>
      %logistic3A_201 = arith.addf %logistic3A_200, %logistic3A_198 : vector<128x128xf32>
      %logistic3A_202 = arith.divf %logistic3A_200, %logistic3A_201 : vector<128x128xf32>
      %mul3A_203 = arith.mulf %logistic3A_193, %add3A_119 : vector<128x128xf32>
      %mul3A_204 = arith.mulf %logistic3A_186, %tanh3A_195 : vector<128x128xf32>
      %add3A_205 = arith.addf %mul3A_203, %mul3A_204 : vector<128x128xf32>
      %tanh3A_206 = math.tanh %add3A_205 : vector<128x128xf32>
      %mul3A_207 = arith.mulf %logistic3A_202, %tanh3A_206 : vector<128x128xf32>
      %swap3A_208 = arith.constant 1 : index
      %swap3A_209 = arith.constant 0 : index
      %swap3A_210 = arith.constant 0 : index
      %swap3A_211 = vector.load %arg12[%swap3A_208, %swap3A_209, %swap3A_210] : memref<8x128x128xf32, #tpu.memory_space<vmem>>, vector<1x128x128xf32>
      %swap3A_212 = vector.shape_cast %swap3A_211 : vector<1x128x128xf32> to vector<128x128xf32>
      %swap3A_213 = vector.shape_cast %mul3A_207 : vector<128x128xf32> to vector<1x128x128xf32>
      tpu.vector_store %arg12[%swap3A_208, %swap3A_209, %swap3A_210], %swap3A_213 {strides = array<i32>} : memref<8x128x128xf32, #tpu.memory_space<vmem>>, vector<1x128x128xf32>,
      %get3A_214 = arith.constant 768 : index
      %get3A_215 = arith.constant 0 : index
      %get3A_216 = vector.load %arg19[%get3A_214, %get3A_215] : memref<1024x512xf32, #tpu.memory_space<vmem>>, vector<128x512xf32>
      %get3A_217 = arith.constant 0 : index
      %get3A_218 = arith.constant 0 : index
      %get3A_219 = vector.load %arg9[%get3A_217, %get3A_218] : memref<128x512xf32, #tpu.memory_space<vmem>>, vector<128x512xf32>
      %dot_general3A_220 = arith.constant dense<0.000000e+00> : vector<128x512xf32>
      %dot_general3A_221 = tpu.matmul %mul3A_164, %get3A_219, %dot_general3A_220 {dimension_numbers = #tpu.dot_dimension_numbers<[1], [0], [0], [1], [0, 0, 1, 1], [], []>, transpose_lhs_hint = false} : vector<128x128xf32>, vector<128x512xf32>, vector<128x512xf32> -> vector<128x512xf32>
      %add3A_222 = arith.addf %get3A_216, %dot_general3A_221 : vector<128x512xf32>
      %slice3A_223 = vector.extract_strided_slice %add3A_222 {offsets = [0, 0], sizes = [128, 128], strides = [1, 1]} : vector<128x512xf32> to vector<128x128xf32>
      %logistic3A_224 = arith.negf %slice3A_223 : vector<128x128xf32>
      %logistic3A_225 = math.exp %logistic3A_224 : vector<128x128xf32>
      %logistic3A_226 = arith.constant 1.000000e+00 : f32
      %logistic3A_227 = vector.broadcast %logistic3A_226 : f32 to vector<128x128xf32>
      %logistic3A_228 = arith.addf %logistic3A_227, %logistic3A_225 : vector<128x128xf32>
      %logistic3A_229 = arith.divf %logistic3A_227, %logistic3A_228 : vector<128x128xf32>
      %slice3A_230 = vector.extract_strided_slice %add3A_222 {offsets = [0, 128], sizes = [128, 128], strides = [1, 1]} : vector<128x512xf32> to vector<128x128xf32>
      %logistic3A_231 = arith.negf %slice3A_230 : vector<128x128xf32>
      %logistic3A_232 = math.exp %logistic3A_231 : vector<128x128xf32>
      %logistic3A_233 = arith.constant 1.000000e+00 : f32
      %logistic3A_234 = vector.broadcast %logistic3A_233 : f32 to vector<128x128xf32>
      %logistic3A_235 = arith.addf %logistic3A_234, %logistic3A_232 : vector<128x128xf32>
      %logistic3A_236 = arith.divf %logistic3A_234, %logistic3A_235 : vector<128x128xf32>
      %slice3A_237 = vector.extract_strided_slice %add3A_222 {offsets = [0, 256], sizes = [128, 128], strides = [1, 1]} : vector<128x512xf32> to vector<128x128xf32>
      %tanh3A_238 = math.tanh %slice3A_237 : vector<128x128xf32>
      %slice3A_239 = vector.extract_strided_slice %add3A_222 {offsets = [0, 384], sizes = [128, 128], strides = [1, 1]} : vector<128x512xf32> to vector<128x128xf32>
      %logistic3A_240 = arith.negf %slice3A_239 : vector<128x128xf32>
      %logistic3A_241 = math.exp %logistic3A_240 : vector<128x128xf32>
      %logistic3A_242 = arith.constant 1.000000e+00 : f32
      %logistic3A_243 = vector.broadcast %logistic3A_242 : f32 to vector<128x128xf32>
      %logistic3A_244 = arith.addf %logistic3A_243, %logistic3A_241 : vector<128x128xf32>
      %logistic3A_245 = arith.divf %logistic3A_243, %logistic3A_244 : vector<128x128xf32>
      %mul3A_246 = arith.mulf %logistic3A_236, %add3A_162 : vector<128x128xf32>
      %mul3A_247 = arith.mulf %logistic3A_229, %tanh3A_238 : vector<128x128xf32>
      %add3A_248 = arith.addf %mul3A_246, %mul3A_247 : vector<128x128xf32>
      %tanh3A_249 = math.tanh %add3A_248 : vector<128x128xf32>
      %mul3A_250 = arith.mulf %logistic3A_245, %tanh3A_249 : vector<128x128xf32>
      %swap3A_251 = arith.constant 6 : index
      %swap3A_252 = arith.constant 0 : index
      %swap3A_253 = arith.constant 0 : index
      %swap3A_254 = vector.load %arg13[%swap3A_251, %swap3A_252, %swap3A_253] : memref<8x128x128xf32, #tpu.memory_space<vmem>>, vector<1x128x128xf32>
      %swap3A_255 = vector.shape_cast %swap3A_254 : vector<1x128x128xf32> to vector<128x128xf32>
      %swap3A_256 = vector.shape_cast %mul3A_250 : vector<128x128xf32> to vector<1x128x128xf32>
      tpu.vector_store %arg13[%swap3A_251, %swap3A_252, %swap3A_253], %swap3A_256 {strides = array<i32>} : memref<8x128x128xf32, #tpu.memory_space<vmem>>, vector<1x128x128xf32>,
      %get3A_257 = arith.constant 256 : index
      %get3A_258 = arith.constant 0 : index
      %get3A_259 = vector.load %arg18[%get3A_257, %get3A_258] : memref<1024x512xf32, #tpu.memory_space<vmem>>, vector<128x512xf32>
      %get3A_260 = arith.constant 0 : index
      %get3A_261 = arith.constant 0 : index
      %get3A_262 = vector.load %arg5[%get3A_260, %get3A_261] : memref<128x512xf32, #tpu.memory_space<vmem>>, vector<128x512xf32>
      %dot_general3A_263 = arith.constant dense<0.000000e+00> : vector<128x512xf32>
      %dot_general3A_264 = tpu.matmul %mul3A_207, %get3A_262, %dot_general3A_263 {dimension_numbers = #tpu.dot_dimension_numbers<[1], [0], [0], [1], [0, 0, 1, 1], [], []>, transpose_lhs_hint = false} : vector<128x128xf32>, vector<128x512xf32>, vector<128x512xf32> -> vector<128x512xf32>
      %add3A_265 = arith.addf %get3A_259, %dot_general3A_264 : vector<128x512xf32>
      %slice3A_266 = vector.extract_strided_slice %add3A_265 {offsets = [0, 0], sizes = [128, 128], strides = [1, 1]} : vector<128x512xf32> to vector<128x128xf32>
      %logistic3A_267 = arith.negf %slice3A_266 : vector<128x128xf32>
      %logistic3A_268 = math.exp %logistic3A_267 : vector<128x128xf32>
      %logistic3A_269 = arith.constant 1.000000e+00 : f32
      %logistic3A_270 = vector.broadcast %logistic3A_269 : f32 to vector<128x128xf32>
      %logistic3A_271 = arith.addf %logistic3A_270, %logistic3A_268 : vector<128x128xf32>
      %logistic3A_272 = arith.divf %logistic3A_270, %logistic3A_271 : vector<128x128xf32>
      %slice3A_273 = vector.extract_strided_slice %add3A_265 {offsets = [0, 128], sizes = [128, 128], strides = [1, 1]} : vector<128x512xf32> to vector<128x128xf32>
      %logistic3A_274 = arith.negf %slice3A_273 : vector<128x128xf32>
      %logistic3A_275 = math.exp %logistic3A_274 : vector<128x128xf32>
      %logistic3A_276 = arith.constant 1.000000e+00 : f32
      %logistic3A_277 = vector.broadcast %logistic3A_276 : f32 to vector<128x128xf32>
      %logistic3A_278 = arith.addf %logistic3A_277, %logistic3A_275 : vector<128x128xf32>
      %logistic3A_279 = arith.divf %logistic3A_277, %logistic3A_278 : vector<128x128xf32>
      %slice3A_280 = vector.extract_strided_slice %add3A_265 {offsets = [0, 256], sizes = [128, 128], strides = [1, 1]} : vector<128x512xf32> to vector<128x128xf32>
      %tanh3A_281 = math.tanh %slice3A_280 : vector<128x128xf32>
      %slice3A_282 = vector.extract_strided_slice %add3A_265 {offsets = [0, 384], sizes = [128, 128], strides = [1, 1]} : vector<128x512xf32> to vector<128x128xf32>
      %logistic3A_283 = arith.negf %slice3A_282 : vector<128x128xf32>
      %logistic3A_284 = math.exp %logistic3A_283 : vector<128x128xf32>
      %logistic3A_285 = arith.constant 1.000000e+00 : f32
      %logistic3A_286 = vector.broadcast %logistic3A_285 : f32 to vector<128x128xf32>
      %logistic3A_287 = arith.addf %logistic3A_286, %logistic3A_284 : vector<128x128xf32>
      %logistic3A_288 = arith.divf %logistic3A_286, %logistic3A_287 : vector<128x128xf32>
      %mul3A_289 = arith.mulf %logistic3A_279, %add3A_205 : vector<128x128xf32>
      %mul3A_290 = arith.mulf %logistic3A_272, %tanh3A_281 : vector<128x128xf32>
      %add3A_291 = arith.addf %mul3A_289, %mul3A_290 : vector<128x128xf32>
      %tanh3A_292 = math.tanh %add3A_291 : vector<128x128xf32>
      %mul3A_293 = arith.mulf %logistic3A_288, %tanh3A_292 : vector<128x128xf32>
      %swap3A_294 = arith.constant 2 : index
      %swap3A_295 = arith.constant 0 : index
      %swap3A_296 = arith.constant 0 : index
      %swap3A_297 = vector.load %arg12[%swap3A_294, %swap3A_295, %swap3A_296] : memref<8x128x128xf32, #tpu.memory_space<vmem>>, vector<1x128x128xf32>
      %swap3A_298 = vector.shape_cast %swap3A_297 : vector<1x128x128xf32> to vector<128x128xf32>
      %swap3A_299 = vector.shape_cast %mul3A_293 : vector<128x128xf32> to vector<1x128x128xf32>
      tpu.vector_store %arg12[%swap3A_294, %swap3A_295, %swap3A_296], %swap3A_299 {strides = array<i32>} : memref<8x128x128xf32, #tpu.memory_space<vmem>>, vector<1x128x128xf32>,
      %get3A_300 = arith.constant 640 : index
      %get3A_301 = arith.constant 0 : index
      %get3A_302 = vector.load %arg19[%get3A_300, %get3A_301] : memref<1024x512xf32, #tpu.memory_space<vmem>>, vector<128x512xf32>
      %get3A_303 = arith.constant 0 : index
      %get3A_304 = arith.constant 0 : index
      %get3A_305 = vector.load %arg9[%get3A_303, %get3A_304] : memref<128x512xf32, #tpu.memory_space<vmem>>, vector<128x512xf32>
      %dot_general3A_306 = arith.constant dense<0.000000e+00> : vector<128x512xf32>
      %dot_general3A_307 = tpu.matmul %mul3A_250, %get3A_305, %dot_general3A_306 {dimension_numbers = #tpu.dot_dimension_numbers<[1], [0], [0], [1], [0, 0, 1, 1], [], []>, transpose_lhs_hint = false} : vector<128x128xf32>, vector<128x512xf32>, vector<128x512xf32> -> vector<128x512xf32>
      %add3A_308 = arith.addf %get3A_302, %dot_general3A_307 : vector<128x512xf32>
      %slice3A_309 = vector.extract_strided_slice %add3A_308 {offsets = [0, 0], sizes = [128, 128], strides = [1, 1]} : vector<128x512xf32> to vector<128x128xf32>
      %logistic3A_310 = arith.negf %slice3A_309 : vector<128x128xf32>
      %logistic3A_311 = math.exp %logistic3A_310 : vector<128x128xf32>
      %logistic3A_312 = arith.constant 1.000000e+00 : f32
      %logistic3A_313 = vector.broadcast %logistic3A_312 : f32 to vector<128x128xf32>
      %logistic3A_314 = arith.addf %logistic3A_313, %logistic3A_311 : vector<128x128xf32>
      %logistic3A_315 = arith.divf %logistic3A_313, %logistic3A_314 : vector<128x128xf32>
      %slice3A_316 = vector.extract_strided_slice %add3A_308 {offsets = [0, 128], sizes = [128, 128], strides = [1, 1]} : vector<128x512xf32> to vector<128x128xf32>
      %logistic3A_317 = arith.negf %slice3A_316 : vector<128x128xf32>
      %logistic3A_318 = math.exp %logistic3A_317 : vector<128x128xf32>
      %logistic3A_319 = arith.constant 1.000000e+00 : f32
      %logistic3A_320 = vector.broadcast %logistic3A_319 : f32 to vector<128x128xf32>
      %logistic3A_321 = arith.addf %logistic3A_320, %logistic3A_318 : vector<128x128xf32>
      %logistic3A_322 = arith.divf %logistic3A_320, %logistic3A_321 : vector<128x128xf32>
      %slice3A_323 = vector.extract_strided_slice %add3A_308 {offsets = [0, 256], sizes = [128, 128], strides = [1, 1]} : vector<128x512xf32> to vector<128x128xf32>
      %tanh3A_324 = math.tanh %slice3A_323 : vector<128x128xf32>
      %slice3A_325 = vector.extract_strided_slice %add3A_308 {offsets = [0, 384], sizes = [128, 128], strides = [1, 1]} : vector<128x512xf32> to vector<128x128xf32>
      %logistic3A_326 = arith.negf %slice3A_325 : vector<128x128xf32>
      %logistic3A_327 = math.exp %logistic3A_326 : vector<128x128xf32>
      %logistic3A_328 = arith.constant 1.000000e+00 : f32
      %logistic3A_329 = vector.broadcast %logistic3A_328 : f32 to vector<128x128xf32>
      %logistic3A_330 = arith.addf %logistic3A_329, %logistic3A_327 : vector<128x128xf32>
      %logistic3A_331 = arith.divf %logistic3A_329, %logistic3A_330 : vector<128x128xf32>
      %mul3A_332 = arith.mulf %logistic3A_322, %add3A_248 : vector<128x128xf32>
      %mul3A_333 = arith.mulf %logistic3A_315, %tanh3A_324 : vector<128x128xf32>
      %add3A_334 = arith.addf %mul3A_332, %mul3A_333 : vector<128x128xf32>
      %tanh3A_335 = math.tanh %add3A_334 : vector<128x128xf32>
      %mul3A_336 = arith.mulf %logistic3A_331, %tanh3A_335 : vector<128x128xf32>
      %swap3A_337 = arith.constant 5 : index
      %swap3A_338 = arith.constant 0 : index
      %swap3A_339 = arith.constant 0 : index
      %swap3A_340 = vector.load %arg13[%swap3A_337, %swap3A_338, %swap3A_339] : memref<8x128x128xf32, #tpu.memory_space<vmem>>, vector<1x128x128xf32>
      %swap3A_341 = vector.shape_cast %swap3A_340 : vector<1x128x128xf32> to vector<128x128xf32>
      %swap3A_342 = vector.shape_cast %mul3A_336 : vector<128x128xf32> to vector<1x128x128xf32>
      tpu.vector_store %arg13[%swap3A_337, %swap3A_338, %swap3A_339], %swap3A_342 {strides = array<i32>} : memref<8x128x128xf32, #tpu.memory_space<vmem>>, vector<1x128x128xf32>,
      %get3A_343 = arith.constant 384 : index
      %get3A_344 = arith.constant 0 : index
      %get3A_345 = vector.load %arg18[%get3A_343, %get3A_344] : memref<1024x512xf32, #tpu.memory_space<vmem>>, vector<128x512xf32>
      %get3A_346 = arith.constant 0 : index
      %get3A_347 = arith.constant 0 : index
      %get3A_348 = vector.load %arg5[%get3A_346, %get3A_347] : memref<128x512xf32, #tpu.memory_space<vmem>>, vector<128x512xf32>
      %dot_general3A_349 = arith.constant dense<0.000000e+00> : vector<128x512xf32>
      %dot_general3A_350 = tpu.matmul %mul3A_293, %get3A_348, %dot_general3A_349 {dimension_numbers = #tpu.dot_dimension_numbers<[1], [0], [0], [1], [0, 0, 1, 1], [], []>, transpose_lhs_hint = false} : vector<128x128xf32>, vector<128x512xf32>, vector<128x512xf32> -> vector<128x512xf32>
      %add3A_351 = arith.addf %get3A_345, %dot_general3A_350 : vector<128x512xf32>
      %slice3A_352 = vector.extract_strided_slice %add3A_351 {offsets = [0, 0], sizes = [128, 128], strides = [1, 1]} : vector<128x512xf32> to vector<128x128xf32>
      %logistic3A_353 = arith.negf %slice3A_352 : vector<128x128xf32>
      %logistic3A_354 = math.exp %logistic3A_353 : vector<128x128xf32>
      %logistic3A_355 = arith.constant 1.000000e+00 : f32
      %logistic3A_356 = vector.broadcast %logistic3A_355 : f32 to vector<128x128xf32>
      %logistic3A_357 = arith.addf %logistic3A_356, %logistic3A_354 : vector<128x128xf32>
      %logistic3A_358 = arith.divf %logistic3A_356, %logistic3A_357 : vector<128x128xf32>
      %slice3A_359 = vector.extract_strided_slice %add3A_351 {offsets = [0, 128], sizes = [128, 128], strides = [1, 1]} : vector<128x512xf32> to vector<128x128xf32>
      %logistic3A_360 = arith.negf %slice3A_359 : vector<128x128xf32>
      %logistic3A_361 = math.exp %logistic3A_360 : vector<128x128xf32>
      %logistic3A_362 = arith.constant 1.000000e+00 : f32
      %logistic3A_363 = vector.broadcast %logistic3A_362 : f32 to vector<128x128xf32>
      %logistic3A_364 = arith.addf %logistic3A_363, %logistic3A_361 : vector<128x128xf32>
      %logistic3A_365 = arith.divf %logistic3A_363, %logistic3A_364 : vector<128x128xf32>
      %slice3A_366 = vector.extract_strided_slice %add3A_351 {offsets = [0, 256], sizes = [128, 128], strides = [1, 1]} : vector<128x512xf32> to vector<128x128xf32>
      %tanh3A_367 = math.tanh %slice3A_366 : vector<128x128xf32>
      %slice3A_368 = vector.extract_strided_slice %add3A_351 {offsets = [0, 384], sizes = [128, 128], strides = [1, 1]} : vector<128x512xf32> to vector<128x128xf32>
      %logistic3A_369 = arith.negf %slice3A_368 : vector<128x128xf32>
      %logistic3A_370 = math.exp %logistic3A_369 : vector<128x128xf32>
      %logistic3A_371 = arith.constant 1.000000e+00 : f32
      %logistic3A_372 = vector.broadcast %logistic3A_371 : f32 to vector<128x128xf32>
      %logistic3A_373 = arith.addf %logistic3A_372, %logistic3A_370 : vector<128x128xf32>
      %logistic3A_374 = arith.divf %logistic3A_372, %logistic3A_373 : vector<128x128xf32>
      %mul3A_375 = arith.mulf %logistic3A_365, %add3A_291 : vector<128x128xf32>
      %mul3A_376 = arith.mulf %logistic3A_358, %tanh3A_367 : vector<128x128xf32>
      %add3A_377 = arith.addf %mul3A_375, %mul3A_376 : vector<128x128xf32>
      %tanh3A_378 = math.tanh %add3A_377 : vector<128x128xf32>
      %mul3A_379 = arith.mulf %logistic3A_374, %tanh3A_378 : vector<128x128xf32>
      %swap3A_380 = arith.constant 3 : index
      %swap3A_381 = arith.constant 0 : index
      %swap3A_382 = arith.constant 0 : index
      %swap3A_383 = vector.load %arg12[%swap3A_380, %swap3A_381, %swap3A_382] : memref<8x128x128xf32, #tpu.memory_space<vmem>>, vector<1x128x128xf32>
      %swap3A_384 = vector.shape_cast %swap3A_383 : vector<1x128x128xf32> to vector<128x128xf32>
      %swap3A_385 = vector.shape_cast %mul3A_379 : vector<128x128xf32> to vector<1x128x128xf32>
      tpu.vector_store %arg12[%swap3A_380, %swap3A_381, %swap3A_382], %swap3A_385 {strides = array<i32>} : memref<8x128x128xf32, #tpu.memory_space<vmem>>, vector<1x128x128xf32>,
      %get3A_386 = arith.constant 512 : index
      %get3A_387 = arith.constant 0 : index
      %get3A_388 = vector.load %arg19[%get3A_386, %get3A_387] : memref<1024x512xf32, #tpu.memory_space<vmem>>, vector<128x512xf32>
      %get3A_389 = arith.constant 0 : index
      %get3A_390 = arith.constant 0 : index
      %get3A_391 = vector.load %arg9[%get3A_389, %get3A_390] : memref<128x512xf32, #tpu.memory_space<vmem>>, vector<128x512xf32>
      %dot_general3A_392 = arith.constant dense<0.000000e+00> : vector<128x512xf32>
      %dot_general3A_393 = tpu.matmul %mul3A_336, %get3A_391, %dot_general3A_392 {dimension_numbers = #tpu.dot_dimension_numbers<[1], [0], [0], [1], [0, 0, 1, 1], [], []>, transpose_lhs_hint = false} : vector<128x128xf32>, vector<128x512xf32>, vector<128x512xf32> -> vector<128x512xf32>
      %add3A_394 = arith.addf %get3A_388, %dot_general3A_393 : vector<128x512xf32>
      %slice3A_395 = vector.extract_strided_slice %add3A_394 {offsets = [0, 0], sizes = [128, 128], strides = [1, 1]} : vector<128x512xf32> to vector<128x128xf32>
      %logistic3A_396 = arith.negf %slice3A_395 : vector<128x128xf32>
      %logistic3A_397 = math.exp %logistic3A_396 : vector<128x128xf32>
      %logistic3A_398 = arith.constant 1.000000e+00 : f32
      %logistic3A_399 = vector.broadcast %logistic3A_398 : f32 to vector<128x128xf32>
      %logistic3A_400 = arith.addf %logistic3A_399, %logistic3A_397 : vector<128x128xf32>
      %logistic3A_401 = arith.divf %logistic3A_399, %logistic3A_400 : vector<128x128xf32>
      %slice3A_402 = vector.extract_strided_slice %add3A_394 {offsets = [0, 128], sizes = [128, 128], strides = [1, 1]} : vector<128x512xf32> to vector<128x128xf32>
      %logistic3A_403 = arith.negf %slice3A_402 : vector<128x128xf32>
      %logistic3A_404 = math.exp %logistic3A_403 : vector<128x128xf32>
      %logistic3A_405 = arith.constant 1.000000e+00 : f32
      %logistic3A_406 = vector.broadcast %logistic3A_405 : f32 to vector<128x128xf32>
      %logistic3A_407 = arith.addf %logistic3A_406, %logistic3A_404 : vector<128x128xf32>
      %logistic3A_408 = arith.divf %logistic3A_406, %logistic3A_407 : vector<128x128xf32>
      %slice3A_409 = vector.extract_strided_slice %add3A_394 {offsets = [0, 256], sizes = [128, 128], strides = [1, 1]} : vector<128x512xf32> to vector<128x128xf32>
      %tanh3A_410 = math.tanh %slice3A_409 : vector<128x128xf32>
      %slice3A_411 = vector.extract_strided_slice %add3A_394 {offsets = [0, 384], sizes = [128, 128], strides = [1, 1]} : vector<128x512xf32> to vector<128x128xf32>
      %logistic3A_412 = arith.negf %slice3A_411 : vector<128x128xf32>
      %logistic3A_413 = math.exp %logistic3A_412 : vector<128x128xf32>
      %logistic3A_414 = arith.constant 1.000000e+00 : f32
      %logistic3A_415 = vector.broadcast %logistic3A_414 : f32 to vector<128x128xf32>
      %logistic3A_416 = arith.addf %logistic3A_415, %logistic3A_413 : vector<128x128xf32>
      %logistic3A_417 = arith.divf %logistic3A_415, %logistic3A_416 : vector<128x128xf32>
      %mul3A_418 = arith.mulf %logistic3A_408, %add3A_334 : vector<128x128xf32>
      %mul3A_419 = arith.mulf %logistic3A_401, %tanh3A_410 : vector<128x128xf32>
      %add3A_420 = arith.addf %mul3A_418, %mul3A_419 : vector<128x128xf32>
      %tanh3A_421 = math.tanh %add3A_420 : vector<128x128xf32>
      %mul3A_422 = arith.mulf %logistic3A_417, %tanh3A_421 : vector<128x128xf32>
      %swap3A_423 = arith.constant 4 : index
      %swap3A_424 = arith.constant 0 : index
      %swap3A_425 = arith.constant 0 : index
      %swap3A_426 = vector.load %arg13[%swap3A_423, %swap3A_424, %swap3A_425] : memref<8x128x128xf32, #tpu.memory_space<vmem>>, vector<1x128x128xf32>
      %swap3A_427 = vector.shape_cast %swap3A_426 : vector<1x128x128xf32> to vector<128x128xf32>
      %swap3A_428 = vector.shape_cast %mul3A_422 : vector<128x128xf32> to vector<1x128x128xf32>
      tpu.vector_store %arg13[%swap3A_423, %swap3A_424, %swap3A_425], %swap3A_428 {strides = array<i32>} : memref<8x128x128xf32, #tpu.memory_space<vmem>>, vector<1x128x128xf32>,
      %get3A_429 = arith.constant 512 : index
      %get3A_430 = arith.constant 0 : index
      %get3A_431 = vector.load %arg18[%get3A_429, %get3A_430] : memref<1024x512xf32, #tpu.memory_space<vmem>>, vector<128x512xf32>
      %get3A_432 = arith.constant 0 : index
      %get3A_433 = arith.constant 0 : index
      %get3A_434 = vector.load %arg5[%get3A_432, %get3A_433] : memref<128x512xf32, #tpu.memory_space<vmem>>, vector<128x512xf32>
      %dot_general3A_435 = arith.constant dense<0.000000e+00> : vector<128x512xf32>
      %dot_general3A_436 = tpu.matmul %mul3A_379, %get3A_434, %dot_general3A_435 {dimension_numbers = #tpu.dot_dimension_numbers<[1], [0], [0], [1], [0, 0, 1, 1], [], []>, transpose_lhs_hint = false} : vector<128x128xf32>, vector<128x512xf32>, vector<128x512xf32> -> vector<128x512xf32>
      %add3A_437 = arith.addf %get3A_431, %dot_general3A_436 : vector<128x512xf32>
      %slice3A_438 = vector.extract_strided_slice %add3A_437 {offsets = [0, 0], sizes = [128, 128], strides = [1, 1]} : vector<128x512xf32> to vector<128x128xf32>
      %logistic3A_439 = arith.negf %slice3A_438 : vector<128x128xf32>
      %logistic3A_440 = math.exp %logistic3A_439 : vector<128x128xf32>
      %logistic3A_441 = arith.constant 1.000000e+00 : f32
      %logistic3A_442 = vector.broadcast %logistic3A_441 : f32 to vector<128x128xf32>
      %logistic3A_443 = arith.addf %logistic3A_442, %logistic3A_440 : vector<128x128xf32>
      %logistic3A_444 = arith.divf %logistic3A_442, %logistic3A_443 : vector<128x128xf32>
      %slice3A_445 = vector.extract_strided_slice %add3A_437 {offsets = [0, 128], sizes = [128, 128], strides = [1, 1]} : vector<128x512xf32> to vector<128x128xf32>
      %logistic3A_446 = arith.negf %slice3A_445 : vector<128x128xf32>
      %logistic3A_447 = math.exp %logistic3A_446 : vector<128x128xf32>
      %logistic3A_448 = arith.constant 1.000000e+00 : f32
      %logistic3A_449 = vector.broadcast %logistic3A_448 : f32 to vector<128x128xf32>
      %logistic3A_450 = arith.addf %logistic3A_449, %logistic3A_447 : vector<128x128xf32>
      %logistic3A_451 = arith.divf %logistic3A_449, %logistic3A_450 : vector<128x128xf32>
      %slice3A_452 = vector.extract_strided_slice %add3A_437 {offsets = [0, 256], sizes = [128, 128], strides = [1, 1]} : vector<128x512xf32> to vector<128x128xf32>
      %tanh3A_453 = math.tanh %slice3A_452 : vector<128x128xf32>
      %slice3A_454 = vector.extract_strided_slice %add3A_437 {offsets = [0, 384], sizes = [128, 128], strides = [1, 1]} : vector<128x512xf32> to vector<128x128xf32>
      %logistic3A_455 = arith.negf %slice3A_454 : vector<128x128xf32>
      %logistic3A_456 = math.exp %logistic3A_455 : vector<128x128xf32>
      %logistic3A_457 = arith.constant 1.000000e+00 : f32
      %logistic3A_458 = vector.broadcast %logistic3A_457 : f32 to vector<128x128xf32>
      %logistic3A_459 = arith.addf %logistic3A_458, %logistic3A_456 : vector<128x128xf32>
      %logistic3A_460 = arith.divf %logistic3A_458, %logistic3A_459 : vector<128x128xf32>
      %mul3A_461 = arith.mulf %logistic3A_451, %add3A_377 : vector<128x128xf32>
      %mul3A_462 = arith.mulf %logistic3A_444, %tanh3A_453 : vector<128x128xf32>
      %add3A_463 = arith.addf %mul3A_461, %mul3A_462 : vector<128x128xf32>
      %tanh3A_464 = math.tanh %add3A_463 : vector<128x128xf32>
      %mul3A_465 = arith.mulf %logistic3A_460, %tanh3A_464 : vector<128x128xf32>
      %swap3A_466 = arith.constant 4 : index
      %swap3A_467 = arith.constant 0 : index
      %swap3A_468 = arith.constant 0 : index
      %swap3A_469 = vector.load %arg12[%swap3A_466, %swap3A_467, %swap3A_468] : memref<8x128x128xf32, #tpu.memory_space<vmem>>, vector<1x128x128xf32>
      %swap3A_470 = vector.shape_cast %swap3A_469 : vector<1x128x128xf32> to vector<128x128xf32>
      %swap3A_471 = vector.shape_cast %mul3A_465 : vector<128x128xf32> to vector<1x128x128xf32>
      tpu.vector_store %arg12[%swap3A_466, %swap3A_467, %swap3A_468], %swap3A_471 {strides = array<i32>} : memref<8x128x128xf32, #tpu.memory_space<vmem>>, vector<1x128x128xf32>,
      %get3A_472 = arith.constant 384 : index
      %get3A_473 = arith.constant 0 : index
      %get3A_474 = vector.load %arg19[%get3A_472, %get3A_473] : memref<1024x512xf32, #tpu.memory_space<vmem>>, vector<128x512xf32>
      %get3A_475 = arith.constant 0 : index
      %get3A_476 = arith.constant 0 : index
      %get3A_477 = vector.load %arg9[%get3A_475, %get3A_476] : memref<128x512xf32, #tpu.memory_space<vmem>>, vector<128x512xf32>
      %dot_general3A_478 = arith.constant dense<0.000000e+00> : vector<128x512xf32>
      %dot_general3A_479 = tpu.matmul %mul3A_422, %get3A_477, %dot_general3A_478 {dimension_numbers = #tpu.dot_dimension_numbers<[1], [0], [0], [1], [0, 0, 1, 1], [], []>, transpose_lhs_hint = false} : vector<128x128xf32>, vector<128x512xf32>, vector<128x512xf32> -> vector<128x512xf32>
      %add3A_480 = arith.addf %get3A_474, %dot_general3A_479 : vector<128x512xf32>
      %slice3A_481 = vector.extract_strided_slice %add3A_480 {offsets = [0, 0], sizes = [128, 128], strides = [1, 1]} : vector<128x512xf32> to vector<128x128xf32>
      %logistic3A_482 = arith.negf %slice3A_481 : vector<128x128xf32>
      %logistic3A_483 = math.exp %logistic3A_482 : vector<128x128xf32>
      %logistic3A_484 = arith.constant 1.000000e+00 : f32
      %logistic3A_485 = vector.broadcast %logistic3A_484 : f32 to vector<128x128xf32>
      %logistic3A_486 = arith.addf %logistic3A_485, %logistic3A_483 : vector<128x128xf32>
      %logistic3A_487 = arith.divf %logistic3A_485, %logistic3A_486 : vector<128x128xf32>
      %slice3A_488 = vector.extract_strided_slice %add3A_480 {offsets = [0, 128], sizes = [128, 128], strides = [1, 1]} : vector<128x512xf32> to vector<128x128xf32>
      %logistic3A_489 = arith.negf %slice3A_488 : vector<128x128xf32>
      %logistic3A_490 = math.exp %logistic3A_489 : vector<128x128xf32>
      %logistic3A_491 = arith.constant 1.000000e+00 : f32
      %logistic3A_492 = vector.broadcast %logistic3A_491 : f32 to vector<128x128xf32>
      %logistic3A_493 = arith.addf %logistic3A_492, %logistic3A_490 : vector<128x128xf32>
      %logistic3A_494 = arith.divf %logistic3A_492, %logistic3A_493 : vector<128x128xf32>
      %slice3A_495 = vector.extract_strided_slice %add3A_480 {offsets = [0, 256], sizes = [128, 128], strides = [1, 1]} : vector<128x512xf32> to vector<128x128xf32>
      %tanh3A_496 = math.tanh %slice3A_495 : vector<128x128xf32>
      %slice3A_497 = vector.extract_strided_slice %add3A_480 {offsets = [0, 384], sizes = [128, 128], strides = [1, 1]} : vector<128x512xf32> to vector<128x128xf32>
      %logistic3A_498 = arith.negf %slice3A_497 : vector<128x128xf32>
      %logistic3A_499 = math.exp %logistic3A_498 : vector<128x128xf32>
      %logistic3A_500 = arith.constant 1.000000e+00 : f32
      %logistic3A_501 = vector.broadcast %logistic3A_500 : f32 to vector<128x128xf32>
      %logistic3A_502 = arith.addf %logistic3A_501, %logistic3A_499 : vector<128x128xf32>
      %logistic3A_503 = arith.divf %logistic3A_501, %logistic3A_502 : vector<128x128xf32>
      %mul3A_504 = arith.mulf %logistic3A_494, %add3A_420 : vector<128x128xf32>
      %mul3A_505 = arith.mulf %logistic3A_487, %tanh3A_496 : vector<128x128xf32>
      %add3A_506 = arith.addf %mul3A_504, %mul3A_505 : vector<128x128xf32>
      %tanh3A_507 = math.tanh %add3A_506 : vector<128x128xf32>
      %mul3A_508 = arith.mulf %logistic3A_503, %tanh3A_507 : vector<128x128xf32>
      %swap3A_509 = arith.constant 3 : index
      %swap3A_510 = arith.constant 0 : index
      %swap3A_511 = arith.constant 0 : index
      %swap3A_512 = vector.load %arg13[%swap3A_509, %swap3A_510, %swap3A_511] : memref<8x128x128xf32, #tpu.memory_space<vmem>>, vector<1x128x128xf32>
      %swap3A_513 = vector.shape_cast %swap3A_512 : vector<1x128x128xf32> to vector<128x128xf32>
      %swap3A_514 = vector.shape_cast %mul3A_508 : vector<128x128xf32> to vector<1x128x128xf32>
      tpu.vector_store %arg13[%swap3A_509, %swap3A_510, %swap3A_511], %swap3A_514 {strides = array<i32>} : memref<8x128x128xf32, #tpu.memory_space<vmem>>, vector<1x128x128xf32>,
      %get3A_515 = arith.constant 640 : index
      %get3A_516 = arith.constant 0 : index
      %get3A_517 = vector.load %arg18[%get3A_515, %get3A_516] : memref<1024x512xf32, #tpu.memory_space<vmem>>, vector<128x512xf32>
      %get3A_518 = arith.constant 0 : index
      %get3A_519 = arith.constant 0 : index
      %get3A_520 = vector.load %arg5[%get3A_518, %get3A_519] : memref<128x512xf32, #tpu.memory_space<vmem>>, vector<128x512xf32>
      %dot_general3A_521 = arith.constant dense<0.000000e+00> : vector<128x512xf32>
      %dot_general3A_522 = tpu.matmul %mul3A_465, %get3A_520, %dot_general3A_521 {dimension_numbers = #tpu.dot_dimension_numbers<[1], [0], [0], [1], [0, 0, 1, 1], [], []>, transpose_lhs_hint = false} : vector<128x128xf32>, vector<128x512xf32>, vector<128x512xf32> -> vector<128x512xf32>
      %add3A_523 = arith.addf %get3A_517, %dot_general3A_522 : vector<128x512xf32>
      %slice3A_524 = vector.extract_strided_slice %add3A_523 {offsets = [0, 0], sizes = [128, 128], strides = [1, 1]} : vector<128x512xf32> to vector<128x128xf32>
      %logistic3A_525 = arith.negf %slice3A_524 : vector<128x128xf32>
      %logistic3A_526 = math.exp %logistic3A_525 : vector<128x128xf32>
      %logistic3A_527 = arith.constant 1.000000e+00 : f32
      %logistic3A_528 = vector.broadcast %logistic3A_527 : f32 to vector<128x128xf32>
      %logistic3A_529 = arith.addf %logistic3A_528, %logistic3A_526 : vector<128x128xf32>
      %logistic3A_530 = arith.divf %logistic3A_528, %logistic3A_529 : vector<128x128xf32>
      %slice3A_531 = vector.extract_strided_slice %add3A_523 {offsets = [0, 128], sizes = [128, 128], strides = [1, 1]} : vector<128x512xf32> to vector<128x128xf32>
      %logistic3A_532 = arith.negf %slice3A_531 : vector<128x128xf32>
      %logistic3A_533 = math.exp %logistic3A_532 : vector<128x128xf32>
      %logistic3A_534 = arith.constant 1.000000e+00 : f32
      %logistic3A_535 = vector.broadcast %logistic3A_534 : f32 to vector<128x128xf32>
      %logistic3A_536 = arith.addf %logistic3A_535, %logistic3A_533 : vector<128x128xf32>
      %logistic3A_537 = arith.divf %logistic3A_535, %logistic3A_536 : vector<128x128xf32>
      %slice3A_538 = vector.extract_strided_slice %add3A_523 {offsets = [0, 256], sizes = [128, 128], strides = [1, 1]} : vector<128x512xf32> to vector<128x128xf32>
      %tanh3A_539 = math.tanh %slice3A_538 : vector<128x128xf32>
      %slice3A_540 = vector.extract_strided_slice %add3A_523 {offsets = [0, 384], sizes = [128, 128], strides = [1, 1]} : vector<128x512xf32> to vector<128x128xf32>
      %logistic3A_541 = arith.negf %slice3A_540 : vector<128x128xf32>
      %logistic3A_542 = math.exp %logistic3A_541 : vector<128x128xf32>
      %logistic3A_543 = arith.constant 1.000000e+00 : f32
      %logistic3A_544 = vector.broadcast %logistic3A_543 : f32 to vector<128x128xf32>
      %logistic3A_545 = arith.addf %logistic3A_544, %logistic3A_542 : vector<128x128xf32>
      %logistic3A_546 = arith.divf %logistic3A_544, %logistic3A_545 : vector<128x128xf32>
      %mul3A_547 = arith.mulf %logistic3A_537, %add3A_463 : vector<128x128xf32>
      %mul3A_548 = arith.mulf %logistic3A_530, %tanh3A_539 : vector<128x128xf32>
      %add3A_549 = arith.addf %mul3A_547, %mul3A_548 : vector<128x128xf32>
      %tanh3A_550 = math.tanh %add3A_549 : vector<128x128xf32>
      %mul3A_551 = arith.mulf %logistic3A_546, %tanh3A_550 : vector<128x128xf32>
      %swap3A_552 = arith.constant 5 : index
      %swap3A_553 = arith.constant 0 : index
      %swap3A_554 = arith.constant 0 : index
      %swap3A_555 = vector.load %arg12[%swap3A_552, %swap3A_553, %swap3A_554] : memref<8x128x128xf32, #tpu.memory_space<vmem>>, vector<1x128x128xf32>
      %swap3A_556 = vector.shape_cast %swap3A_555 : vector<1x128x128xf32> to vector<128x128xf32>
      %swap3A_557 = vector.shape_cast %mul3A_551 : vector<128x128xf32> to vector<1x128x128xf32>
      tpu.vector_store %arg12[%swap3A_552, %swap3A_553, %swap3A_554], %swap3A_557 {strides = array<i32>} : memref<8x128x128xf32, #tpu.memory_space<vmem>>, vector<1x128x128xf32>,
      %get3A_558 = arith.constant 256 : index
      %get3A_559 = arith.constant 0 : index
      %get3A_560 = vector.load %arg19[%get3A_558, %get3A_559] : memref<1024x512xf32, #tpu.memory_space<vmem>>, vector<128x512xf32>
      %get3A_561 = arith.constant 0 : index
      %get3A_562 = arith.constant 0 : index
      %get3A_563 = vector.load %arg9[%get3A_561, %get3A_562] : memref<128x512xf32, #tpu.memory_space<vmem>>, vector<128x512xf32>
      %dot_general3A_564 = arith.constant dense<0.000000e+00> : vector<128x512xf32>
      %dot_general3A_565 = tpu.matmul %mul3A_508, %get3A_563, %dot_general3A_564 {dimension_numbers = #tpu.dot_dimension_numbers<[1], [0], [0], [1], [0, 0, 1, 1], [], []>, transpose_lhs_hint = false} : vector<128x128xf32>, vector<128x512xf32>, vector<128x512xf32> -> vector<128x512xf32>
      %add3A_566 = arith.addf %get3A_560, %dot_general3A_565 : vector<128x512xf32>
      %slice3A_567 = vector.extract_strided_slice %add3A_566 {offsets = [0, 0], sizes = [128, 128], strides = [1, 1]} : vector<128x512xf32> to vector<128x128xf32>
      %logistic3A_568 = arith.negf %slice3A_567 : vector<128x128xf32>
      %logistic3A_569 = math.exp %logistic3A_568 : vector<128x128xf32>
      %logistic3A_570 = arith.constant 1.000000e+00 : f32
      %logistic3A_571 = vector.broadcast %logistic3A_570 : f32 to vector<128x128xf32>
      %logistic3A_572 = arith.addf %logistic3A_571, %logistic3A_569 : vector<128x128xf32>
      %logistic3A_573 = arith.divf %logistic3A_571, %logistic3A_572 : vector<128x128xf32>
      %slice3A_574 = vector.extract_strided_slice %add3A_566 {offsets = [0, 128], sizes = [128, 128], strides = [1, 1]} : vector<128x512xf32> to vector<128x128xf32>
      %logistic3A_575 = arith.negf %slice3A_574 : vector<128x128xf32>
      %logistic3A_576 = math.exp %logistic3A_575 : vector<128x128xf32>
      %logistic3A_577 = arith.constant 1.000000e+00 : f32
      %logistic3A_578 = vector.broadcast %logistic3A_577 : f32 to vector<128x128xf32>
      %logistic3A_579 = arith.addf %logistic3A_578, %logistic3A_576 : vector<128x128xf32>
      %logistic3A_580 = arith.divf %logistic3A_578, %logistic3A_579 : vector<128x128xf32>
      %slice3A_581 = vector.extract_strided_slice %add3A_566 {offsets = [0, 256], sizes = [128, 128], strides = [1, 1]} : vector<128x512xf32> to vector<128x128xf32>
      %tanh3A_582 = math.tanh %slice3A_581 : vector<128x128xf32>
      %slice3A_583 = vector.extract_strided_slice %add3A_566 {offsets = [0, 384], sizes = [128, 128], strides = [1, 1]} : vector<128x512xf32> to vector<128x128xf32>
      %logistic3A_584 = arith.negf %slice3A_583 : vector<128x128xf32>
      %logistic3A_585 = math.exp %logistic3A_584 : vector<128x128xf32>
      %logistic3A_586 = arith.constant 1.000000e+00 : f32
      %logistic3A_587 = vector.broadcast %logistic3A_586 : f32 to vector<128x128xf32>
      %logistic3A_588 = arith.addf %logistic3A_587, %logistic3A_585 : vector<128x128xf32>
      %logistic3A_589 = arith.divf %logistic3A_587, %logistic3A_588 : vector<128x128xf32>
      %mul3A_590 = arith.mulf %logistic3A_580, %add3A_506 : vector<128x128xf32>
      %mul3A_591 = arith.mulf %logistic3A_573, %tanh3A_582 : vector<128x128xf32>
      %add3A_592 = arith.addf %mul3A_590, %mul3A_591 : vector<128x128xf32>
      %tanh3A_593 = math.tanh %add3A_592 : vector<128x128xf32>
      %mul3A_594 = arith.mulf %logistic3A_589, %tanh3A_593 : vector<128x128xf32>
      %swap3A_595 = arith.constant 2 : index
      %swap3A_596 = arith.constant 0 : index
      %swap3A_597 = arith.constant 0 : index
      %swap3A_598 = vector.load %arg13[%swap3A_595, %swap3A_596, %swap3A_597] : memref<8x128x128xf32, #tpu.memory_space<vmem>>, vector<1x128x128xf32>
      %swap3A_599 = vector.shape_cast %swap3A_598 : vector<1x128x128xf32> to vector<128x128xf32>
      %swap3A_600 = vector.shape_cast %mul3A_594 : vector<128x128xf32> to vector<1x128x128xf32>
      tpu.vector_store %arg13[%swap3A_595, %swap3A_596, %swap3A_597], %swap3A_600 {strides = array<i32>} : memref<8x128x128xf32, #tpu.memory_space<vmem>>, vector<1x128x128xf32>,
      %get3A_601 = arith.constant 768 : index
      %get3A_602 = arith.constant 0 : index
      %get3A_603 = vector.load %arg18[%get3A_601, %get3A_602] : memref<1024x512xf32, #tpu.memory_space<vmem>>, vector<128x512xf32>
      %get3A_604 = arith.constant 0 : index
      %get3A_605 = arith.constant 0 : index
      %get3A_606 = vector.load %arg5[%get3A_604, %get3A_605] : memref<128x512xf32, #tpu.memory_space<vmem>>, vector<128x512xf32>
      %dot_general3A_607 = arith.constant dense<0.000000e+00> : vector<128x512xf32>
      %dot_general3A_608 = tpu.matmul %mul3A_551, %get3A_606, %dot_general3A_607 {dimension_numbers = #tpu.dot_dimension_numbers<[1], [0], [0], [1], [0, 0, 1, 1], [], []>, transpose_lhs_hint = false} : vector<128x128xf32>, vector<128x512xf32>, vector<128x512xf32> -> vector<128x512xf32>
      %add3A_609 = arith.addf %get3A_603, %dot_general3A_608 : vector<128x512xf32>
      %slice3A_610 = vector.extract_strided_slice %add3A_609 {offsets = [0, 0], sizes = [128, 128], strides = [1, 1]} : vector<128x512xf32> to vector<128x128xf32>
      %logistic3A_611 = arith.negf %slice3A_610 : vector<128x128xf32>
      %logistic3A_612 = math.exp %logistic3A_611 : vector<128x128xf32>
      %logistic3A_613 = arith.constant 1.000000e+00 : f32
      %logistic3A_614 = vector.broadcast %logistic3A_613 : f32 to vector<128x128xf32>
      %logistic3A_615 = arith.addf %logistic3A_614, %logistic3A_612 : vector<128x128xf32>
      %logistic3A_616 = arith.divf %logistic3A_614, %logistic3A_615 : vector<128x128xf32>
      %slice3A_617 = vector.extract_strided_slice %add3A_609 {offsets = [0, 128], sizes = [128, 128], strides = [1, 1]} : vector<128x512xf32> to vector<128x128xf32>
      %logistic3A_618 = arith.negf %slice3A_617 : vector<128x128xf32>
      %logistic3A_619 = math.exp %logistic3A_618 : vector<128x128xf32>
      %logistic3A_620 = arith.constant 1.000000e+00 : f32
      %logistic3A_621 = vector.broadcast %logistic3A_620 : f32 to vector<128x128xf32>
      %logistic3A_622 = arith.addf %logistic3A_621, %logistic3A_619 : vector<128x128xf32>
      %logistic3A_623 = arith.divf %logistic3A_621, %logistic3A_622 : vector<128x128xf32>
      %slice3A_624 = vector.extract_strided_slice %add3A_609 {offsets = [0, 256], sizes = [128, 128], strides = [1, 1]} : vector<128x512xf32> to vector<128x128xf32>
      %tanh3A_625 = math.tanh %slice3A_624 : vector<128x128xf32>
      %slice3A_626 = vector.extract_strided_slice %add3A_609 {offsets = [0, 384], sizes = [128, 128], strides = [1, 1]} : vector<128x512xf32> to vector<128x128xf32>
      %logistic3A_627 = arith.negf %slice3A_626 : vector<128x128xf32>
      %logistic3A_628 = math.exp %logistic3A_627 : vector<128x128xf32>
      %logistic3A_629 = arith.constant 1.000000e+00 : f32
      %logistic3A_630 = vector.broadcast %logistic3A_629 : f32 to vector<128x128xf32>
      %logistic3A_631 = arith.addf %logistic3A_630, %logistic3A_628 : vector<128x128xf32>
      %logistic3A_632 = arith.divf %logistic3A_630, %logistic3A_631 : vector<128x128xf32>
      %mul3A_633 = arith.mulf %logistic3A_623, %add3A_549 : vector<128x128xf32>
      %mul3A_634 = arith.mulf %logistic3A_616, %tanh3A_625 : vector<128x128xf32>
      %add3A_635 = arith.addf %mul3A_633, %mul3A_634 : vector<128x128xf32>
      %tanh3A_636 = math.tanh %add3A_635 : vector<128x128xf32>
      %mul3A_637 = arith.mulf %logistic3A_632, %tanh3A_636 : vector<128x128xf32>
      %swap3A_638 = arith.constant 6 : index
      %swap3A_639 = arith.constant 0 : index
      %swap3A_640 = arith.constant 0 : index
      %swap3A_641 = vector.load %arg12[%swap3A_638, %swap3A_639, %swap3A_640] : memref<8x128x128xf32, #tpu.memory_space<vmem>>, vector<1x128x128xf32>
      %swap3A_642 = vector.shape_cast %swap3A_641 : vector<1x128x128xf32> to vector<128x128xf32>
      %swap3A_643 = vector.shape_cast %mul3A_637 : vector<128x128xf32> to vector<1x128x128xf32>
      tpu.vector_store %arg12[%swap3A_638, %swap3A_639, %swap3A_640], %swap3A_643 {strides = array<i32>} : memref<8x128x128xf32, #tpu.memory_space<vmem>>, vector<1x128x128xf32>,
      %get3A_644 = arith.constant 128 : index
      %get3A_645 = arith.constant 0 : index
      %get3A_646 = vector.load %arg19[%get3A_644, %get3A_645] : memref<1024x512xf32, #tpu.memory_space<vmem>>, vector<128x512xf32>
      %get3A_647 = arith.constant 0 : index
      %get3A_648 = arith.constant 0 : index
      %get3A_649 = vector.load %arg9[%get3A_647, %get3A_648] : memref<128x512xf32, #tpu.memory_space<vmem>>, vector<128x512xf32>
      %dot_general3A_650 = arith.constant dense<0.000000e+00> : vector<128x512xf32>
      %dot_general3A_651 = tpu.matmul %mul3A_594, %get3A_649, %dot_general3A_650 {dimension_numbers = #tpu.dot_dimension_numbers<[1], [0], [0], [1], [0, 0, 1, 1], [], []>, transpose_lhs_hint = false} : vector<128x128xf32>, vector<128x512xf32>, vector<128x512xf32> -> vector<128x512xf32>
      %add3A_652 = arith.addf %get3A_646, %dot_general3A_651 : vector<128x512xf32>
      %slice3A_653 = vector.extract_strided_slice %add3A_652 {offsets = [0, 0], sizes = [128, 128], strides = [1, 1]} : vector<128x512xf32> to vector<128x128xf32>
      %logistic3A_654 = arith.negf %slice3A_653 : vector<128x128xf32>
      %logistic3A_655 = math.exp %logistic3A_654 : vector<128x128xf32>
      %logistic3A_656 = arith.constant 1.000000e+00 : f32
      %logistic3A_657 = vector.broadcast %logistic3A_656 : f32 to vector<128x128xf32>
      %logistic3A_658 = arith.addf %logistic3A_657, %logistic3A_655 : vector<128x128xf32>
      %logistic3A_659 = arith.divf %logistic3A_657, %logistic3A_658 : vector<128x128xf32>
      %slice3A_660 = vector.extract_strided_slice %add3A_652 {offsets = [0, 128], sizes = [128, 128], strides = [1, 1]} : vector<128x512xf32> to vector<128x128xf32>
      %logistic3A_661 = arith.negf %slice3A_660 : vector<128x128xf32>
      %logistic3A_662 = math.exp %logistic3A_661 : vector<128x128xf32>
      %logistic3A_663 = arith.constant 1.000000e+00 : f32
      %logistic3A_664 = vector.broadcast %logistic3A_663 : f32 to vector<128x128xf32>
      %logistic3A_665 = arith.addf %logistic3A_664, %logistic3A_662 : vector<128x128xf32>
      %logistic3A_666 = arith.divf %logistic3A_664, %logistic3A_665 : vector<128x128xf32>
      %slice3A_667 = vector.extract_strided_slice %add3A_652 {offsets = [0, 256], sizes = [128, 128], strides = [1, 1]} : vector<128x512xf32> to vector<128x128xf32>
      %tanh3A_668 = math.tanh %slice3A_667 : vector<128x128xf32>
      %slice3A_669 = vector.extract_strided_slice %add3A_652 {offsets = [0, 384], sizes = [128, 128], strides = [1, 1]} : vector<128x512xf32> to vector<128x128xf32>
      %logistic3A_670 = arith.negf %slice3A_669 : vector<128x128xf32>
      %logistic3A_671 = math.exp %logistic3A_670 : vector<128x128xf32>
      %logistic3A_672 = arith.constant 1.000000e+00 : f32
      %logistic3A_673 = vector.broadcast %logistic3A_672 : f32 to vector<128x128xf32>
      %logistic3A_674 = arith.addf %logistic3A_673, %logistic3A_671 : vector<128x128xf32>
      %logistic3A_675 = arith.divf %logistic3A_673, %logistic3A_674 : vector<128x128xf32>
      %mul3A_676 = arith.mulf %logistic3A_666, %add3A_592 : vector<128x128xf32>
      %mul3A_677 = arith.mulf %logistic3A_659, %tanh3A_668 : vector<128x128xf32>
      %add3A_678 = arith.addf %mul3A_676, %mul3A_677 : vector<128x128xf32>
      %tanh3A_679 = math.tanh %add3A_678 : vector<128x128xf32>
      %mul3A_680 = arith.mulf %logistic3A_675, %tanh3A_679 : vector<128x128xf32>
      %swap3A_681 = arith.constant 1 : index
      %swap3A_682 = arith.constant 0 : index
      %swap3A_683 = arith.constant 0 : index
      %swap3A_684 = vector.load %arg13[%swap3A_681, %swap3A_682, %swap3A_683] : memref<8x128x128xf32, #tpu.memory_space<vmem>>, vector<1x128x128xf32>
      %swap3A_685 = vector.shape_cast %swap3A_684 : vector<1x128x128xf32> to vector<128x128xf32>
      %swap3A_686 = vector.shape_cast %mul3A_680 : vector<128x128xf32> to vector<1x128x128xf32>
      tpu.vector_store %arg13[%swap3A_681, %swap3A_682, %swap3A_683], %swap3A_686 {strides = array<i32>} : memref<8x128x128xf32, #tpu.memory_space<vmem>>, vector<1x128x128xf32>,
      %get3A_687 = arith.constant 896 : index
      %get3A_688 = arith.constant 0 : index
      %get3A_689 = vector.load %arg18[%get3A_687, %get3A_688] : memref<1024x512xf32, #tpu.memory_space<vmem>>, vector<128x512xf32>
      %get3A_690 = arith.constant 0 : index
      %get3A_691 = arith.constant 0 : index
      %get3A_692 = vector.load %arg5[%get3A_690, %get3A_691] : memref<128x512xf32, #tpu.memory_space<vmem>>, vector<128x512xf32>
      %dot_general3A_693 = arith.constant dense<0.000000e+00> : vector<128x512xf32>
      %dot_general3A_694 = tpu.matmul %mul3A_637, %get3A_692, %dot_general3A_693 {dimension_numbers = #tpu.dot_dimension_numbers<[1], [0], [0], [1], [0, 0, 1, 1], [], []>, transpose_lhs_hint = false} : vector<128x128xf32>, vector<128x512xf32>, vector<128x512xf32> -> vector<128x512xf32>
      %add3A_695 = arith.addf %get3A_689, %dot_general3A_694 : vector<128x512xf32>
      %slice3A_696 = vector.extract_strided_slice %add3A_695 {offsets = [0, 0], sizes = [128, 128], strides = [1, 1]} : vector<128x512xf32> to vector<128x128xf32>
      %logistic3A_697 = arith.negf %slice3A_696 : vector<128x128xf32>
      %logistic3A_698 = math.exp %logistic3A_697 : vector<128x128xf32>
      %logistic3A_699 = arith.constant 1.000000e+00 : f32
      %logistic3A_700 = vector.broadcast %logistic3A_699 : f32 to vector<128x128xf32>
      %logistic3A_701 = arith.addf %logistic3A_700, %logistic3A_698 : vector<128x128xf32>
      %logistic3A_702 = arith.divf %logistic3A_700, %logistic3A_701 : vector<128x128xf32>
      %slice3A_703 = vector.extract_strided_slice %add3A_695 {offsets = [0, 128], sizes = [128, 128], strides = [1, 1]} : vector<128x512xf32> to vector<128x128xf32>
      %logistic3A_704 = arith.negf %slice3A_703 : vector<128x128xf32>
      %logistic3A_705 = math.exp %logistic3A_704 : vector<128x128xf32>
      %logistic3A_706 = arith.constant 1.000000e+00 : f32
      %logistic3A_707 = vector.broadcast %logistic3A_706 : f32 to vector<128x128xf32>
      %logistic3A_708 = arith.addf %logistic3A_707, %logistic3A_705 : vector<128x128xf32>
      %logistic3A_709 = arith.divf %logistic3A_707, %logistic3A_708 : vector<128x128xf32>
      %slice3A_710 = vector.extract_strided_slice %add3A_695 {offsets = [0, 256], sizes = [128, 128], strides = [1, 1]} : vector<128x512xf32> to vector<128x128xf32>
      %tanh3A_711 = math.tanh %slice3A_710 : vector<128x128xf32>
      %slice3A_712 = vector.extract_strided_slice %add3A_695 {offsets = [0, 384], sizes = [128, 128], strides = [1, 1]} : vector<128x512xf32> to vector<128x128xf32>
      %logistic3A_713 = arith.negf %slice3A_712 : vector<128x128xf32>
      %logistic3A_714 = math.exp %logistic3A_713 : vector<128x128xf32>
      %logistic3A_715 = arith.constant 1.000000e+00 : f32
      %logistic3A_716 = vector.broadcast %logistic3A_715 : f32 to vector<128x128xf32>
      %logistic3A_717 = arith.addf %logistic3A_716, %logistic3A_714 : vector<128x128xf32>
      %logistic3A_718 = arith.divf %logistic3A_716, %logistic3A_717 : vector<128x128xf32>
      %mul3A_719 = arith.mulf %logistic3A_709, %add3A_635 : vector<128x128xf32>
      %mul3A_720 = arith.mulf %logistic3A_702, %tanh3A_711 : vector<128x128xf32>
      %add3A_721 = arith.addf %mul3A_719, %mul3A_720 : vector<128x128xf32>
      %tanh3A_722 = math.tanh %add3A_721 : vector<128x128xf32>
      %mul3A_723 = arith.mulf %logistic3A_718, %tanh3A_722 : vector<128x128xf32>
      %swap3A_724 = arith.constant 7 : index
      %swap3A_725 = arith.constant 0 : index
      %swap3A_726 = arith.constant 0 : index
      %swap3A_727 = vector.load %arg12[%swap3A_724, %swap3A_725, %swap3A_726] : memref<8x128x128xf32, #tpu.memory_space<vmem>>, vector<1x128x128xf32>
      %swap3A_728 = vector.shape_cast %swap3A_727 : vector<1x128x128xf32> to vector<128x128xf32>
      %swap3A_729 = vector.shape_cast %mul3A_723 : vector<128x128xf32> to vector<1x128x128xf32>
      tpu.vector_store %arg12[%swap3A_724, %swap3A_725, %swap3A_726], %swap3A_729 {strides = array<i32>} : memref<8x128x128xf32, #tpu.memory_space<vmem>>, vector<1x128x128xf32>,
      %get3A_730 = arith.constant 0 : index
      %get3A_731 = arith.constant 0 : index
      %get3A_732 = vector.load %arg19[%get3A_730, %get3A_731] : memref<1024x512xf32, #tpu.memory_space<vmem>>, vector<128x512xf32>
      %get3A_733 = arith.constant 0 : index
      %get3A_734 = arith.constant 0 : index
      %get3A_735 = vector.load %arg9[%get3A_733, %get3A_734] : memref<128x512xf32, #tpu.memory_space<vmem>>, vector<128x512xf32>
      %dot_general3A_736 = arith.constant dense<0.000000e+00> : vector<128x512xf32>
      %dot_general3A_737 = tpu.matmul %mul3A_680, %get3A_735, %dot_general3A_736 {dimension_numbers = #tpu.dot_dimension_numbers<[1], [0], [0], [1], [0, 0, 1, 1], [], []>, transpose_lhs_hint = false} : vector<128x128xf32>, vector<128x512xf32>, vector<128x512xf32> -> vector<128x512xf32>
      %add3A_738 = arith.addf %get3A_732, %dot_general3A_737 : vector<128x512xf32>
      %slice3A_739 = vector.extract_strided_slice %add3A_738 {offsets = [0, 0], sizes = [128, 128], strides = [1, 1]} : vector<128x512xf32> to vector<128x128xf32>
      %logistic3A_740 = arith.negf %slice3A_739 : vector<128x128xf32>
      %logistic3A_741 = math.exp %logistic3A_740 : vector<128x128xf32>
      %logistic3A_742 = arith.constant 1.000000e+00 : f32
      %logistic3A_743 = vector.broadcast %logistic3A_742 : f32 to vector<128x128xf32>
      %logistic3A_744 = arith.addf %logistic3A_743, %logistic3A_741 : vector<128x128xf32>
      %logistic3A_745 = arith.divf %logistic3A_743, %logistic3A_744 : vector<128x128xf32>
      %slice3A_746 = vector.extract_strided_slice %add3A_738 {offsets = [0, 128], sizes = [128, 128], strides = [1, 1]} : vector<128x512xf32> to vector<128x128xf32>
      %logistic3A_747 = arith.negf %slice3A_746 : vector<128x128xf32>
      %logistic3A_748 = math.exp %logistic3A_747 : vector<128x128xf32>
      %logistic3A_749 = arith.constant 1.000000e+00 : f32
      %logistic3A_750 = vector.broadcast %logistic3A_749 : f32 to vector<128x128xf32>
      %logistic3A_751 = arith.addf %logistic3A_750, %logistic3A_748 : vector<128x128xf32>
      %logistic3A_752 = arith.divf %logistic3A_750, %logistic3A_751 : vector<128x128xf32>
      %slice3A_753 = vector.extract_strided_slice %add3A_738 {offsets = [0, 256], sizes = [128, 128], strides = [1, 1]} : vector<128x512xf32> to vector<128x128xf32>
      %tanh3A_754 = math.tanh %slice3A_753 : vector<128x128xf32>
      %slice3A_755 = vector.extract_strided_slice %add3A_738 {offsets = [0, 384], sizes = [128, 128], strides = [1, 1]} : vector<128x512xf32> to vector<128x128xf32>
      %logistic3A_756 = arith.negf %slice3A_755 : vector<128x128xf32>
      %logistic3A_757 = math.exp %logistic3A_756 : vector<128x128xf32>
      %logistic3A_758 = arith.constant 1.000000e+00 : f32
      %logistic3A_759 = vector.broadcast %logistic3A_758 : f32 to vector<128x128xf32>
      %logistic3A_760 = arith.addf %logistic3A_759, %logistic3A_757 : vector<128x128xf32>
      %logistic3A_761 = arith.divf %logistic3A_759, %logistic3A_760 : vector<128x128xf32>
      %mul3A_762 = arith.mulf %logistic3A_752, %add3A_678 : vector<128x128xf32>
      %mul3A_763 = arith.mulf %logistic3A_745, %tanh3A_754 : vector<128x128xf32>
      %add3A_764 = arith.addf %mul3A_762, %mul3A_763 : vector<128x128xf32>
      %tanh3A_765 = math.tanh %add3A_764 : vector<128x128xf32>
      %mul3A_766 = arith.mulf %logistic3A_761, %tanh3A_765 : vector<128x128xf32>
      %swap3A_767 = arith.constant 0 : index
      %swap3A_768 = arith.constant 0 : index
      %swap3A_769 = arith.constant 0 : index
      %swap3A_770 = vector.load %arg13[%swap3A_767, %swap3A_768, %swap3A_769] : memref<8x128x128xf32, #tpu.memory_space<vmem>>, vector<1x128x128xf32>
      %swap3A_771 = vector.shape_cast %swap3A_770 : vector<1x128x128xf32> to vector<128x128xf32>
      %swap3A_772 = vector.shape_cast %mul3A_766 : vector<128x128xf32> to vector<1x128x128xf32>
      tpu.vector_store %arg13[%swap3A_767, %swap3A_768, %swap3A_769], %swap3A_772 {strides = array<i32>} : memref<8x128x128xf32, #tpu.memory_space<vmem>>, vector<1x128x128xf32>,
      %swap3A_773 = arith.constant 0 : index
      %swap3A_774 = arith.constant 0 : index
      %swap3A_775 = vector.load %arg14[%swap3A_773, %swap3A_774] : memref<128x128xf32, #tpu.memory_space<vmem>>, vector<128x128xf32>
      tpu.vector_store %arg14[%swap3A_773, %swap3A_774], %mul3A_723 {strides = array<i32>} : memref<128x128xf32, #tpu.memory_space<vmem>>, vector<128x128xf32>,
      %swap3A_776 = arith.constant 0 : index
      %swap3A_777 = arith.constant 0 : index
      %swap3A_778 = vector.load %arg15[%swap3A_776, %swap3A_777] : memref<128x128xf32, #tpu.memory_space<vmem>>, vector<128x128xf32>
      tpu.vector_store %arg15[%swap3A_776, %swap3A_777], %add3A_721 {strides = array<i32>} : memref<128x128xf32, #tpu.memory_space<vmem>>, vector<128x128xf32>,
      %swap3A_779 = arith.constant 0 : index
      %swap3A_780 = arith.constant 0 : index
      %swap3A_781 = vector.load %arg16[%swap3A_779, %swap3A_780] : memref<128x128xf32, #tpu.memory_space<vmem>>, vector<128x128xf32>
      tpu.vector_store %arg16[%swap3A_779, %swap3A_780], %mul3A_766 {strides = array<i32>} : memref<128x128xf32, #tpu.memory_space<vmem>>, vector<128x128xf32>,
      %swap3A_782 = arith.constant 0 : index
      %swap3A_783 = arith.constant 0 : index
      %swap3A_784 = vector.load %arg17[%swap3A_782, %swap3A_783] : memref<128x128xf32, #tpu.memory_space<vmem>>, vector<128x128xf32>
      tpu.vector_store %arg17[%swap3A_782, %swap3A_783], %add3A_764 {strides = array<i32>} : memref<128x128xf32, #tpu.memory_space<vmem>>, vector<128x128xf32>,
    } else {
    }
    %eq3A_8 = arith.constant 1 : i32
    %eq3A_9 = arith.cmpi eq, %rem3A_2, %eq3A_8 : i32
    %convert_element_type3A_10 = arith.extui %eq3A_9 : i1 to i32
    %cond3A_11 = arith.constant 0 : i32
    %cond3A_12 = arith.cmpi ne, %convert_element_type3A_10, %cond3A_11 : i32
    scf.if %cond3A_12 {
      %add3A = arith.constant 1 : i32
      %add3A_13 = arith.addi %arg0, %add3A : i32
      %min3A = arith.constant 63 : i32
      %min3A_14 = arith.minsi %add3A_13, %min3A : i32
      %mul3A = arith.constant 8 : i32
      %mul3A_15 = arith.muli %min3A_14, %mul3A : i32
      %get3A = arith.index_cast %mul3A_15 : i32 to index
      %get3A_16 = arith.constant 0 : index
      %get3A_17 = vector.load %arg1[%get3A, %get3A_16] : memref<512x128xi32, #tpu.memory_space<vmem>>, vector<8x128xi32>
      %reshape3A = vector.shape_cast %get3A_17 : vector<8x128xi32> to vector<1x1024xi32>
      %iota3A = tpu.iota {dimensions = array<i32: 0>} : vector<128x1024xi32>
      %eq3A_18 = vector.broadcast %reshape3A : vector<1x1024xi32> to vector<128x1024xi32>
      %eq3A_19 = arith.cmpi eq, %iota3A, %eq3A_18 : vector<128x1024xi32>
      %convert_element_type3A_20 = arith.extui %eq3A_19 : vector<128x1024xi1> to vector<128x1024xi32>
      %convert_element_type3A_21 = arith.sitofp %convert_element_type3A_20 : vector<128x1024xi32> to vector<128x1024xf32>
      %convert_element_type3A_22 = arith.truncf %convert_element_type3A_21 : vector<128x1024xf32> to vector<128x1024xbf16>
      %get3A_23 = arith.constant 0 : index
      %get3A_24 = arith.constant 0 : index
      %get3A_25 = vector.load %arg2[%get3A_23, %get3A_24] : memref<128x512xbf16, #tpu.memory_space<vmem>>, vector<128x512xbf16>
      %dot_general3A = arith.constant dense<0.000000e+00> : vector<1024x512xf32>
      %dot_general3A_26 = tpu.matmul %convert_element_type3A_22, %get3A_25, %dot_general3A {dimension_numbers = #tpu.dot_dimension_numbers<[0], [0], [1], [1], [0, 1, 1, 1], [], []>, transpose_lhs_hint = false} : vector<128x1024xbf16>, vector<128x512xbf16>, vector<1024x512xf32> -> vector<1024x512xf32>
      %get3A_27 = arith.constant 0 : index
      %get3A_28 = arith.constant 0 : index
      %get3A_29 = vector.load %arg3[%get3A_27, %get3A_28] : memref<128x512xbf16, #tpu.memory_space<vmem>>, vector<128x512xbf16>
      %dot_general3A_30 = arith.constant dense<0.000000e+00> : vector<1024x512xf32>
      %dot_general3A_31 = tpu.matmul %convert_element_type3A_22, %get3A_29, %dot_general3A_30 {dimension_numbers = #tpu.dot_dimension_numbers<[0], [0], [1], [1], [0, 1, 1, 1], [], []>, transpose_lhs_hint = false} : vector<128x1024xbf16>, vector<128x512xbf16>, vector<1024x512xf32> -> vector<1024x512xf32>
      %add3A_32 = arith.addf %dot_general3A_26, %dot_general3A_31 : vector<1024x512xf32>
      %get3A_33 = arith.constant 0 : index
      %get3A_34 = arith.constant 0 : index
      %get3A_35 = vector.load %arg4[%get3A_33, %get3A_34] : memref<128x512xbf16, #tpu.memory_space<vmem>>, vector<128x512xbf16>
      %dot_general3A_36 = arith.constant dense<0.000000e+00> : vector<1024x512xf32>
      %dot_general3A_37 = tpu.matmul %convert_element_type3A_22, %get3A_35, %dot_general3A_36 {dimension_numbers = #tpu.dot_dimension_numbers<[0], [0], [1], [1], [0, 1, 1, 1], [], []>, transpose_lhs_hint = false} : vector<128x1024xbf16>, vector<128x512xbf16>, vector<1024x512xf32> -> vector<1024x512xf32>
      %add3A_38 = arith.addf %add3A_32, %dot_general3A_37 : vector<1024x512xf32>
      %swap3A = arith.constant 0 : index
      %swap3A_39 = arith.constant 0 : index
      %swap3A_40 = vector.load %arg18[%swap3A, %swap3A_39] : memref<1024x512xf32, #tpu.memory_space<vmem>>, vector<1024x512xf32>
      tpu.vector_store %arg18[%swap3A, %swap3A_39], %add3A_38 {strides = array<i32>} : memref<1024x512xf32, #tpu.memory_space<vmem>>, vector<1024x512xf32>,
      %add3A_41 = arith.constant 1 : i32
      %add3A_42 = arith.addi %min3A_14, %add3A_41 : i32
      %mul3A_43 = arith.constant 8 : i32
      %mul3A_44 = arith.muli %add3A_42, %mul3A_43 : i32
      %sub3A = arith.constant 512 : i32
      %sub3A_45 = arith.subi %sub3A, %mul3A_44 : i32
      %get3A_46 = arith.index_cast %sub3A_45 : i32 to index
      %get3A_47 = arith.constant 0 : index
      %get3A_48 = vector.load %arg1[%get3A_46, %get3A_47] : memref<512x128xi32, #tpu.memory_space<vmem>>, vector<8x128xi32>
      %reshape3A_49 = vector.shape_cast %get3A_48 : vector<8x128xi32> to vector<1x1024xi32>
      %iota3A_50 = tpu.iota {dimensions = array<i32: 0>} : vector<128x1024xi32>
      %eq3A_51 = vector.broadcast %reshape3A_49 : vector<1x1024xi32> to vector<128x1024xi32>
      %eq3A_52 = arith.cmpi eq, %iota3A_50, %eq3A_51 : vector<128x1024xi32>
      %convert_element_type3A_53 = arith.extui %eq3A_52 : vector<128x1024xi1> to vector<128x1024xi32>
      %convert_element_type3A_54 = arith.sitofp %convert_element_type3A_53 : vector<128x1024xi32> to vector<128x1024xf32>
      %convert_element_type3A_55 = arith.truncf %convert_element_type3A_54 : vector<128x1024xf32> to vector<128x1024xbf16>
      %get3A_56 = arith.constant 0 : index
      %get3A_57 = arith.constant 0 : index
      %get3A_58 = vector.load %arg6[%get3A_56, %get3A_57] : memref<128x512xbf16, #tpu.memory_space<vmem>>, vector<128x512xbf16>
      %dot_general3A_59 = arith.constant dense<0.000000e+00> : vector<1024x512xf32>
      %dot_general3A_60 = tpu.matmul %convert_element_type3A_55, %get3A_58, %dot_general3A_59 {dimension_numbers = #tpu.dot_dimension_numbers<[0], [0], [1], [1], [0, 1, 1, 1], [], []>, transpose_lhs_hint = false} : vector<128x1024xbf16>, vector<128x512xbf16>, vector<1024x512xf32> -> vector<1024x512xf32>
      %get3A_61 = arith.constant 0 : index
      %get3A_62 = arith.constant 0 : index
      %get3A_63 = vector.load %arg7[%get3A_61, %get3A_62] : memref<128x512xbf16, #tpu.memory_space<vmem>>, vector<128x512xbf16>
      %dot_general3A_64 = arith.constant dense<0.000000e+00> : vector<1024x512xf32>
      %dot_general3A_65 = tpu.matmul %convert_element_type3A_55, %get3A_63, %dot_general3A_64 {dimension_numbers = #tpu.dot_dimension_numbers<[0], [0], [1], [1], [0, 1, 1, 1], [], []>, transpose_lhs_hint = false} : vector<128x1024xbf16>, vector<128x512xbf16>, vector<1024x512xf32> -> vector<1024x512xf32>
      %add3A_66 = arith.addf %dot_general3A_60, %dot_general3A_65 : vector<1024x512xf32>
      %get3A_67 = arith.constant 0 : index
      %get3A_68 = arith.constant 0 : index
      %get3A_69 = vector.load %arg8[%get3A_67, %get3A_68] : memref<128x512xbf16, #tpu.memory_space<vmem>>, vector<128x512xbf16>
      %dot_general3A_70 = arith.constant dense<0.000000e+00> : vector<1024x512xf32>
      %dot_general3A_71 = tpu.matmul %convert_element_type3A_55, %get3A_69, %dot_general3A_70 {dimension_numbers = #tpu.dot_dimension_numbers<[0], [0], [1], [1], [0, 1, 1, 1], [], []>, transpose_lhs_hint = false} : vector<128x1024xbf16>, vector<128x512xbf16>, vector<1024x512xf32> -> vector<1024x512xf32>
      %add3A_72 = arith.addf %add3A_66, %dot_general3A_71 : vector<1024x512xf32>
      %swap3A_73 = arith.constant 0 : index
      %swap3A_74 = arith.constant 0 : index
      %swap3A_75 = vector.load %arg19[%swap3A_73, %swap3A_74] : memref<1024x512xf32, #tpu.memory_space<vmem>>, vector<1024x512xf32>
      tpu.vector_store %arg19[%swap3A_73, %swap3A_74], %add3A_72 {strides = array<i32>} : memref<1024x512xf32, #tpu.memory_space<vmem>>, vector<1024x512xf32>,
      %get3A_76 = arith.constant 0 : index
      %get3A_77 = arith.constant 0 : index
      %get3A_78 = vector.load %arg14[%get3A_76, %get3A_77] : memref<128x128xf32, #tpu.memory_space<vmem>>, vector<128x128xf32>
      %get3A_79 = arith.constant 0 : index
      %get3A_80 = arith.constant 0 : index
      %get3A_81 = vector.load %arg15[%get3A_79, %get3A_80] : memref<128x128xf32, #tpu.memory_space<vmem>>, vector<128x128xf32>
      %get3A_82 = arith.constant 0 : index
      %get3A_83 = arith.constant 0 : index
      %get3A_84 = vector.load %arg16[%get3A_82, %get3A_83] : memref<128x128xf32, #tpu.memory_space<vmem>>, vector<128x128xf32>
      %get3A_85 = arith.constant 0 : index
      %get3A_86 = arith.constant 0 : index
      %get3A_87 = vector.load %arg17[%get3A_85, %get3A_86] : memref<128x128xf32, #tpu.memory_space<vmem>>, vector<128x128xf32>
      %get3A_88 = arith.constant 0 : index
      %get3A_89 = arith.constant 0 : index
      %get3A_90 = vector.load %arg20[%get3A_88, %get3A_89] : memref<1024x512xf32, #tpu.memory_space<vmem>>, vector<128x512xf32>
      %get3A_91 = arith.constant 0 : index
      %get3A_92 = arith.constant 0 : index
      %get3A_93 = vector.load %arg5[%get3A_91, %get3A_92] : memref<128x512xf32, #tpu.memory_space<vmem>>, vector<128x512xf32>
      %dot_general3A_94 = arith.constant dense<0.000000e+00> : vector<128x512xf32>
      %dot_general3A_95 = tpu.matmul %get3A_78, %get3A_93, %dot_general3A_94 {dimension_numbers = #tpu.dot_dimension_numbers<[1], [0], [0], [1], [0, 0, 1, 1], [], []>, transpose_lhs_hint = false} : vector<128x128xf32>, vector<128x512xf32>, vector<128x512xf32> -> vector<128x512xf32>
      %add3A_96 = arith.addf %get3A_90, %dot_general3A_95 : vector<128x512xf32>
      %slice3A = vector.extract_strided_slice %add3A_96 {offsets = [0, 0], sizes = [128, 128], strides = [1, 1]} : vector<128x512xf32> to vector<128x128xf32>
      %logistic3A = arith.negf %slice3A : vector<128x128xf32>
      %logistic3A_97 = math.exp %logistic3A : vector<128x128xf32>
      %logistic3A_98 = arith.constant 1.000000e+00 : f32
      %logistic3A_99 = vector.broadcast %logistic3A_98 : f32 to vector<128x128xf32>
      %logistic3A_100 = arith.addf %logistic3A_99, %logistic3A_97 : vector<128x128xf32>
      %logistic3A_101 = arith.divf %logistic3A_99, %logistic3A_100 : vector<128x128xf32>
      %slice3A_102 = vector.extract_strided_slice %add3A_96 {offsets = [0, 128], sizes = [128, 128], strides = [1, 1]} : vector<128x512xf32> to vector<128x128xf32>
      %logistic3A_103 = arith.negf %slice3A_102 : vector<128x128xf32>
      %logistic3A_104 = math.exp %logistic3A_103 : vector<128x128xf32>
      %logistic3A_105 = arith.constant 1.000000e+00 : f32
      %logistic3A_106 = vector.broadcast %logistic3A_105 : f32 to vector<128x128xf32>
      %logistic3A_107 = arith.addf %logistic3A_106, %logistic3A_104 : vector<128x128xf32>
      %logistic3A_108 = arith.divf %logistic3A_106, %logistic3A_107 : vector<128x128xf32>
      %slice3A_109 = vector.extract_strided_slice %add3A_96 {offsets = [0, 256], sizes = [128, 128], strides = [1, 1]} : vector<128x512xf32> to vector<128x128xf32>
      %tanh3A = math.tanh %slice3A_109 : vector<128x128xf32>
      %slice3A_110 = vector.extract_strided_slice %add3A_96 {offsets = [0, 384], sizes = [128, 128], strides = [1, 1]} : vector<128x512xf32> to vector<128x128xf32>
      %logistic3A_111 = arith.negf %slice3A_110 : vector<128x128xf32>
      %logistic3A_112 = math.exp %logistic3A_111 : vector<128x128xf32>
      %logistic3A_113 = arith.constant 1.000000e+00 : f32
      %logistic3A_114 = vector.broadcast %logistic3A_113 : f32 to vector<128x128xf32>
      %logistic3A_115 = arith.addf %logistic3A_114, %logistic3A_112 : vector<128x128xf32>
      %logistic3A_116 = arith.divf %logistic3A_114, %logistic3A_115 : vector<128x128xf32>
      %mul3A_117 = arith.mulf %logistic3A_108, %get3A_81 : vector<128x128xf32>
      %mul3A_118 = arith.mulf %logistic3A_101, %tanh3A : vector<128x128xf32>
      %add3A_119 = arith.addf %mul3A_117, %mul3A_118 : vector<128x128xf32>
      %tanh3A_120 = math.tanh %add3A_119 : vector<128x128xf32>
      %mul3A_121 = arith.mulf %logistic3A_116, %tanh3A_120 : vector<128x128xf32>
      %swap3A_122 = arith.constant 0 : index
      %swap3A_123 = arith.constant 0 : index
      %swap3A_124 = arith.constant 0 : index
      %swap3A_125 = vector.load %arg12[%swap3A_122, %swap3A_123, %swap3A_124] : memref<8x128x128xf32, #tpu.memory_space<vmem>>, vector<1x128x128xf32>
      %swap3A_126 = vector.shape_cast %swap3A_125 : vector<1x128x128xf32> to vector<128x128xf32>
      %swap3A_127 = vector.shape_cast %mul3A_121 : vector<128x128xf32> to vector<1x128x128xf32>
      tpu.vector_store %arg12[%swap3A_122, %swap3A_123, %swap3A_124], %swap3A_127 {strides = array<i32>} : memref<8x128x128xf32, #tpu.memory_space<vmem>>, vector<1x128x128xf32>,
      %get3A_128 = arith.constant 896 : index
      %get3A_129 = arith.constant 0 : index
      %get3A_130 = vector.load %arg21[%get3A_128, %get3A_129] : memref<1024x512xf32, #tpu.memory_space<vmem>>, vector<128x512xf32>
      %get3A_131 = arith.constant 0 : index
      %get3A_132 = arith.constant 0 : index
      %get3A_133 = vector.load %arg9[%get3A_131, %get3A_132] : memref<128x512xf32, #tpu.memory_space<vmem>>, vector<128x512xf32>
      %dot_general3A_134 = arith.constant dense<0.000000e+00> : vector<128x512xf32>
      %dot_general3A_135 = tpu.matmul %get3A_84, %get3A_133, %dot_general3A_134 {dimension_numbers = #tpu.dot_dimension_numbers<[1], [0], [0], [1], [0, 0, 1, 1], [], []>, transpose_lhs_hint = false} : vector<128x128xf32>, vector<128x512xf32>, vector<128x512xf32> -> vector<128x512xf32>
      %add3A_136 = arith.addf %get3A_130, %dot_general3A_135 : vector<128x512xf32>
      %slice3A_137 = vector.extract_strided_slice %add3A_136 {offsets = [0, 0], sizes = [128, 128], strides = [1, 1]} : vector<128x512xf32> to vector<128x128xf32>
      %logistic3A_138 = arith.negf %slice3A_137 : vector<128x128xf32>
      %logistic3A_139 = math.exp %logistic3A_138 : vector<128x128xf32>
      %logistic3A_140 = arith.constant 1.000000e+00 : f32
      %logistic3A_141 = vector.broadcast %logistic3A_140 : f32 to vector<128x128xf32>
      %logistic3A_142 = arith.addf %logistic3A_141, %logistic3A_139 : vector<128x128xf32>
      %logistic3A_143 = arith.divf %logistic3A_141, %logistic3A_142 : vector<128x128xf32>
      %slice3A_144 = vector.extract_strided_slice %add3A_136 {offsets = [0, 128], sizes = [128, 128], strides = [1, 1]} : vector<128x512xf32> to vector<128x128xf32>
      %logistic3A_145 = arith.negf %slice3A_144 : vector<128x128xf32>
      %logistic3A_146 = math.exp %logistic3A_145 : vector<128x128xf32>
      %logistic3A_147 = arith.constant 1.000000e+00 : f32
      %logistic3A_148 = vector.broadcast %logistic3A_147 : f32 to vector<128x128xf32>
      %logistic3A_149 = arith.addf %logistic3A_148, %logistic3A_146 : vector<128x128xf32>
      %logistic3A_150 = arith.divf %logistic3A_148, %logistic3A_149 : vector<128x128xf32>
      %slice3A_151 = vector.extract_strided_slice %add3A_136 {offsets = [0, 256], sizes = [128, 128], strides = [1, 1]} : vector<128x512xf32> to vector<128x128xf32>
      %tanh3A_152 = math.tanh %slice3A_151 : vector<128x128xf32>
      %slice3A_153 = vector.extract_strided_slice %add3A_136 {offsets = [0, 384], sizes = [128, 128], strides = [1, 1]} : vector<128x512xf32> to vector<128x128xf32>
      %logistic3A_154 = arith.negf %slice3A_153 : vector<128x128xf32>
      %logistic3A_155 = math.exp %logistic3A_154 : vector<128x128xf32>
      %logistic3A_156 = arith.constant 1.000000e+00 : f32
      %logistic3A_157 = vector.broadcast %logistic3A_156 : f32 to vector<128x128xf32>
      %logistic3A_158 = arith.addf %logistic3A_157, %logistic3A_155 : vector<128x128xf32>
      %logistic3A_159 = arith.divf %logistic3A_157, %logistic3A_158 : vector<128x128xf32>
      %mul3A_160 = arith.mulf %logistic3A_150, %get3A_87 : vector<128x128xf32>
      %mul3A_161 = arith.mulf %logistic3A_143, %tanh3A_152 : vector<128x128xf32>
      %add3A_162 = arith.addf %mul3A_160, %mul3A_161 : vector<128x128xf32>
      %tanh3A_163 = math.tanh %add3A_162 : vector<128x128xf32>
      %mul3A_164 = arith.mulf %logistic3A_159, %tanh3A_163 : vector<128x128xf32>
      %swap3A_165 = arith.constant 7 : index
      %swap3A_166 = arith.constant 0 : index
      %swap3A_167 = arith.constant 0 : index
      %swap3A_168 = vector.load %arg13[%swap3A_165, %swap3A_166, %swap3A_167] : memref<8x128x128xf32, #tpu.memory_space<vmem>>, vector<1x128x128xf32>
      %swap3A_169 = vector.shape_cast %swap3A_168 : vector<1x128x128xf32> to vector<128x128xf32>
      %swap3A_170 = vector.shape_cast %mul3A_164 : vector<128x128xf32> to vector<1x128x128xf32>
      tpu.vector_store %arg13[%swap3A_165, %swap3A_166, %swap3A_167], %swap3A_170 {strides = array<i32>} : memref<8x128x128xf32, #tpu.memory_space<vmem>>, vector<1x128x128xf32>,
      %get3A_171 = arith.constant 128 : index
      %get3A_172 = arith.constant 0 : index
      %get3A_173 = vector.load %arg20[%get3A_171, %get3A_172] : memref<1024x512xf32, #tpu.memory_space<vmem>>, vector<128x512xf32>
      %get3A_174 = arith.constant 0 : index
      %get3A_175 = arith.constant 0 : index
      %get3A_176 = vector.load %arg5[%get3A_174, %get3A_175] : memref<128x512xf32, #tpu.memory_space<vmem>>, vector<128x512xf32>
      %dot_general3A_177 = arith.constant dense<0.000000e+00> : vector<128x512xf32>
      %dot_general3A_178 = tpu.matmul %mul3A_121, %get3A_176, %dot_general3A_177 {dimension_numbers = #tpu.dot_dimension_numbers<[1], [0], [0], [1], [0, 0, 1, 1], [], []>, transpose_lhs_hint = false} : vector<128x128xf32>, vector<128x512xf32>, vector<128x512xf32> -> vector<128x512xf32>
      %add3A_179 = arith.addf %get3A_173, %dot_general3A_178 : vector<128x512xf32>
      %slice3A_180 = vector.extract_strided_slice %add3A_179 {offsets = [0, 0], sizes = [128, 128], strides = [1, 1]} : vector<128x512xf32> to vector<128x128xf32>
      %logistic3A_181 = arith.negf %slice3A_180 : vector<128x128xf32>
      %logistic3A_182 = math.exp %logistic3A_181 : vector<128x128xf32>
      %logistic3A_183 = arith.constant 1.000000e+00 : f32
      %logistic3A_184 = vector.broadcast %logistic3A_183 : f32 to vector<128x128xf32>
      %logistic3A_185 = arith.addf %logistic3A_184, %logistic3A_182 : vector<128x128xf32>
      %logistic3A_186 = arith.divf %logistic3A_184, %logistic3A_185 : vector<128x128xf32>
      %slice3A_187 = vector.extract_strided_slice %add3A_179 {offsets = [0, 128], sizes = [128, 128], strides = [1, 1]} : vector<128x512xf32> to vector<128x128xf32>
      %logistic3A_188 = arith.negf %slice3A_187 : vector<128x128xf32>
      %logistic3A_189 = math.exp %logistic3A_188 : vector<128x128xf32>
      %logistic3A_190 = arith.constant 1.000000e+00 : f32
      %logistic3A_191 = vector.broadcast %logistic3A_190 : f32 to vector<128x128xf32>
      %logistic3A_192 = arith.addf %logistic3A_191, %logistic3A_189 : vector<128x128xf32>
      %logistic3A_193 = arith.divf %logistic3A_191, %logistic3A_192 : vector<128x128xf32>
      %slice3A_194 = vector.extract_strided_slice %add3A_179 {offsets = [0, 256], sizes = [128, 128], strides = [1, 1]} : vector<128x512xf32> to vector<128x128xf32>
      %tanh3A_195 = math.tanh %slice3A_194 : vector<128x128xf32>
      %slice3A_196 = vector.extract_strided_slice %add3A_179 {offsets = [0, 384], sizes = [128, 128], strides = [1, 1]} : vector<128x512xf32> to vector<128x128xf32>
      %logistic3A_197 = arith.negf %slice3A_196 : vector<128x128xf32>
      %logistic3A_198 = math.exp %logistic3A_197 : vector<128x128xf32>
      %logistic3A_199 = arith.constant 1.000000e+00 : f32
      %logistic3A_200 = vector.broadcast %logistic3A_199 : f32 to vector<128x128xf32>
      %logistic3A_201 = arith.addf %logistic3A_200, %logistic3A_198 : vector<128x128xf32>
      %logistic3A_202 = arith.divf %logistic3A_200, %logistic3A_201 : vector<128x128xf32>
      %mul3A_203 = arith.mulf %logistic3A_193, %add3A_119 : vector<128x128xf32>
      %mul3A_204 = arith.mulf %logistic3A_186, %tanh3A_195 : vector<128x128xf32>
      %add3A_205 = arith.addf %mul3A_203, %mul3A_204 : vector<128x128xf32>
      %tanh3A_206 = math.tanh %add3A_205 : vector<128x128xf32>
      %mul3A_207 = arith.mulf %logistic3A_202, %tanh3A_206 : vector<128x128xf32>
      %swap3A_208 = arith.constant 1 : index
      %swap3A_209 = arith.constant 0 : index
      %swap3A_210 = arith.constant 0 : index
      %swap3A_211 = vector.load %arg12[%swap3A_208, %swap3A_209, %swap3A_210] : memref<8x128x128xf32, #tpu.memory_space<vmem>>, vector<1x128x128xf32>
      %swap3A_212 = vector.shape_cast %swap3A_211 : vector<1x128x128xf32> to vector<128x128xf32>
      %swap3A_213 = vector.shape_cast %mul3A_207 : vector<128x128xf32> to vector<1x128x128xf32>
      tpu.vector_store %arg12[%swap3A_208, %swap3A_209, %swap3A_210], %swap3A_213 {strides = array<i32>} : memref<8x128x128xf32, #tpu.memory_space<vmem>>, vector<1x128x128xf32>,
      %get3A_214 = arith.constant 768 : index
      %get3A_215 = arith.constant 0 : index
      %get3A_216 = vector.load %arg21[%get3A_214, %get3A_215] : memref<1024x512xf32, #tpu.memory_space<vmem>>, vector<128x512xf32>
      %get3A_217 = arith.constant 0 : index
      %get3A_218 = arith.constant 0 : index
      %get3A_219 = vector.load %arg9[%get3A_217, %get3A_218] : memref<128x512xf32, #tpu.memory_space<vmem>>, vector<128x512xf32>
      %dot_general3A_220 = arith.constant dense<0.000000e+00> : vector<128x512xf32>
      %dot_general3A_221 = tpu.matmul %mul3A_164, %get3A_219, %dot_general3A_220 {dimension_numbers = #tpu.dot_dimension_numbers<[1], [0], [0], [1], [0, 0, 1, 1], [], []>, transpose_lhs_hint = false} : vector<128x128xf32>, vector<128x512xf32>, vector<128x512xf32> -> vector<128x512xf32>
      %add3A_222 = arith.addf %get3A_216, %dot_general3A_221 : vector<128x512xf32>
      %slice3A_223 = vector.extract_strided_slice %add3A_222 {offsets = [0, 0], sizes = [128, 128], strides = [1, 1]} : vector<128x512xf32> to vector<128x128xf32>
      %logistic3A_224 = arith.negf %slice3A_223 : vector<128x128xf32>
      %logistic3A_225 = math.exp %logistic3A_224 : vector<128x128xf32>
      %logistic3A_226 = arith.constant 1.000000e+00 : f32
      %logistic3A_227 = vector.broadcast %logistic3A_226 : f32 to vector<128x128xf32>
      %logistic3A_228 = arith.addf %logistic3A_227, %logistic3A_225 : vector<128x128xf32>
      %logistic3A_229 = arith.divf %logistic3A_227, %logistic3A_228 : vector<128x128xf32>
      %slice3A_230 = vector.extract_strided_slice %add3A_222 {offsets = [0, 128], sizes = [128, 128], strides = [1, 1]} : vector<128x512xf32> to vector<128x128xf32>
      %logistic3A_231 = arith.negf %slice3A_230 : vector<128x128xf32>
      %logistic3A_232 = math.exp %logistic3A_231 : vector<128x128xf32>
      %logistic3A_233 = arith.constant 1.000000e+00 : f32
      %logistic3A_234 = vector.broadcast %logistic3A_233 : f32 to vector<128x128xf32>
      %logistic3A_235 = arith.addf %logistic3A_234, %logistic3A_232 : vector<128x128xf32>
      %logistic3A_236 = arith.divf %logistic3A_234, %logistic3A_235 : vector<128x128xf32>
      %slice3A_237 = vector.extract_strided_slice %add3A_222 {offsets = [0, 256], sizes = [128, 128], strides = [1, 1]} : vector<128x512xf32> to vector<128x128xf32>
      %tanh3A_238 = math.tanh %slice3A_237 : vector<128x128xf32>
      %slice3A_239 = vector.extract_strided_slice %add3A_222 {offsets = [0, 384], sizes = [128, 128], strides = [1, 1]} : vector<128x512xf32> to vector<128x128xf32>
      %logistic3A_240 = arith.negf %slice3A_239 : vector<128x128xf32>
      %logistic3A_241 = math.exp %logistic3A_240 : vector<128x128xf32>
      %logistic3A_242 = arith.constant 1.000000e+00 : f32
      %logistic3A_243 = vector.broadcast %logistic3A_242 : f32 to vector<128x128xf32>
      %logistic3A_244 = arith.addf %logistic3A_243, %logistic3A_241 : vector<128x128xf32>
      %logistic3A_245 = arith.divf %logistic3A_243, %logistic3A_244 : vector<128x128xf32>
      %mul3A_246 = arith.mulf %logistic3A_236, %add3A_162 : vector<128x128xf32>
      %mul3A_247 = arith.mulf %logistic3A_229, %tanh3A_238 : vector<128x128xf32>
      %add3A_248 = arith.addf %mul3A_246, %mul3A_247 : vector<128x128xf32>
      %tanh3A_249 = math.tanh %add3A_248 : vector<128x128xf32>
      %mul3A_250 = arith.mulf %logistic3A_245, %tanh3A_249 : vector<128x128xf32>
      %swap3A_251 = arith.constant 6 : index
      %swap3A_252 = arith.constant 0 : index
      %swap3A_253 = arith.constant 0 : index
      %swap3A_254 = vector.load %arg13[%swap3A_251, %swap3A_252, %swap3A_253] : memref<8x128x128xf32, #tpu.memory_space<vmem>>, vector<1x128x128xf32>
      %swap3A_255 = vector.shape_cast %swap3A_254 : vector<1x128x128xf32> to vector<128x128xf32>
      %swap3A_256 = vector.shape_cast %mul3A_250 : vector<128x128xf32> to vector<1x128x128xf32>
      tpu.vector_store %arg13[%swap3A_251, %swap3A_252, %swap3A_253], %swap3A_256 {strides = array<i32>} : memref<8x128x128xf32, #tpu.memory_space<vmem>>, vector<1x128x128xf32>,
      %get3A_257 = arith.constant 256 : index
      %get3A_258 = arith.constant 0 : index
      %get3A_259 = vector.load %arg20[%get3A_257, %get3A_258] : memref<1024x512xf32, #tpu.memory_space<vmem>>, vector<128x512xf32>
      %get3A_260 = arith.constant 0 : index
      %get3A_261 = arith.constant 0 : index
      %get3A_262 = vector.load %arg5[%get3A_260, %get3A_261] : memref<128x512xf32, #tpu.memory_space<vmem>>, vector<128x512xf32>
      %dot_general3A_263 = arith.constant dense<0.000000e+00> : vector<128x512xf32>
      %dot_general3A_264 = tpu.matmul %mul3A_207, %get3A_262, %dot_general3A_263 {dimension_numbers = #tpu.dot_dimension_numbers<[1], [0], [0], [1], [0, 0, 1, 1], [], []>, transpose_lhs_hint = false} : vector<128x128xf32>, vector<128x512xf32>, vector<128x512xf32> -> vector<128x512xf32>
      %add3A_265 = arith.addf %get3A_259, %dot_general3A_264 : vector<128x512xf32>
      %slice3A_266 = vector.extract_strided_slice %add3A_265 {offsets = [0, 0], sizes = [128, 128], strides = [1, 1]} : vector<128x512xf32> to vector<128x128xf32>
      %logistic3A_267 = arith.negf %slice3A_266 : vector<128x128xf32>
      %logistic3A_268 = math.exp %logistic3A_267 : vector<128x128xf32>
      %logistic3A_269 = arith.constant 1.000000e+00 : f32
      %logistic3A_270 = vector.broadcast %logistic3A_269 : f32 to vector<128x128xf32>
      %logistic3A_271 = arith.addf %logistic3A_270, %logistic3A_268 : vector<128x128xf32>
      %logistic3A_272 = arith.divf %logistic3A_270, %logistic3A_271 : vector<128x128xf32>
      %slice3A_273 = vector.extract_strided_slice %add3A_265 {offsets = [0, 128], sizes = [128, 128], strides = [1, 1]} : vector<128x512xf32> to vector<128x128xf32>
      %logistic3A_274 = arith.negf %slice3A_273 : vector<128x128xf32>
      %logistic3A_275 = math.exp %logistic3A_274 : vector<128x128xf32>
      %logistic3A_276 = arith.constant 1.000000e+00 : f32
      %logistic3A_277 = vector.broadcast %logistic3A_276 : f32 to vector<128x128xf32>
      %logistic3A_278 = arith.addf %logistic3A_277, %logistic3A_275 : vector<128x128xf32>
      %logistic3A_279 = arith.divf %logistic3A_277, %logistic3A_278 : vector<128x128xf32>
      %slice3A_280 = vector.extract_strided_slice %add3A_265 {offsets = [0, 256], sizes = [128, 128], strides = [1, 1]} : vector<128x512xf32> to vector<128x128xf32>
      %tanh3A_281 = math.tanh %slice3A_280 : vector<128x128xf32>
      %slice3A_282 = vector.extract_strided_slice %add3A_265 {offsets = [0, 384], sizes = [128, 128], strides = [1, 1]} : vector<128x512xf32> to vector<128x128xf32>
      %logistic3A_283 = arith.negf %slice3A_282 : vector<128x128xf32>
      %logistic3A_284 = math.exp %logistic3A_283 : vector<128x128xf32>
      %logistic3A_285 = arith.constant 1.000000e+00 : f32
      %logistic3A_286 = vector.broadcast %logistic3A_285 : f32 to vector<128x128xf32>
      %logistic3A_287 = arith.addf %logistic3A_286, %logistic3A_284 : vector<128x128xf32>
      %logistic3A_288 = arith.divf %logistic3A_286, %logistic3A_287 : vector<128x128xf32>
      %mul3A_289 = arith.mulf %logistic3A_279, %add3A_205 : vector<128x128xf32>
      %mul3A_290 = arith.mulf %logistic3A_272, %tanh3A_281 : vector<128x128xf32>
      %add3A_291 = arith.addf %mul3A_289, %mul3A_290 : vector<128x128xf32>
      %tanh3A_292 = math.tanh %add3A_291 : vector<128x128xf32>
      %mul3A_293 = arith.mulf %logistic3A_288, %tanh3A_292 : vector<128x128xf32>
      %swap3A_294 = arith.constant 2 : index
      %swap3A_295 = arith.constant 0 : index
      %swap3A_296 = arith.constant 0 : index
      %swap3A_297 = vector.load %arg12[%swap3A_294, %swap3A_295, %swap3A_296] : memref<8x128x128xf32, #tpu.memory_space<vmem>>, vector<1x128x128xf32>
      %swap3A_298 = vector.shape_cast %swap3A_297 : vector<1x128x128xf32> to vector<128x128xf32>
      %swap3A_299 = vector.shape_cast %mul3A_293 : vector<128x128xf32> to vector<1x128x128xf32>
      tpu.vector_store %arg12[%swap3A_294, %swap3A_295, %swap3A_296], %swap3A_299 {strides = array<i32>} : memref<8x128x128xf32, #tpu.memory_space<vmem>>, vector<1x128x128xf32>,
      %get3A_300 = arith.constant 640 : index
      %get3A_301 = arith.constant 0 : index
      %get3A_302 = vector.load %arg21[%get3A_300, %get3A_301] : memref<1024x512xf32, #tpu.memory_space<vmem>>, vector<128x512xf32>
      %get3A_303 = arith.constant 0 : index
      %get3A_304 = arith.constant 0 : index
      %get3A_305 = vector.load %arg9[%get3A_303, %get3A_304] : memref<128x512xf32, #tpu.memory_space<vmem>>, vector<128x512xf32>
      %dot_general3A_306 = arith.constant dense<0.000000e+00> : vector<128x512xf32>
      %dot_general3A_307 = tpu.matmul %mul3A_250, %get3A_305, %dot_general3A_306 {dimension_numbers = #tpu.dot_dimension_numbers<[1], [0], [0], [1], [0, 0, 1, 1], [], []>, transpose_lhs_hint = false} : vector<128x128xf32>, vector<128x512xf32>, vector<128x512xf32> -> vector<128x512xf32>
      %add3A_308 = arith.addf %get3A_302, %dot_general3A_307 : vector<128x512xf32>
      %slice3A_309 = vector.extract_strided_slice %add3A_308 {offsets = [0, 0], sizes = [128, 128], strides = [1, 1]} : vector<128x512xf32> to vector<128x128xf32>
      %logistic3A_310 = arith.negf %slice3A_309 : vector<128x128xf32>
      %logistic3A_311 = math.exp %logistic3A_310 : vector<128x128xf32>
      %logistic3A_312 = arith.constant 1.000000e+00 : f32
      %logistic3A_313 = vector.broadcast %logistic3A_312 : f32 to vector<128x128xf32>
      %logistic3A_314 = arith.addf %logistic3A_313, %logistic3A_311 : vector<128x128xf32>
      %logistic3A_315 = arith.divf %logistic3A_313, %logistic3A_314 : vector<128x128xf32>
      %slice3A_316 = vector.extract_strided_slice %add3A_308 {offsets = [0, 128], sizes = [128, 128], strides = [1, 1]} : vector<128x512xf32> to vector<128x128xf32>
      %logistic3A_317 = arith.negf %slice3A_316 : vector<128x128xf32>
      %logistic3A_318 = math.exp %logistic3A_317 : vector<128x128xf32>
      %logistic3A_319 = arith.constant 1.000000e+00 : f32
      %logistic3A_320 = vector.broadcast %logistic3A_319 : f32 to vector<128x128xf32>
      %logistic3A_321 = arith.addf %logistic3A_320, %logistic3A_318 : vector<128x128xf32>
      %logistic3A_322 = arith.divf %logistic3A_320, %logistic3A_321 : vector<128x128xf32>
      %slice3A_323 = vector.extract_strided_slice %add3A_308 {offsets = [0, 256], sizes = [128, 128], strides = [1, 1]} : vector<128x512xf32> to vector<128x128xf32>
      %tanh3A_324 = math.tanh %slice3A_323 : vector<128x128xf32>
      %slice3A_325 = vector.extract_strided_slice %add3A_308 {offsets = [0, 384], sizes = [128, 128], strides = [1, 1]} : vector<128x512xf32> to vector<128x128xf32>
      %logistic3A_326 = arith.negf %slice3A_325 : vector<128x128xf32>
      %logistic3A_327 = math.exp %logistic3A_326 : vector<128x128xf32>
      %logistic3A_328 = arith.constant 1.000000e+00 : f32
      %logistic3A_329 = vector.broadcast %logistic3A_328 : f32 to vector<128x128xf32>
      %logistic3A_330 = arith.addf %logistic3A_329, %logistic3A_327 : vector<128x128xf32>
      %logistic3A_331 = arith.divf %logistic3A_329, %logistic3A_330 : vector<128x128xf32>
      %mul3A_332 = arith.mulf %logistic3A_322, %add3A_248 : vector<128x128xf32>
      %mul3A_333 = arith.mulf %logistic3A_315, %tanh3A_324 : vector<128x128xf32>
      %add3A_334 = arith.addf %mul3A_332, %mul3A_333 : vector<128x128xf32>
      %tanh3A_335 = math.tanh %add3A_334 : vector<128x128xf32>
      %mul3A_336 = arith.mulf %logistic3A_331, %tanh3A_335 : vector<128x128xf32>
      %swap3A_337 = arith.constant 5 : index
      %swap3A_338 = arith.constant 0 : index
      %swap3A_339 = arith.constant 0 : index
      %swap3A_340 = vector.load %arg13[%swap3A_337, %swap3A_338, %swap3A_339] : memref<8x128x128xf32, #tpu.memory_space<vmem>>, vector<1x128x128xf32>
      %swap3A_341 = vector.shape_cast %swap3A_340 : vector<1x128x128xf32> to vector<128x128xf32>
      %swap3A_342 = vector.shape_cast %mul3A_336 : vector<128x128xf32> to vector<1x128x128xf32>
      tpu.vector_store %arg13[%swap3A_337, %swap3A_338, %swap3A_339], %swap3A_342 {strides = array<i32>} : memref<8x128x128xf32, #tpu.memory_space<vmem>>, vector<1x128x128xf32>,
      %get3A_343 = arith.constant 384 : index
      %get3A_344 = arith.constant 0 : index
      %get3A_345 = vector.load %arg20[%get3A_343, %get3A_344] : memref<1024x512xf32, #tpu.memory_space<vmem>>, vector<128x512xf32>
      %get3A_346 = arith.constant 0 : index
      %get3A_347 = arith.constant 0 : index
      %get3A_348 = vector.load %arg5[%get3A_346, %get3A_347] : memref<128x512xf32, #tpu.memory_space<vmem>>, vector<128x512xf32>
      %dot_general3A_349 = arith.constant dense<0.000000e+00> : vector<128x512xf32>
      %dot_general3A_350 = tpu.matmul %mul3A_293, %get3A_348, %dot_general3A_349 {dimension_numbers = #tpu.dot_dimension_numbers<[1], [0], [0], [1], [0, 0, 1, 1], [], []>, transpose_lhs_hint = false} : vector<128x128xf32>, vector<128x512xf32>, vector<128x512xf32> -> vector<128x512xf32>
      %add3A_351 = arith.addf %get3A_345, %dot_general3A_350 : vector<128x512xf32>
      %slice3A_352 = vector.extract_strided_slice %add3A_351 {offsets = [0, 0], sizes = [128, 128], strides = [1, 1]} : vector<128x512xf32> to vector<128x128xf32>
      %logistic3A_353 = arith.negf %slice3A_352 : vector<128x128xf32>
      %logistic3A_354 = math.exp %logistic3A_353 : vector<128x128xf32>
      %logistic3A_355 = arith.constant 1.000000e+00 : f32
      %logistic3A_356 = vector.broadcast %logistic3A_355 : f32 to vector<128x128xf32>
      %logistic3A_357 = arith.addf %logistic3A_356, %logistic3A_354 : vector<128x128xf32>
      %logistic3A_358 = arith.divf %logistic3A_356, %logistic3A_357 : vector<128x128xf32>
      %slice3A_359 = vector.extract_strided_slice %add3A_351 {offsets = [0, 128], sizes = [128, 128], strides = [1, 1]} : vector<128x512xf32> to vector<128x128xf32>
      %logistic3A_360 = arith.negf %slice3A_359 : vector<128x128xf32>
      %logistic3A_361 = math.exp %logistic3A_360 : vector<128x128xf32>
      %logistic3A_362 = arith.constant 1.000000e+00 : f32
      %logistic3A_363 = vector.broadcast %logistic3A_362 : f32 to vector<128x128xf32>
      %logistic3A_364 = arith.addf %logistic3A_363, %logistic3A_361 : vector<128x128xf32>
      %logistic3A_365 = arith.divf %logistic3A_363, %logistic3A_364 : vector<128x128xf32>
      %slice3A_366 = vector.extract_strided_slice %add3A_351 {offsets = [0, 256], sizes = [128, 128], strides = [1, 1]} : vector<128x512xf32> to vector<128x128xf32>
      %tanh3A_367 = math.tanh %slice3A_366 : vector<128x128xf32>
      %slice3A_368 = vector.extract_strided_slice %add3A_351 {offsets = [0, 384], sizes = [128, 128], strides = [1, 1]} : vector<128x512xf32> to vector<128x128xf32>
      %logistic3A_369 = arith.negf %slice3A_368 : vector<128x128xf32>
      %logistic3A_370 = math.exp %logistic3A_369 : vector<128x128xf32>
      %logistic3A_371 = arith.constant 1.000000e+00 : f32
      %logistic3A_372 = vector.broadcast %logistic3A_371 : f32 to vector<128x128xf32>
      %logistic3A_373 = arith.addf %logistic3A_372, %logistic3A_370 : vector<128x128xf32>
      %logistic3A_374 = arith.divf %logistic3A_372, %logistic3A_373 : vector<128x128xf32>
      %mul3A_375 = arith.mulf %logistic3A_365, %add3A_291 : vector<128x128xf32>
      %mul3A_376 = arith.mulf %logistic3A_358, %tanh3A_367 : vector<128x128xf32>
      %add3A_377 = arith.addf %mul3A_375, %mul3A_376 : vector<128x128xf32>
      %tanh3A_378 = math.tanh %add3A_377 : vector<128x128xf32>
      %mul3A_379 = arith.mulf %logistic3A_374, %tanh3A_378 : vector<128x128xf32>
      %swap3A_380 = arith.constant 3 : index
      %swap3A_381 = arith.constant 0 : index
      %swap3A_382 = arith.constant 0 : index
      %swap3A_383 = vector.load %arg12[%swap3A_380, %swap3A_381, %swap3A_382] : memref<8x128x128xf32, #tpu.memory_space<vmem>>, vector<1x128x128xf32>
      %swap3A_384 = vector.shape_cast %swap3A_383 : vector<1x128x128xf32> to vector<128x128xf32>
      %swap3A_385 = vector.shape_cast %mul3A_379 : vector<128x128xf32> to vector<1x128x128xf32>
      tpu.vector_store %arg12[%swap3A_380, %swap3A_381, %swap3A_382], %swap3A_385 {strides = array<i32>} : memref<8x128x128xf32, #tpu.memory_space<vmem>>, vector<1x128x128xf32>,
      %get3A_386 = arith.constant 512 : index
      %get3A_387 = arith.constant 0 : index
      %get3A_388 = vector.load %arg21[%get3A_386, %get3A_387] : memref<1024x512xf32, #tpu.memory_space<vmem>>, vector<128x512xf32>
      %get3A_389 = arith.constant 0 : index
      %get3A_390 = arith.constant 0 : index
      %get3A_391 = vector.load %arg9[%get3A_389, %get3A_390] : memref<128x512xf32, #tpu.memory_space<vmem>>, vector<128x512xf32>
      %dot_general3A_392 = arith.constant dense<0.000000e+00> : vector<128x512xf32>
      %dot_general3A_393 = tpu.matmul %mul3A_336, %get3A_391, %dot_general3A_392 {dimension_numbers = #tpu.dot_dimension_numbers<[1], [0], [0], [1], [0, 0, 1, 1], [], []>, transpose_lhs_hint = false} : vector<128x128xf32>, vector<128x512xf32>, vector<128x512xf32> -> vector<128x512xf32>
      %add3A_394 = arith.addf %get3A_388, %dot_general3A_393 : vector<128x512xf32>
      %slice3A_395 = vector.extract_strided_slice %add3A_394 {offsets = [0, 0], sizes = [128, 128], strides = [1, 1]} : vector<128x512xf32> to vector<128x128xf32>
      %logistic3A_396 = arith.negf %slice3A_395 : vector<128x128xf32>
      %logistic3A_397 = math.exp %logistic3A_396 : vector<128x128xf32>
      %logistic3A_398 = arith.constant 1.000000e+00 : f32
      %logistic3A_399 = vector.broadcast %logistic3A_398 : f32 to vector<128x128xf32>
      %logistic3A_400 = arith.addf %logistic3A_399, %logistic3A_397 : vector<128x128xf32>
      %logistic3A_401 = arith.divf %logistic3A_399, %logistic3A_400 : vector<128x128xf32>
      %slice3A_402 = vector.extract_strided_slice %add3A_394 {offsets = [0, 128], sizes = [128, 128], strides = [1, 1]} : vector<128x512xf32> to vector<128x128xf32>
      %logistic3A_403 = arith.negf %slice3A_402 : vector<128x128xf32>
      %logistic3A_404 = math.exp %logistic3A_403 : vector<128x128xf32>
      %logistic3A_405 = arith.constant 1.000000e+00 : f32
      %logistic3A_406 = vector.broadcast %logistic3A_405 : f32 to vector<128x128xf32>
      %logistic3A_407 = arith.addf %logistic3A_406, %logistic3A_404 : vector<128x128xf32>
      %logistic3A_408 = arith.divf %logistic3A_406, %logistic3A_407 : vector<128x128xf32>
      %slice3A_409 = vector.extract_strided_slice %add3A_394 {offsets = [0, 256], sizes = [128, 128], strides = [1, 1]} : vector<128x512xf32> to vector<128x128xf32>
      %tanh3A_410 = math.tanh %slice3A_409 : vector<128x128xf32>
      %slice3A_411 = vector.extract_strided_slice %add3A_394 {offsets = [0, 384], sizes = [128, 128], strides = [1, 1]} : vector<128x512xf32> to vector<128x128xf32>
      %logistic3A_412 = arith.negf %slice3A_411 : vector<128x128xf32>
      %logistic3A_413 = math.exp %logistic3A_412 : vector<128x128xf32>
      %logistic3A_414 = arith.constant 1.000000e+00 : f32
      %logistic3A_415 = vector.broadcast %logistic3A_414 : f32 to vector<128x128xf32>
      %logistic3A_416 = arith.addf %logistic3A_415, %logistic3A_413 : vector<128x128xf32>
      %logistic3A_417 = arith.divf %logistic3A_415, %logistic3A_416 : vector<128x128xf32>
      %mul3A_418 = arith.mulf %logistic3A_408, %add3A_334 : vector<128x128xf32>
      %mul3A_419 = arith.mulf %logistic3A_401, %tanh3A_410 : vector<128x128xf32>
      %add3A_420 = arith.addf %mul3A_418, %mul3A_419 : vector<128x128xf32>
      %tanh3A_421 = math.tanh %add3A_420 : vector<128x128xf32>
      %mul3A_422 = arith.mulf %logistic3A_417, %tanh3A_421 : vector<128x128xf32>
      %swap3A_423 = arith.constant 4 : index
      %swap3A_424 = arith.constant 0 : index
      %swap3A_425 = arith.constant 0 : index
      %swap3A_426 = vector.load %arg13[%swap3A_423, %swap3A_424, %swap3A_425] : memref<8x128x128xf32, #tpu.memory_space<vmem>>, vector<1x128x128xf32>
      %swap3A_427 = vector.shape_cast %swap3A_426 : vector<1x128x128xf32> to vector<128x128xf32>
      %swap3A_428 = vector.shape_cast %mul3A_422 : vector<128x128xf32> to vector<1x128x128xf32>
      tpu.vector_store %arg13[%swap3A_423, %swap3A_424, %swap3A_425], %swap3A_428 {strides = array<i32>} : memref<8x128x128xf32, #tpu.memory_space<vmem>>, vector<1x128x128xf32>,
      %get3A_429 = arith.constant 512 : index
      %get3A_430 = arith.constant 0 : index
      %get3A_431 = vector.load %arg20[%get3A_429, %get3A_430] : memref<1024x512xf32, #tpu.memory_space<vmem>>, vector<128x512xf32>
      %get3A_432 = arith.constant 0 : index
      %get3A_433 = arith.constant 0 : index
      %get3A_434 = vector.load %arg5[%get3A_432, %get3A_433] : memref<128x512xf32, #tpu.memory_space<vmem>>, vector<128x512xf32>
      %dot_general3A_435 = arith.constant dense<0.000000e+00> : vector<128x512xf32>
      %dot_general3A_436 = tpu.matmul %mul3A_379, %get3A_434, %dot_general3A_435 {dimension_numbers = #tpu.dot_dimension_numbers<[1], [0], [0], [1], [0, 0, 1, 1], [], []>, transpose_lhs_hint = false} : vector<128x128xf32>, vector<128x512xf32>, vector<128x512xf32> -> vector<128x512xf32>
      %add3A_437 = arith.addf %get3A_431, %dot_general3A_436 : vector<128x512xf32>
      %slice3A_438 = vector.extract_strided_slice %add3A_437 {offsets = [0, 0], sizes = [128, 128], strides = [1, 1]} : vector<128x512xf32> to vector<128x128xf32>
      %logistic3A_439 = arith.negf %slice3A_438 : vector<128x128xf32>
      %logistic3A_440 = math.exp %logistic3A_439 : vector<128x128xf32>
      %logistic3A_441 = arith.constant 1.000000e+00 : f32
      %logistic3A_442 = vector.broadcast %logistic3A_441 : f32 to vector<128x128xf32>
      %logistic3A_443 = arith.addf %logistic3A_442, %logistic3A_440 : vector<128x128xf32>
      %logistic3A_444 = arith.divf %logistic3A_442, %logistic3A_443 : vector<128x128xf32>
      %slice3A_445 = vector.extract_strided_slice %add3A_437 {offsets = [0, 128], sizes = [128, 128], strides = [1, 1]} : vector<128x512xf32> to vector<128x128xf32>
      %logistic3A_446 = arith.negf %slice3A_445 : vector<128x128xf32>
      %logistic3A_447 = math.exp %logistic3A_446 : vector<128x128xf32>
      %logistic3A_448 = arith.constant 1.000000e+00 : f32
      %logistic3A_449 = vector.broadcast %logistic3A_448 : f32 to vector<128x128xf32>
      %logistic3A_450 = arith.addf %logistic3A_449, %logistic3A_447 : vector<128x128xf32>
      %logistic3A_451 = arith.divf %logistic3A_449, %logistic3A_450 : vector<128x128xf32>
      %slice3A_452 = vector.extract_strided_slice %add3A_437 {offsets = [0, 256], sizes = [128, 128], strides = [1, 1]} : vector<128x512xf32> to vector<128x128xf32>
      %tanh3A_453 = math.tanh %slice3A_452 : vector<128x128xf32>
      %slice3A_454 = vector.extract_strided_slice %add3A_437 {offsets = [0, 384], sizes = [128, 128], strides = [1, 1]} : vector<128x512xf32> to vector<128x128xf32>
      %logistic3A_455 = arith.negf %slice3A_454 : vector<128x128xf32>
      %logistic3A_456 = math.exp %logistic3A_455 : vector<128x128xf32>
      %logistic3A_457 = arith.constant 1.000000e+00 : f32
      %logistic3A_458 = vector.broadcast %logistic3A_457 : f32 to vector<128x128xf32>
      %logistic3A_459 = arith.addf %logistic3A_458, %logistic3A_456 : vector<128x128xf32>
      %logistic3A_460 = arith.divf %logistic3A_458, %logistic3A_459 : vector<128x128xf32>
      %mul3A_461 = arith.mulf %logistic3A_451, %add3A_377 : vector<128x128xf32>
      %mul3A_462 = arith.mulf %logistic3A_444, %tanh3A_453 : vector<128x128xf32>
      %add3A_463 = arith.addf %mul3A_461, %mul3A_462 : vector<128x128xf32>
      %tanh3A_464 = math.tanh %add3A_463 : vector<128x128xf32>
      %mul3A_465 = arith.mulf %logistic3A_460, %tanh3A_464 : vector<128x128xf32>
      %swap3A_466 = arith.constant 4 : index
      %swap3A_467 = arith.constant 0 : index
      %swap3A_468 = arith.constant 0 : index
      %swap3A_469 = vector.load %arg12[%swap3A_466, %swap3A_467, %swap3A_468] : memref<8x128x128xf32, #tpu.memory_space<vmem>>, vector<1x128x128xf32>
      %swap3A_470 = vector.shape_cast %swap3A_469 : vector<1x128x128xf32> to vector<128x128xf32>
      %swap3A_471 = vector.shape_cast %mul3A_465 : vector<128x128xf32> to vector<1x128x128xf32>
      tpu.vector_store %arg12[%swap3A_466, %swap3A_467, %swap3A_468], %swap3A_471 {strides = array<i32>} : memref<8x128x128xf32, #tpu.memory_space<vmem>>, vector<1x128x128xf32>,
      %get3A_472 = arith.constant 384 : index
      %get3A_473 = arith.constant 0 : index
      %get3A_474 = vector.load %arg21[%get3A_472, %get3A_473] : memref<1024x512xf32, #tpu.memory_space<vmem>>, vector<128x512xf32>
      %get3A_475 = arith.constant 0 : index
      %get3A_476 = arith.constant 0 : index
      %get3A_477 = vector.load %arg9[%get3A_475, %get3A_476] : memref<128x512xf32, #tpu.memory_space<vmem>>, vector<128x512xf32>
      %dot_general3A_478 = arith.constant dense<0.000000e+00> : vector<128x512xf32>
      %dot_general3A_479 = tpu.matmul %mul3A_422, %get3A_477, %dot_general3A_478 {dimension_numbers = #tpu.dot_dimension_numbers<[1], [0], [0], [1], [0, 0, 1, 1], [], []>, transpose_lhs_hint = false} : vector<128x128xf32>, vector<128x512xf32>, vector<128x512xf32> -> vector<128x512xf32>
      %add3A_480 = arith.addf %get3A_474, %dot_general3A_479 : vector<128x512xf32>
      %slice3A_481 = vector.extract_strided_slice %add3A_480 {offsets = [0, 0], sizes = [128, 128], strides = [1, 1]} : vector<128x512xf32> to vector<128x128xf32>
      %logistic3A_482 = arith.negf %slice3A_481 : vector<128x128xf32>
      %logistic3A_483 = math.exp %logistic3A_482 : vector<128x128xf32>
      %logistic3A_484 = arith.constant 1.000000e+00 : f32
      %logistic3A_485 = vector.broadcast %logistic3A_484 : f32 to vector<128x128xf32>
      %logistic3A_486 = arith.addf %logistic3A_485, %logistic3A_483 : vector<128x128xf32>
      %logistic3A_487 = arith.divf %logistic3A_485, %logistic3A_486 : vector<128x128xf32>
      %slice3A_488 = vector.extract_strided_slice %add3A_480 {offsets = [0, 128], sizes = [128, 128], strides = [1, 1]} : vector<128x512xf32> to vector<128x128xf32>
      %logistic3A_489 = arith.negf %slice3A_488 : vector<128x128xf32>
      %logistic3A_490 = math.exp %logistic3A_489 : vector<128x128xf32>
      %logistic3A_491 = arith.constant 1.000000e+00 : f32
      %logistic3A_492 = vector.broadcast %logistic3A_491 : f32 to vector<128x128xf32>
      %logistic3A_493 = arith.addf %logistic3A_492, %logistic3A_490 : vector<128x128xf32>
      %logistic3A_494 = arith.divf %logistic3A_492, %logistic3A_493 : vector<128x128xf32>
      %slice3A_495 = vector.extract_strided_slice %add3A_480 {offsets = [0, 256], sizes = [128, 128], strides = [1, 1]} : vector<128x512xf32> to vector<128x128xf32>
      %tanh3A_496 = math.tanh %slice3A_495 : vector<128x128xf32>
      %slice3A_497 = vector.extract_strided_slice %add3A_480 {offsets = [0, 384], sizes = [128, 128], strides = [1, 1]} : vector<128x512xf32> to vector<128x128xf32>
      %logistic3A_498 = arith.negf %slice3A_497 : vector<128x128xf32>
      %logistic3A_499 = math.exp %logistic3A_498 : vector<128x128xf32>
      %logistic3A_500 = arith.constant 1.000000e+00 : f32
      %logistic3A_501 = vector.broadcast %logistic3A_500 : f32 to vector<128x128xf32>
      %logistic3A_502 = arith.addf %logistic3A_501, %logistic3A_499 : vector<128x128xf32>
      %logistic3A_503 = arith.divf %logistic3A_501, %logistic3A_502 : vector<128x128xf32>
      %mul3A_504 = arith.mulf %logistic3A_494, %add3A_420 : vector<128x128xf32>
      %mul3A_505 = arith.mulf %logistic3A_487, %tanh3A_496 : vector<128x128xf32>
      %add3A_506 = arith.addf %mul3A_504, %mul3A_505 : vector<128x128xf32>
      %tanh3A_507 = math.tanh %add3A_506 : vector<128x128xf32>
      %mul3A_508 = arith.mulf %logistic3A_503, %tanh3A_507 : vector<128x128xf32>
      %swap3A_509 = arith.constant 3 : index
      %swap3A_510 = arith.constant 0 : index
      %swap3A_511 = arith.constant 0 : index
      %swap3A_512 = vector.load %arg13[%swap3A_509, %swap3A_510, %swap3A_511] : memref<8x128x128xf32, #tpu.memory_space<vmem>>, vector<1x128x128xf32>
      %swap3A_513 = vector.shape_cast %swap3A_512 : vector<1x128x128xf32> to vector<128x128xf32>
      %swap3A_514 = vector.shape_cast %mul3A_508 : vector<128x128xf32> to vector<1x128x128xf32>
      tpu.vector_store %arg13[%swap3A_509, %swap3A_510, %swap3A_511], %swap3A_514 {strides = array<i32>} : memref<8x128x128xf32, #tpu.memory_space<vmem>>, vector<1x128x128xf32>,
      %get3A_515 = arith.constant 640 : index
      %get3A_516 = arith.constant 0 : index
      %get3A_517 = vector.load %arg20[%get3A_515, %get3A_516] : memref<1024x512xf32, #tpu.memory_space<vmem>>, vector<128x512xf32>
      %get3A_518 = arith.constant 0 : index
      %get3A_519 = arith.constant 0 : index
      %get3A_520 = vector.load %arg5[%get3A_518, %get3A_519] : memref<128x512xf32, #tpu.memory_space<vmem>>, vector<128x512xf32>
      %dot_general3A_521 = arith.constant dense<0.000000e+00> : vector<128x512xf32>
      %dot_general3A_522 = tpu.matmul %mul3A_465, %get3A_520, %dot_general3A_521 {dimension_numbers = #tpu.dot_dimension_numbers<[1], [0], [0], [1], [0, 0, 1, 1], [], []>, transpose_lhs_hint = false} : vector<128x128xf32>, vector<128x512xf32>, vector<128x512xf32> -> vector<128x512xf32>
      %add3A_523 = arith.addf %get3A_517, %dot_general3A_522 : vector<128x512xf32>
      %slice3A_524 = vector.extract_strided_slice %add3A_523 {offsets = [0, 0], sizes = [128, 128], strides = [1, 1]} : vector<128x512xf32> to vector<128x128xf32>
      %logistic3A_525 = arith.negf %slice3A_524 : vector<128x128xf32>
      %logistic3A_526 = math.exp %logistic3A_525 : vector<128x128xf32>
      %logistic3A_527 = arith.constant 1.000000e+00 : f32
      %logistic3A_528 = vector.broadcast %logistic3A_527 : f32 to vector<128x128xf32>
      %logistic3A_529 = arith.addf %logistic3A_528, %logistic3A_526 : vector<128x128xf32>
      %logistic3A_530 = arith.divf %logistic3A_528, %logistic3A_529 : vector<128x128xf32>
      %slice3A_531 = vector.extract_strided_slice %add3A_523 {offsets = [0, 128], sizes = [128, 128], strides = [1, 1]} : vector<128x512xf32> to vector<128x128xf32>
      %logistic3A_532 = arith.negf %slice3A_531 : vector<128x128xf32>
      %logistic3A_533 = math.exp %logistic3A_532 : vector<128x128xf32>
      %logistic3A_534 = arith.constant 1.000000e+00 : f32
      %logistic3A_535 = vector.broadcast %logistic3A_534 : f32 to vector<128x128xf32>
      %logistic3A_536 = arith.addf %logistic3A_535, %logistic3A_533 : vector<128x128xf32>
      %logistic3A_537 = arith.divf %logistic3A_535, %logistic3A_536 : vector<128x128xf32>
      %slice3A_538 = vector.extract_strided_slice %add3A_523 {offsets = [0, 256], sizes = [128, 128], strides = [1, 1]} : vector<128x512xf32> to vector<128x128xf32>
      %tanh3A_539 = math.tanh %slice3A_538 : vector<128x128xf32>
      %slice3A_540 = vector.extract_strided_slice %add3A_523 {offsets = [0, 384], sizes = [128, 128], strides = [1, 1]} : vector<128x512xf32> to vector<128x128xf32>
      %logistic3A_541 = arith.negf %slice3A_540 : vector<128x128xf32>
      %logistic3A_542 = math.exp %logistic3A_541 : vector<128x128xf32>
      %logistic3A_543 = arith.constant 1.000000e+00 : f32
      %logistic3A_544 = vector.broadcast %logistic3A_543 : f32 to vector<128x128xf32>
      %logistic3A_545 = arith.addf %logistic3A_544, %logistic3A_542 : vector<128x128xf32>
      %logistic3A_546 = arith.divf %logistic3A_544, %logistic3A_545 : vector<128x128xf32>
      %mul3A_547 = arith.mulf %logistic3A_537, %add3A_463 : vector<128x128xf32>
      %mul3A_548 = arith.mulf %logistic3A_530, %tanh3A_539 : vector<128x128xf32>
      %add3A_549 = arith.addf %mul3A_547, %mul3A_548 : vector<128x128xf32>
      %tanh3A_550 = math.tanh %add3A_549 : vector<128x128xf32>
      %mul3A_551 = arith.mulf %logistic3A_546, %tanh3A_550 : vector<128x128xf32>
      %swap3A_552 = arith.constant 5 : index
      %swap3A_553 = arith.constant 0 : index
      %swap3A_554 = arith.constant 0 : index
      %swap3A_555 = vector.load %arg12[%swap3A_552, %swap3A_553, %swap3A_554] : memref<8x128x128xf32, #tpu.memory_space<vmem>>, vector<1x128x128xf32>
      %swap3A_556 = vector.shape_cast %swap3A_555 : vector<1x128x128xf32> to vector<128x128xf32>
      %swap3A_557 = vector.shape_cast %mul3A_551 : vector<128x128xf32> to vector<1x128x128xf32>
      tpu.vector_store %arg12[%swap3A_552, %swap3A_553, %swap3A_554], %swap3A_557 {strides = array<i32>} : memref<8x128x128xf32, #tpu.memory_space<vmem>>, vector<1x128x128xf32>,
      %get3A_558 = arith.constant 256 : index
      %get3A_559 = arith.constant 0 : index
      %get3A_560 = vector.load %arg21[%get3A_558, %get3A_559] : memref<1024x512xf32, #tpu.memory_space<vmem>>, vector<128x512xf32>
      %get3A_561 = arith.constant 0 : index
      %get3A_562 = arith.constant 0 : index
      %get3A_563 = vector.load %arg9[%get3A_561, %get3A_562] : memref<128x512xf32, #tpu.memory_space<vmem>>, vector<128x512xf32>
      %dot_general3A_564 = arith.constant dense<0.000000e+00> : vector<128x512xf32>
      %dot_general3A_565 = tpu.matmul %mul3A_508, %get3A_563, %dot_general3A_564 {dimension_numbers = #tpu.dot_dimension_numbers<[1], [0], [0], [1], [0, 0, 1, 1], [], []>, transpose_lhs_hint = false} : vector<128x128xf32>, vector<128x512xf32>, vector<128x512xf32> -> vector<128x512xf32>
      %add3A_566 = arith.addf %get3A_560, %dot_general3A_565 : vector<128x512xf32>
      %slice3A_567 = vector.extract_strided_slice %add3A_566 {offsets = [0, 0], sizes = [128, 128], strides = [1, 1]} : vector<128x512xf32> to vector<128x128xf32>
      %logistic3A_568 = arith.negf %slice3A_567 : vector<128x128xf32>
      %logistic3A_569 = math.exp %logistic3A_568 : vector<128x128xf32>
      %logistic3A_570 = arith.constant 1.000000e+00 : f32
      %logistic3A_571 = vector.broadcast %logistic3A_570 : f32 to vector<128x128xf32>
      %logistic3A_572 = arith.addf %logistic3A_571, %logistic3A_569 : vector<128x128xf32>
      %logistic3A_573 = arith.divf %logistic3A_571, %logistic3A_572 : vector<128x128xf32>
      %slice3A_574 = vector.extract_strided_slice %add3A_566 {offsets = [0, 128], sizes = [128, 128], strides = [1, 1]} : vector<128x512xf32> to vector<128x128xf32>
      %logistic3A_575 = arith.negf %slice3A_574 : vector<128x128xf32>
      %logistic3A_576 = math.exp %logistic3A_575 : vector<128x128xf32>
      %logistic3A_577 = arith.constant 1.000000e+00 : f32
      %logistic3A_578 = vector.broadcast %logistic3A_577 : f32 to vector<128x128xf32>
      %logistic3A_579 = arith.addf %logistic3A_578, %logistic3A_576 : vector<128x128xf32>
      %logistic3A_580 = arith.divf %logistic3A_578, %logistic3A_579 : vector<128x128xf32>
      %slice3A_581 = vector.extract_strided_slice %add3A_566 {offsets = [0, 256], sizes = [128, 128], strides = [1, 1]} : vector<128x512xf32> to vector<128x128xf32>
      %tanh3A_582 = math.tanh %slice3A_581 : vector<128x128xf32>
      %slice3A_583 = vector.extract_strided_slice %add3A_566 {offsets = [0, 384], sizes = [128, 128], strides = [1, 1]} : vector<128x512xf32> to vector<128x128xf32>
      %logistic3A_584 = arith.negf %slice3A_583 : vector<128x128xf32>
      %logistic3A_585 = math.exp %logistic3A_584 : vector<128x128xf32>
      %logistic3A_586 = arith.constant 1.000000e+00 : f32
      %logistic3A_587 = vector.broadcast %logistic3A_586 : f32 to vector<128x128xf32>
      %logistic3A_588 = arith.addf %logistic3A_587, %logistic3A_585 : vector<128x128xf32>
      %logistic3A_589 = arith.divf %logistic3A_587, %logistic3A_588 : vector<128x128xf32>
      %mul3A_590 = arith.mulf %logistic3A_580, %add3A_506 : vector<128x128xf32>
      %mul3A_591 = arith.mulf %logistic3A_573, %tanh3A_582 : vector<128x128xf32>
      %add3A_592 = arith.addf %mul3A_590, %mul3A_591 : vector<128x128xf32>
      %tanh3A_593 = math.tanh %add3A_592 : vector<128x128xf32>
      %mul3A_594 = arith.mulf %logistic3A_589, %tanh3A_593 : vector<128x128xf32>
      %swap3A_595 = arith.constant 2 : index
      %swap3A_596 = arith.constant 0 : index
      %swap3A_597 = arith.constant 0 : index
      %swap3A_598 = vector.load %arg13[%swap3A_595, %swap3A_596, %swap3A_597] : memref<8x128x128xf32, #tpu.memory_space<vmem>>, vector<1x128x128xf32>
      %swap3A_599 = vector.shape_cast %swap3A_598 : vector<1x128x128xf32> to vector<128x128xf32>
      %swap3A_600 = vector.shape_cast %mul3A_594 : vector<128x128xf32> to vector<1x128x128xf32>
      tpu.vector_store %arg13[%swap3A_595, %swap3A_596, %swap3A_597], %swap3A_600 {strides = array<i32>} : memref<8x128x128xf32, #tpu.memory_space<vmem>>, vector<1x128x128xf32>,
      %get3A_601 = arith.constant 768 : index
      %get3A_602 = arith.constant 0 : index
      %get3A_603 = vector.load %arg20[%get3A_601, %get3A_602] : memref<1024x512xf32, #tpu.memory_space<vmem>>, vector<128x512xf32>
      %get3A_604 = arith.constant 0 : index
      %get3A_605 = arith.constant 0 : index
      %get3A_606 = vector.load %arg5[%get3A_604, %get3A_605] : memref<128x512xf32, #tpu.memory_space<vmem>>, vector<128x512xf32>
      %dot_general3A_607 = arith.constant dense<0.000000e+00> : vector<128x512xf32>
      %dot_general3A_608 = tpu.matmul %mul3A_551, %get3A_606, %dot_general3A_607 {dimension_numbers = #tpu.dot_dimension_numbers<[1], [0], [0], [1], [0, 0, 1, 1], [], []>, transpose_lhs_hint = false} : vector<128x128xf32>, vector<128x512xf32>, vector<128x512xf32> -> vector<128x512xf32>
      %add3A_609 = arith.addf %get3A_603, %dot_general3A_608 : vector<128x512xf32>
      %slice3A_610 = vector.extract_strided_slice %add3A_609 {offsets = [0, 0], sizes = [128, 128], strides = [1, 1]} : vector<128x512xf32> to vector<128x128xf32>
      %logistic3A_611 = arith.negf %slice3A_610 : vector<128x128xf32>
      %logistic3A_612 = math.exp %logistic3A_611 : vector<128x128xf32>
      %logistic3A_613 = arith.constant 1.000000e+00 : f32
      %logistic3A_614 = vector.broadcast %logistic3A_613 : f32 to vector<128x128xf32>
      %logistic3A_615 = arith.addf %logistic3A_614, %logistic3A_612 : vector<128x128xf32>
      %logistic3A_616 = arith.divf %logistic3A_614, %logistic3A_615 : vector<128x128xf32>
      %slice3A_617 = vector.extract_strided_slice %add3A_609 {offsets = [0, 128], sizes = [128, 128], strides = [1, 1]} : vector<128x512xf32> to vector<128x128xf32>
      %logistic3A_618 = arith.negf %slice3A_617 : vector<128x128xf32>
      %logistic3A_619 = math.exp %logistic3A_618 : vector<128x128xf32>
      %logistic3A_620 = arith.constant 1.000000e+00 : f32
      %logistic3A_621 = vector.broadcast %logistic3A_620 : f32 to vector<128x128xf32>
      %logistic3A_622 = arith.addf %logistic3A_621, %logistic3A_619 : vector<128x128xf32>
      %logistic3A_623 = arith.divf %logistic3A_621, %logistic3A_622 : vector<128x128xf32>
      %slice3A_624 = vector.extract_strided_slice %add3A_609 {offsets = [0, 256], sizes = [128, 128], strides = [1, 1]} : vector<128x512xf32> to vector<128x128xf32>
      %tanh3A_625 = math.tanh %slice3A_624 : vector<128x128xf32>
      %slice3A_626 = vector.extract_strided_slice %add3A_609 {offsets = [0, 384], sizes = [128, 128], strides = [1, 1]} : vector<128x512xf32> to vector<128x128xf32>
      %logistic3A_627 = arith.negf %slice3A_626 : vector<128x128xf32>
      %logistic3A_628 = math.exp %logistic3A_627 : vector<128x128xf32>
      %logistic3A_629 = arith.constant 1.000000e+00 : f32
      %logistic3A_630 = vector.broadcast %logistic3A_629 : f32 to vector<128x128xf32>
      %logistic3A_631 = arith.addf %logistic3A_630, %logistic3A_628 : vector<128x128xf32>
      %logistic3A_632 = arith.divf %logistic3A_630, %logistic3A_631 : vector<128x128xf32>
      %mul3A_633 = arith.mulf %logistic3A_623, %add3A_549 : vector<128x128xf32>
      %mul3A_634 = arith.mulf %logistic3A_616, %tanh3A_625 : vector<128x128xf32>
      %add3A_635 = arith.addf %mul3A_633, %mul3A_634 : vector<128x128xf32>
      %tanh3A_636 = math.tanh %add3A_635 : vector<128x128xf32>
      %mul3A_637 = arith.mulf %logistic3A_632, %tanh3A_636 : vector<128x128xf32>
      %swap3A_638 = arith.constant 6 : index
      %swap3A_639 = arith.constant 0 : index
      %swap3A_640 = arith.constant 0 : index
      %swap3A_641 = vector.load %arg12[%swap3A_638, %swap3A_639, %swap3A_640] : memref<8x128x128xf32, #tpu.memory_space<vmem>>, vector<1x128x128xf32>
      %swap3A_642 = vector.shape_cast %swap3A_641 : vector<1x128x128xf32> to vector<128x128xf32>
      %swap3A_643 = vector.shape_cast %mul3A_637 : vector<128x128xf32> to vector<1x128x128xf32>
      tpu.vector_store %arg12[%swap3A_638, %swap3A_639, %swap3A_640], %swap3A_643 {strides = array<i32>} : memref<8x128x128xf32, #tpu.memory_space<vmem>>, vector<1x128x128xf32>,
      %get3A_644 = arith.constant 128 : index
      %get3A_645 = arith.constant 0 : index
      %get3A_646 = vector.load %arg21[%get3A_644, %get3A_645] : memref<1024x512xf32, #tpu.memory_space<vmem>>, vector<128x512xf32>
      %get3A_647 = arith.constant 0 : index
      %get3A_648 = arith.constant 0 : index
      %get3A_649 = vector.load %arg9[%get3A_647, %get3A_648] : memref<128x512xf32, #tpu.memory_space<vmem>>, vector<128x512xf32>
      %dot_general3A_650 = arith.constant dense<0.000000e+00> : vector<128x512xf32>
      %dot_general3A_651 = tpu.matmul %mul3A_594, %get3A_649, %dot_general3A_650 {dimension_numbers = #tpu.dot_dimension_numbers<[1], [0], [0], [1], [0, 0, 1, 1], [], []>, transpose_lhs_hint = false} : vector<128x128xf32>, vector<128x512xf32>, vector<128x512xf32> -> vector<128x512xf32>
      %add3A_652 = arith.addf %get3A_646, %dot_general3A_651 : vector<128x512xf32>
      %slice3A_653 = vector.extract_strided_slice %add3A_652 {offsets = [0, 0], sizes = [128, 128], strides = [1, 1]} : vector<128x512xf32> to vector<128x128xf32>
      %logistic3A_654 = arith.negf %slice3A_653 : vector<128x128xf32>
      %logistic3A_655 = math.exp %logistic3A_654 : vector<128x128xf32>
      %logistic3A_656 = arith.constant 1.000000e+00 : f32
      %logistic3A_657 = vector.broadcast %logistic3A_656 : f32 to vector<128x128xf32>
      %logistic3A_658 = arith.addf %logistic3A_657, %logistic3A_655 : vector<128x128xf32>
      %logistic3A_659 = arith.divf %logistic3A_657, %logistic3A_658 : vector<128x128xf32>
      %slice3A_660 = vector.extract_strided_slice %add3A_652 {offsets = [0, 128], sizes = [128, 128], strides = [1, 1]} : vector<128x512xf32> to vector<128x128xf32>
      %logistic3A_661 = arith.negf %slice3A_660 : vector<128x128xf32>
      %logistic3A_662 = math.exp %logistic3A_661 : vector<128x128xf32>
      %logistic3A_663 = arith.constant 1.000000e+00 : f32
      %logistic3A_664 = vector.broadcast %logistic3A_663 : f32 to vector<128x128xf32>
      %logistic3A_665 = arith.addf %logistic3A_664, %logistic3A_662 : vector<128x128xf32>
      %logistic3A_666 = arith.divf %logistic3A_664, %logistic3A_665 : vector<128x128xf32>
      %slice3A_667 = vector.extract_strided_slice %add3A_652 {offsets = [0, 256], sizes = [128, 128], strides = [1, 1]} : vector<128x512xf32> to vector<128x128xf32>
      %tanh3A_668 = math.tanh %slice3A_667 : vector<128x128xf32>
      %slice3A_669 = vector.extract_strided_slice %add3A_652 {offsets = [0, 384], sizes = [128, 128], strides = [1, 1]} : vector<128x512xf32> to vector<128x128xf32>
      %logistic3A_670 = arith.negf %slice3A_669 : vector<128x128xf32>
      %logistic3A_671 = math.exp %logistic3A_670 : vector<128x128xf32>
      %logistic3A_672 = arith.constant 1.000000e+00 : f32
      %logistic3A_673 = vector.broadcast %logistic3A_672 : f32 to vector<128x128xf32>
      %logistic3A_674 = arith.addf %logistic3A_673, %logistic3A_671 : vector<128x128xf32>
      %logistic3A_675 = arith.divf %logistic3A_673, %logistic3A_674 : vector<128x128xf32>
      %mul3A_676 = arith.mulf %logistic3A_666, %add3A_592 : vector<128x128xf32>
      %mul3A_677 = arith.mulf %logistic3A_659, %tanh3A_668 : vector<128x128xf32>
      %add3A_678 = arith.addf %mul3A_676, %mul3A_677 : vector<128x128xf32>
      %tanh3A_679 = math.tanh %add3A_678 : vector<128x128xf32>
      %mul3A_680 = arith.mulf %logistic3A_675, %tanh3A_679 : vector<128x128xf32>
      %swap3A_681 = arith.constant 1 : index
      %swap3A_682 = arith.constant 0 : index
      %swap3A_683 = arith.constant 0 : index
      %swap3A_684 = vector.load %arg13[%swap3A_681, %swap3A_682, %swap3A_683] : memref<8x128x128xf32, #tpu.memory_space<vmem>>, vector<1x128x128xf32>
      %swap3A_685 = vector.shape_cast %swap3A_684 : vector<1x128x128xf32> to vector<128x128xf32>
      %swap3A_686 = vector.shape_cast %mul3A_680 : vector<128x128xf32> to vector<1x128x128xf32>
      tpu.vector_store %arg13[%swap3A_681, %swap3A_682, %swap3A_683], %swap3A_686 {strides = array<i32>} : memref<8x128x128xf32, #tpu.memory_space<vmem>>, vector<1x128x128xf32>,
      %get3A_687 = arith.constant 896 : index
      %get3A_688 = arith.constant 0 : index
      %get3A_689 = vector.load %arg20[%get3A_687, %get3A_688] : memref<1024x512xf32, #tpu.memory_space<vmem>>, vector<128x512xf32>
      %get3A_690 = arith.constant 0 : index
      %get3A_691 = arith.constant 0 : index
      %get3A_692 = vector.load %arg5[%get3A_690, %get3A_691] : memref<128x512xf32, #tpu.memory_space<vmem>>, vector<128x512xf32>
      %dot_general3A_693 = arith.constant dense<0.000000e+00> : vector<128x512xf32>
      %dot_general3A_694 = tpu.matmul %mul3A_637, %get3A_692, %dot_general3A_693 {dimension_numbers = #tpu.dot_dimension_numbers<[1], [0], [0], [1], [0, 0, 1, 1], [], []>, transpose_lhs_hint = false} : vector<128x128xf32>, vector<128x512xf32>, vector<128x512xf32> -> vector<128x512xf32>
      %add3A_695 = arith.addf %get3A_689, %dot_general3A_694 : vector<128x512xf32>
      %slice3A_696 = vector.extract_strided_slice %add3A_695 {offsets = [0, 0], sizes = [128, 128], strides = [1, 1]} : vector<128x512xf32> to vector<128x128xf32>
      %logistic3A_697 = arith.negf %slice3A_696 : vector<128x128xf32>
      %logistic3A_698 = math.exp %logistic3A_697 : vector<128x128xf32>
      %logistic3A_699 = arith.constant 1.000000e+00 : f32
      %logistic3A_700 = vector.broadcast %logistic3A_699 : f32 to vector<128x128xf32>
      %logistic3A_701 = arith.addf %logistic3A_700, %logistic3A_698 : vector<128x128xf32>
      %logistic3A_702 = arith.divf %logistic3A_700, %logistic3A_701 : vector<128x128xf32>
      %slice3A_703 = vector.extract_strided_slice %add3A_695 {offsets = [0, 128], sizes = [128, 128], strides = [1, 1]} : vector<128x512xf32> to vector<128x128xf32>
      %logistic3A_704 = arith.negf %slice3A_703 : vector<128x128xf32>
      %logistic3A_705 = math.exp %logistic3A_704 : vector<128x128xf32>
      %logistic3A_706 = arith.constant 1.000000e+00 : f32
      %logistic3A_707 = vector.broadcast %logistic3A_706 : f32 to vector<128x128xf32>
      %logistic3A_708 = arith.addf %logistic3A_707, %logistic3A_705 : vector<128x128xf32>
      %logistic3A_709 = arith.divf %logistic3A_707, %logistic3A_708 : vector<128x128xf32>
      %slice3A_710 = vector.extract_strided_slice %add3A_695 {offsets = [0, 256], sizes = [128, 128], strides = [1, 1]} : vector<128x512xf32> to vector<128x128xf32>
      %tanh3A_711 = math.tanh %slice3A_710 : vector<128x128xf32>
      %slice3A_712 = vector.extract_strided_slice %add3A_695 {offsets = [0, 384], sizes = [128, 128], strides = [1, 1]} : vector<128x512xf32> to vector<128x128xf32>
      %logistic3A_713 = arith.negf %slice3A_712 : vector<128x128xf32>
      %logistic3A_714 = math.exp %logistic3A_713 : vector<128x128xf32>
      %logistic3A_715 = arith.constant 1.000000e+00 : f32
      %logistic3A_716 = vector.broadcast %logistic3A_715 : f32 to vector<128x128xf32>
      %logistic3A_717 = arith.addf %logistic3A_716, %logistic3A_714 : vector<128x128xf32>
      %logistic3A_718 = arith.divf %logistic3A_716, %logistic3A_717 : vector<128x128xf32>
      %mul3A_719 = arith.mulf %logistic3A_709, %add3A_635 : vector<128x128xf32>
      %mul3A_720 = arith.mulf %logistic3A_702, %tanh3A_711 : vector<128x128xf32>
      %add3A_721 = arith.addf %mul3A_719, %mul3A_720 : vector<128x128xf32>
      %tanh3A_722 = math.tanh %add3A_721 : vector<128x128xf32>
      %mul3A_723 = arith.mulf %logistic3A_718, %tanh3A_722 : vector<128x128xf32>
      %swap3A_724 = arith.constant 7 : index
      %swap3A_725 = arith.constant 0 : index
      %swap3A_726 = arith.constant 0 : index
      %swap3A_727 = vector.load %arg12[%swap3A_724, %swap3A_725, %swap3A_726] : memref<8x128x128xf32, #tpu.memory_space<vmem>>, vector<1x128x128xf32>
      %swap3A_728 = vector.shape_cast %swap3A_727 : vector<1x128x128xf32> to vector<128x128xf32>
      %swap3A_729 = vector.shape_cast %mul3A_723 : vector<128x128xf32> to vector<1x128x128xf32>
      tpu.vector_store %arg12[%swap3A_724, %swap3A_725, %swap3A_726], %swap3A_729 {strides = array<i32>} : memref<8x128x128xf32, #tpu.memory_space<vmem>>, vector<1x128x128xf32>,
      %get3A_730 = arith.constant 0 : index
      %get3A_731 = arith.constant 0 : index
      %get3A_732 = vector.load %arg21[%get3A_730, %get3A_731] : memref<1024x512xf32, #tpu.memory_space<vmem>>, vector<128x512xf32>
      %get3A_733 = arith.constant 0 : index
      %get3A_734 = arith.constant 0 : index
      %get3A_735 = vector.load %arg9[%get3A_733, %get3A_734] : memref<128x512xf32, #tpu.memory_space<vmem>>, vector<128x512xf32>
      %dot_general3A_736 = arith.constant dense<0.000000e+00> : vector<128x512xf32>
      %dot_general3A_737 = tpu.matmul %mul3A_680, %get3A_735, %dot_general3A_736 {dimension_numbers = #tpu.dot_dimension_numbers<[1], [0], [0], [1], [0, 0, 1, 1], [], []>, transpose_lhs_hint = false} : vector<128x128xf32>, vector<128x512xf32>, vector<128x512xf32> -> vector<128x512xf32>
      %add3A_738 = arith.addf %get3A_732, %dot_general3A_737 : vector<128x512xf32>
      %slice3A_739 = vector.extract_strided_slice %add3A_738 {offsets = [0, 0], sizes = [128, 128], strides = [1, 1]} : vector<128x512xf32> to vector<128x128xf32>
      %logistic3A_740 = arith.negf %slice3A_739 : vector<128x128xf32>
      %logistic3A_741 = math.exp %logistic3A_740 : vector<128x128xf32>
      %logistic3A_742 = arith.constant 1.000000e+00 : f32
      %logistic3A_743 = vector.broadcast %logistic3A_742 : f32 to vector<128x128xf32>
      %logistic3A_744 = arith.addf %logistic3A_743, %logistic3A_741 : vector<128x128xf32>
      %logistic3A_745 = arith.divf %logistic3A_743, %logistic3A_744 : vector<128x128xf32>
      %slice3A_746 = vector.extract_strided_slice %add3A_738 {offsets = [0, 128], sizes = [128, 128], strides = [1, 1]} : vector<128x512xf32> to vector<128x128xf32>
      %logistic3A_747 = arith.negf %slice3A_746 : vector<128x128xf32>
      %logistic3A_748 = math.exp %logistic3A_747 : vector<128x128xf32>
      %logistic3A_749 = arith.constant 1.000000e+00 : f32
      %logistic3A_750 = vector.broadcast %logistic3A_749 : f32 to vector<128x128xf32>
      %logistic3A_751 = arith.addf %logistic3A_750, %logistic3A_748 : vector<128x128xf32>
      %logistic3A_752 = arith.divf %logistic3A_750, %logistic3A_751 : vector<128x128xf32>
      %slice3A_753 = vector.extract_strided_slice %add3A_738 {offsets = [0, 256], sizes = [128, 128], strides = [1, 1]} : vector<128x512xf32> to vector<128x128xf32>
      %tanh3A_754 = math.tanh %slice3A_753 : vector<128x128xf32>
      %slice3A_755 = vector.extract_strided_slice %add3A_738 {offsets = [0, 384], sizes = [128, 128], strides = [1, 1]} : vector<128x512xf32> to vector<128x128xf32>
      %logistic3A_756 = arith.negf %slice3A_755 : vector<128x128xf32>
      %logistic3A_757 = math.exp %logistic3A_756 : vector<128x128xf32>
      %logistic3A_758 = arith.constant 1.000000e+00 : f32
      %logistic3A_759 = vector.broadcast %logistic3A_758 : f32 to vector<128x128xf32>
      %logistic3A_760 = arith.addf %logistic3A_759, %logistic3A_757 : vector<128x128xf32>
      %logistic3A_761 = arith.divf %logistic3A_759, %logistic3A_760 : vector<128x128xf32>
      %mul3A_762 = arith.mulf %logistic3A_752, %add3A_678 : vector<128x128xf32>
      %mul3A_763 = arith.mulf %logistic3A_745, %tanh3A_754 : vector<128x128xf32>
      %add3A_764 = arith.addf %mul3A_762, %mul3A_763 : vector<128x128xf32>
      %tanh3A_765 = math.tanh %add3A_764 : vector<128x128xf32>
      %mul3A_766 = arith.mulf %logistic3A_761, %tanh3A_765 : vector<128x128xf32>
      %swap3A_767 = arith.constant 0 : index
      %swap3A_768 = arith.constant 0 : index
      %swap3A_769 = arith.constant 0 : index
      %swap3A_770 = vector.load %arg13[%swap3A_767, %swap3A_768, %swap3A_769] : memref<8x128x128xf32, #tpu.memory_space<vmem>>, vector<1x128x128xf32>
      %swap3A_771 = vector.shape_cast %swap3A_770 : vector<1x128x128xf32> to vector<128x128xf32>
      %swap3A_772 = vector.shape_cast %mul3A_766 : vector<128x128xf32> to vector<1x128x128xf32>
      tpu.vector_store %arg13[%swap3A_767, %swap3A_768, %swap3A_769], %swap3A_772 {strides = array<i32>} : memref<8x128x128xf32, #tpu.memory_space<vmem>>, vector<1x128x128xf32>,
      %swap3A_773 = arith.constant 0 : index
      %swap3A_774 = arith.constant 0 : index
      %swap3A_775 = vector.load %arg14[%swap3A_773, %swap3A_774] : memref<128x128xf32, #tpu.memory_space<vmem>>, vector<128x128xf32>
      tpu.vector_store %arg14[%swap3A_773, %swap3A_774], %mul3A_723 {strides = array<i32>} : memref<128x128xf32, #tpu.memory_space<vmem>>, vector<128x128xf32>,
      %swap3A_776 = arith.constant 0 : index
      %swap3A_777 = arith.constant 0 : index
      %swap3A_778 = vector.load %arg15[%swap3A_776, %swap3A_777] : memref<128x128xf32, #tpu.memory_space<vmem>>, vector<128x128xf32>
      tpu.vector_store %arg15[%swap3A_776, %swap3A_777], %add3A_721 {strides = array<i32>} : memref<128x128xf32, #tpu.memory_space<vmem>>, vector<128x128xf32>,
      %swap3A_779 = arith.constant 0 : index
      %swap3A_780 = arith.constant 0 : index
      %swap3A_781 = vector.load %arg16[%swap3A_779, %swap3A_780] : memref<128x128xf32, #tpu.memory_space<vmem>>, vector<128x128xf32>
      tpu.vector_store %arg16[%swap3A_779, %swap3A_780], %mul3A_766 {strides = array<i32>} : memref<128x128xf32, #tpu.memory_space<vmem>>, vector<128x128xf32>,
      %swap3A_782 = arith.constant 0 : index
      %swap3A_783 = arith.constant 0 : index
      %swap3A_784 = vector.load %arg17[%swap3A_782, %swap3A_783] : memref<128x128xf32, #tpu.memory_space<vmem>>, vector<128x128xf32>
      tpu.vector_store %arg17[%swap3A_782, %swap3A_783], %add3A_764 {strides = array<i32>} : memref<128x128xf32, #tpu.memory_space<vmem>>, vector<128x128xf32>,
    } else {
    }
    return
  }
  func.func @transform_0(%arg0: i32) -> (i32, i32) {
    %c0_i32 = arith.constant 0 : i32
    %c0_i32_0 = arith.constant 0 : i32
    %c0_i32_1 = arith.constant 0 : i32
    return %c0_i32, %c0_i32_0 : i32, i32
  }
  func.func @transform_1(%arg0: i32) -> (i32, i32) {
    %c0_i32 = arith.constant 0 : i32
    %c0_i32_0 = arith.constant 0 : i32
    %c0_i32_1 = arith.constant 0 : i32
    return %c0_i32, %c0_i32_0 : i32, i32
  }
  func.func @transform_2(%arg0: i32) -> (i32, i32) {
    %c0_i32 = arith.constant 0 : i32
    %c0_i32_0 = arith.constant 0 : i32
    %c0_i32_1 = arith.constant 0 : i32
    return %c0_i32, %c0_i32_0 : i32, i32
  }
  func.func @transform_3(%arg0: i32) -> (i32, i32) {
    %c0_i32 = arith.constant 0 : i32
    %c0_i32_0 = arith.constant 0 : i32
    %c0_i32_1 = arith.constant 0 : i32
    return %c0_i32, %c0_i32_0 : i32, i32
  }
  func.func @transform_4(%arg0: i32) -> (i32, i32) {
    %c0_i32 = arith.constant 0 : i32
    %c0_i32_0 = arith.constant 0 : i32
    %c0_i32_1 = arith.constant 0 : i32
    return %c0_i32, %c0_i32_0 : i32, i32
  }
  func.func @transform_5(%arg0: i32) -> (i32, i32) {
    %c0_i32 = arith.constant 0 : i32
    %c0_i32_0 = arith.constant 0 : i32
    %c0_i32_1 = arith.constant 0 : i32
    return %c0_i32, %c0_i32_0 : i32, i32
  }
  func.func @transform_6(%arg0: i32) -> (i32, i32) {
    %c0_i32 = arith.constant 0 : i32
    %c0_i32_0 = arith.constant 0 : i32
    %c0_i32_1 = arith.constant 0 : i32
    return %c0_i32, %c0_i32_0 : i32, i32
  }
  func.func @transform_7(%arg0: i32) -> (i32, i32) {
    %c0_i32 = arith.constant 0 : i32
    %c0_i32_0 = arith.constant 0 : i32
    %c0_i32_1 = arith.constant 0 : i32
    return %c0_i32, %c0_i32_0 : i32, i32
  }
  func.func @transform_8(%arg0: i32) -> (i32, i32) {
    %c0_i32 = arith.constant 0 : i32
    %c0_i32_0 = arith.constant 0 : i32
    %c0_i32_1 = arith.constant 0 : i32
    return %c0_i32, %c0_i32_0 : i32, i32
  }
  func.func @transform_9(%arg0: i32) -> (i32, i32) {
    %c0_i32 = arith.constant 0 : i32
    %c0_i32_0 = arith.constant 0 : i32
    %c0_i32_1 = arith.constant 0 : i32
    return %c0_i32, %c0_i32_0 : i32, i32
  }
  func.func @transform_10(%arg0: i32) -> (i32, i32) {
    %c0_i32 = arith.constant 0 : i32
    %c0_i32_0 = arith.constant 0 : i32
    %c0_i32_1 = arith.constant 0 : i32
    return %c0_i32, %c0_i32_0 : i32, i32
  }
  func.func @transform_11(%arg0: i32) -> (i32, i32, i32) {
    %c0_i32 = arith.constant 0 : i32
    %c0_i32_0 = arith.constant 0 : i32
    %c0_i32_1 = arith.constant 0 : i32
    return %arg0, %c0_i32, %c0_i32_0 : i32, i32, i32
  }
  func.func @transform_12(%arg0: i32) -> (i32, i32, i32) {
    %sub3A = arith.constant 63 : i32
    %sub3A_0 = arith.subi %sub3A, %arg0 : i32
    %c0_i32 = arith.constant 0 : i32
    %c0_i32_1 = arith.constant 0 : i32
    %c0_i32_2 = arith.constant 0 : i32
    return %sub3A_0, %c0_i32, %c0_i32_1 : i32, i32, i32
  }
}

</mosaic_0001>

<sc_bundles>
// kernel: kernel.6.cloned.1.call-start
scs
__scs_entry_jumppad:
0x0: {  	(pc) =	sbr.rel $0x88, $3  }
0x1: {  	(tag) =	ssettag $0x0;
	lr =	simm.s32 $0x1  }
0x2: {  	[smem:$0x3F84] =	sst lr;
	_ =	strace $0xD0000000  }
0x3: {  	_ = 	snop  }
0x4: {  	_ = 	snop  }
0x5: {  	_ = 	snop  }
0x6: {  	_ = 	snop  }
0x7: {  	_ = 	snop  }
__scs_overlays_trampoline_lowered:
0x8: {  	[smem:$0x3F93] =	sst s0  }
0x9: {  	[smem:$0x3F94] =	sst s1  }
0xa: {  	[smem:$0x3F95] =	sst s2  }
0xb: {  	[smem:$0x3F96] =	sst s3  }
0xc: {  	[smem:$0x3F97] =	sst s4  }
0xd: {  	[smem:$0x3F98] =	sst s5  }
0xe: {  	[smem:$0x3F99] =	sst s6  }
0xf: {  	[smem:$0x3F9A] =	sst s7  }
0x10: {  	[smem:$0x3F9B] =	sst s8  }
0x11: {  	[smem:$0x3F9C] =	sst s9;
	s0 =	simm.s32 @!p0 $0x0  }
0x12: {  	s1 =	sld [smem:$0x3F82];
	s0 =	simm.s32 @p0 $0x1  }
0x13: {  	[smem:$0x3F9D] =	sst s0;
	s0 =	simm.s32 @!p1 $0x0  }
0x14: {  	s2 =	sld [smem:$0x3F81];
	s0 =	simm.s32 @p1 $0x1  }
0x15: {  	[smem:$0x3F9E] =	sst s0;
	s0 =	simm.s32 @!p2 $0x0  }
0x16: {  	s3 =	sld [smem:$0x3FDB];
	s0 =	simm.s32 @p2 $0x1  }
0x17: {  	s4 =	simm.s32 $0x1BF5;
	[smem:$0x3FA0] =	sst s0  }
0x18: {  	s0 =	sld [smem:$0x3F83];
	_ =	swait.ge [sflag:s4], $0x0  }
0x19: {  	s7 =	sld [smem:$0x3F84]  }
0x1a: {  	s8 =	sadd.s32 $0xFFFFE003, lr  }
0x1b: {  	s9 =	sadd.s32 $0xFFFFFEF7, lr;
	s5 =	simm.s32 $0xFFFFFFFF;
	p2 =	slt.u32 s8, $0xFFFFF086  }
0x1c: {  	p1 =	slt.u32 s9, $0xF7A;
	s5 =	simm.s32 @!p2 $0x0  }
0x1d: {  	s5 =	simm.s32 @p1 $0x1;
	p0 =	seq.s32 s7, s2  }
0x1e: {  	s7 =	smul.u32 @!p0 $0xF7A, s2;
	p2 =	seq.s32 @!p0 s5, $0x0  }
0x1f: {  	s9 =	smul.u32 $0xF7A, s1;
	s8 =	simm.s32 @!p0 $0x1BF5;
	p2 =	por !p2, p0  }
0x20: {  	[sflag:s8] =	ssyncset.s32 @!p0 $0xFFFFF086;
	s6 =	sadd.s32 @!p0 s3, s7;
	s7 =	simm.s32 @!p0 $0x108  }
0x21: {  	s3 =	sadd.s32 s3, s9;
	s6 =	sadd.s32 @!p0 $0x88, s6;
	s7 =	simm.s32 @p2 $0x1082  }
0x22: {  	[simem:s7], [sflag:s8] =	dma.local @!p0 [hbm:s6], $0xF7A  }
0x23: {  	s9 =	sor.u32 $0xD0000000, s2;
	s6 =	simm.s32 $0x108;
	_ =	swait.ge @!p0 [sflag:s8], $0x0  }
0x24: {  	s3 =	sadd.s32 $0x88, s3;
	s6 =	simm.s32 @!p1 $0x1082;
	[sflag:s4] =	ssyncset.s32 $0xFFFFF086  }
0x25: {  	[simem:s6], [sflag:s4] =	dma.local [hbm:s3], $0xF7A  }
0x26: {  	[smem:$0x3F84] =	sst s1;
	(tag) =	ssettag s2;
	_ =	strace s9  }
0x27: {  	s1 =	sld [smem:$0x3F94]  }
0x28: {  	s2 =	sld [smem:$0x3F95]  }
0x29: {  	s4 =	sld [smem:$0x3F97]  }
0x2a: {  	p0 =	seq.s32 s5, $0x0;
	s5 =	sld [smem:$0x3F98]  }
0x2b: {  	s6 =	sld [smem:$0x3F99]  }
0x2c: {  	s7 =	sld [smem:$0x3F9A]  }
0x2d: {  	s3 =	simm.s32 $0x108;
	s8 =	sld [smem:$0x3F9B]  }
0x2e: {  	s3 =	simm.s32 @!p0 $0x1082;
	s9 =	sld [smem:$0x3F9C]  }
0x2f: {  	lr =	sadd.s32 s0, s3;
	s0 =	sld [smem:$0x3F93]  }
0x30: {  	s3 =	sld [smem:$0x3F96]  }
0x31: {  	[smem:$0x3F9F] =	sst s10  }
0x32: {  	s10 =	sld [smem:$0x3F9D];
	_ =	sdelay $0x3  }
0x33: {  	p0 =	seq.s32 s10, $0x1;
	s10 =	sld [smem:$0x3F9F];
	_ =	sdelay $0x3  }
0x34: {  	[smem:$0x3F9F] =	sst s10  }
0x35: {  	s10 =	sld [smem:$0x3F9E];
	_ =	sdelay $0x3  }
0x36: {  	p1 =	seq.s32 s10, $0x1;
	s10 =	sld [smem:$0x3F9F];
	_ =	sdelay $0x3  }
0x37: {  	[smem:$0x3F9F] =	sst s10  }
0x38: {  	s10 =	sld [smem:$0x3FA0]  }
0x39: {  	_ = 	snop;
	(pc) =	sbr.ind lr, $3  }
0x3a: {  	_ = 	snop  }
0x3b: {  	_ = 	snop  }
0x3c: {  	p2 =	seq.s32 s10, $0x1;
	s10 =	sld [smem:$0x3F9F]  }
0x3d: {  	_ =	shalt  }
0x3e: {  	_ =	shalt  }
0x3f: {  	_ =	shalt  }
0x40: {  	_ =	shalt  }
0x41: {  	_ =	shalt  }
0x42: {  	_ =	shalt  }
0x43: {  	_ =	shalt  }
0x44: {  	_ =	shalt  }
0x45: {  	_ =	shalt  }
0x46: {  	_ =	shalt  }
0x47: {  	_ =	shalt  }
0x48: {  	_ =	shalt  }
0x49: {  	_ =	shalt  }
0x4a: {  	_ =	shalt  }
0x4b: {  	_ =	shalt  }
0x4c: {  	_ =	shalt  }
0x4d: {  	_ =	shalt  }
0x4e: {  	_ =	shalt  }
0x4f: {  	_ =	shalt  }
0x50: {  	_ =	shalt  }
0x51: {  	_ =	shalt  }
0x52: {  	_ =	shalt  }
0x53: {  	_ =	shalt  }
0x54: {  	_ =	shalt  }
0x55: {  	_ =	shalt  }
0x56: {  	_ =	shalt  }
0x57: {  	_ =	shalt  }
0x58: {  	_ =	shalt  }
0x59: {  	_ =	shalt  }
0x5a: {  	_ =	shalt  }
0x5b: {  	_ =	shalt  }
0x5c: {  	_ =	shalt  }
0x5d: {  	_ =	shalt  }
0x5e: {  	_ =	shalt  }
0x5f: {  	_ =	shalt  }
0x60: {  	_ =	shalt  }
0x61: {  	_ =	shalt  }
0x62: {  	_ =	shalt  }
0x63: {  	_ =	shalt  }
0x64: {  	_ =	shalt  }
0x65: {  	_ =	shalt  }
0x66: {  	_ =	shalt  }
0x67: {  	_ =	shalt  }
0x68: {  	_ =	shalt  }
0x69: {  	_ =	shalt  }
0x6a: {  	_ =	shalt  }
0x6b: {  	_ =	shalt  }
0x6c: {  	_ =	shalt  }
0x6d: {  	_ =	shalt  }
0x6e: {  	_ =	shalt  }
0x6f: {  	_ =	shalt  }
0x70: {  	_ =	shalt  }
0x71: {  	_ =	shalt  }
0x72: {  	_ =	shalt  }
0x73: {  	_ =	shalt  }
0x74: {  	_ =	shalt  }
0x75: {  	_ =	shalt  }
0x76: {  	_ =	shalt  }
0x77: {  	_ =	shalt  }
0x78: {  	_ =	shalt  }
0x79: {  	_ =	shalt  }
0x7a: {  	_ =	shalt  }
0x7b: {  	_ =	shalt  }
0x7c: {  	_ =	shalt  }
0x7d: {  	_ =	shalt  }
0x7e: {  	_ =	shalt  }
0x7f: {  	_ =	shalt  }
0x80: {  	_ =	shalt  }
0x81: {  	_ =	shalt  }
0x82: {  	_ =	shalt  }
0x83: {  	_ =	shalt  }
0x84: {  	_ =	shalt  }
0x85: {  	_ =	shalt  }
0x86: {  	_ =	shalt  }
0x87: {  	_ =	shalt  }
.Lfunc_end0:
.L_simem_size_0:
called_computation_lowered:
.L_overlay_start_0:
0x88: {  	s2 =	sld [smem:$0x3FD9]  }
0x89: {  	s3 =	sld [smem:$0x3FFE];
	_ =	sdelay $0x1  }
0x8a: {  	s1 =	srdreg.scid  }
0x8b: {  	s0 =	sand.u32 $0x1, s1  }
0x8c: {  	s14 =	sshll.u32 s0, $0xA;
	s2 =	sadd.s32 s3, s2  }
0x8d: {  	s2 =	sadd.s32 s2, s14  }
0x8e: {  	[smem:$0x3FAB] =	sst s2  }
0x8f: {  	_ = 	snop  }
0x90: {  	s2 =	sld [smem:$0x3FD0];
	_ =	sdelay $0x2  }
0x91: {  	s15 =	simm.s32 $0xA;
	s4 =	simm.s32 $0x10  }
0x92: {  	[smem:s4], [sflag:s15] =	dma.local [hbm:s2], $0x1  }
0x93: {  	_ =	swait.eq [sflag:s15], $0x1  }
0x94: {  	[sflag:s15] =	ssyncset.done $0x0  }
0x95: {  	[sflag:s15] =	ssyncadd.s32 $0xFFFFFFFF  }
0x96: {  	s16 =	sld [smem:$0x12];
	(tm) =	ssettm $0x1  }
0x97: {  	s17 =	sld [smem:$0x3FFB];
	_ =	sdelay $0x3  }
0x98: {  	_ =	strace s17  }
0x99: {  	s3 =	sld [smem:$0x3FFC];
	_ =	sdelay $0x3  }
0x9a: {  	_ =	strace s3  }
0x9b: {  	s3 =	sld [smem:$0x3FFD];
	_ =	sdelay $0x3  }
0x9c: {  	_ =	strace s3  }
0x9d: {  	_ =	strace $0x8FFFFFFF  }
0x9e: {  	s18 =	sld [smem:$0x3FDB];
	_ =	sdelay $0x1  }
0x9f: {  	s19 =	simm.s32 $_scs_section_size  }
0xa0: {  	s5 =	simm.s32 $_size__tile_overlayer_lowered;
	s6 =	simm.s32 $_tile_overlayer_lowered  }
0xa1: {  	s22 =	simm.s32 $0x1BFF;
	s21 =	sshll.u32 s6, $0x1;
	s3 =	sadd.s32 s19, s18  }
0xa2: {  	s7 =	simm.s32 $0x0;
	s20 =	sshll.u32 s5, $0x1;
	s5 =	sadd.s32 s21, s3  }
0xa3: {  	[timem:s7], [sflag:s22] =	dma.local [hbm:s5], s20  }
0xa4: {  	_ =	swait.ge [sflag:s22], s20  }
0xa5: {  	s4 =	ssub.s32 $0x0, s20;
	[sflag:s22] =	ssyncset.done $0x0  }
0xa6: {  	[sflag:s22] =	ssyncadd.s32 s4;
	_ =	sdelay $0x1  }
0xa7: {  	s23 =	simm.s32 $0x1B8B  }
0xa8: {  	_ =	swait.ge [sflag:s23], $0x1  }
0xa9: {  	[sflag:s23] =	ssyncset.done $0x0  }
0xaa: {  	s25 =	simm.s32 $0x1B8E;
	s24 =	sld [smem:$0x3FFE];
	[sflag:s23] =	ssyncadd.s32 $0xFFFFFFFF  }
0xab: {  	s26 =	simm.s32 $execute0_lowered;
	[smem:$0x3FD2] =	sst s25  }
0xac: {  	s5 =	sshll.u32 s26, $0x1;
	_ =	strace $0x80000046;
	[dreg:$0x1] =	wrdreg $0xFFFFFFFF  }
0xad: {  	s28 =	simm.s32 $_size_execute0_lowered;
	s3 =	sadd.s32 s3, s5;
	[dreg:$0x0] =	wrdreg $0x0  }
0xae: {  	s5 =	sshll.u32 s28, $0x1;
	[dreg:$0x2] =	wrdreg s3  }
0xaf: {  	[dreg:$0x3] =	wrdreg s5  }
0xb0: {  	[dreg:$0x4] =	wrdreg $0xC0  }
0xb1: {  	_ =	task [dreg:s7], $0x5FFFF  }
0xb2: {  	[dreg:$0x1] =	wrdreg $0xFFFFFFFF  }
0xb3: {  	[dreg:$0x0] =	wrdreg $0x60  }
0xb4: {  	[dreg:$0x2] =	wrdreg s24  }
0xb5: {  	[dreg:$0x3] =	wrdreg s16  }
0xb6: {  	[dreg:$0x4] =	wrdreg $0x9  }
0xb7: {  	_ =	task.clear_ibuf [dreg:s7], $0x5FFFF;
	_ =	strace $0x90000046  }
0xb8: {  	s29 =	simm.s32 $0x9;
	_ =	strace $0x80000048  }
0xb9: {  	_ =	swait.ge [sflag:s29], $0x1  }
0xba: {  	[sflag:s29] =	ssyncadd.s32 $0xFFFFFFFF  }
0xbb: {  	_ =	strace $0x90000048  }
0xbc: {  	_ =	sfence  }
0xbd: {  	s30 =	sld [smem:$0x0];
	_ =	sdelay $0x2  }
0xbe: {  	s31 =	sshll.u32 s1, $0xD;
	s1 =	sshrl.u32 s1, $0x2  }
0xbf: {  	s3 =	sand.u32 $0x4000, s31;
	s1 =	sadd.s32 s1, s30  }
0xc0: {  	s0 =	sor.u32 s3, s0;
	s1 =	sshll.u32 s1, $0x11  }
0xc1: {  	s0 =	sor.u32 s1, s0  }
0xc2: {  	s0 =	sadd.s32 $0x8F2B, s0  }
0xc3: {  	[sflag:s0] =	ssyncadd.remote.s32 $0x1  }
0xc4: {  	_ =	sfence.sel $0xFFFF  }
0xc5: {  	[dreg:$0x0] =	wrdreg $0xFFFFFFFF;
	(pc) =	sbr.abs _section_cstart, $3  }
0xc6: {  	[dreg:$0x1] =	wrdreg $0xFFFFFFFF  }
0xc7: {  	_ =	task.clear_ibuf [dreg:s7], $0x2FFFF;
	_ =	strace $0x9FFFFFFF  }
0xc8: {  	(tm) =	ssettm $0x7FFFFFFF  }
0xc9: {  	_ =	shalt  }
tec
execute0_lowered:
.L_overlay_start_1:
0x0: {  	(tag) =	ssettag $0x1  }
0x1: {  	s1 =	stileid.u32  }
0x2: {  	p0 =	sgt.u32 s1, $0x3  }
.Ltmp0:
0x3: {  	_ = 	snop;
	(pc) =	sbr.rel @p0 .LBB2_4-.Ltmp0, $4  }
0x4: {  	s11 =	rddreg [dreg:$0x0]  }
0x5: {  	s3 =	rddreg [dreg:$0x1];
	s2 =	simm.s32 $0x0  }
0x6: {  	[smem:$0x7FF] =	sst s2  }
0x7: {  	s0 =	rddreg [dreg:$0x2];
	_ =	strace $0x80000047  }
0x8: {  	s4 =	srdreg.scid  }
0x9: {  	s30 =	sshll.u32 s1, $0x1;
	s12 =	sand.u32 $0x1, s4  }
0xa: {  	s13 =	sor.u32 s12, s30  }
0xb: {  	s4 =	sshll.u32 s13, $0x1  }
0xc: {  	s4 =	sadd.s32 s3, s4;
	s3 =	simm.s32 $0x2  }
0xd: {  	[tilespmem:s2], [sflag:$0x2] =	stream.linear.gather [hbm4b:s4+s2], $0x10, $0x38;
	[tilespmem:$0x1080] =	vst v63  }
0xe: {  	_ =	swait.ge [sflag:s3], $0x10  }
0xf: {  	s5 =	sadd.s32 $0x2E00, s11;
	s6 =	simm.s32 $0x10;
	[sflag:s3] =	ssyncset.done $0x0  }
0x10: {  	s7 =	simm.s32 $0x80;
	s8 =	simm.s32 $0x1;
	[sflag:s3] =	ssyncadd.s32 $0xFFFFFFF0  }
0x11: {  	[tilespmem:s7], [sflag:$0x1] =	stream.indirect.gather [hbm4b:s5+s6], $0x80, s2, s6, $0xb8;
	[tilespmem:$0x1080] =	vst v63  }
0x12: {  	_ =	swait.ge [sflag:s8], $0x800  }
0x13: {  	s9 =	sadd.s32 $0x102E00, s11;
	[sflag:s8] =	ssyncset.done $0x0  }
0x14: {  	s10 =	simm.s32 $0x880;
	s12 =	ssub.s32 $0x2, s12;
	[sflag:s8] =	ssyncadd.s32 $0xFFFFF800  }
0x15: {  	[tilespmem:s10], [sflag:$0x1] =	stream.indirect.gather [hbm4b:s9+s6], $0x80, s2, s6, $0xb8;
	[tilespmem:$0x1080] =	vst v63  }
0x16: {  	s13 =	sshll.u32 s13, $0x8;
	s14 =	sshrl.u32 s12, $0x1;
	_ =	swait.ge [sflag:s8], $0x800  }
0x17: {  	s13 =	sadd.s32 s13, s11;
	s14 =	ssub.s32 s12, s14;
	[sflag:s8] =	ssyncset.done $0x0  }
0x18: {  	s11 =	sadd.s32 $0x202E00, s13;
	s31 =	smax.u32 s14, $0x1;
	[sflag:s8] =	ssyncadd.s32 $0xFFFFF800  }
0x19: {  	[hbm4b:s11+s2] =	stream.linear.scatter [tilespmem:s7], [sflag:$0x2], $0x800, $0x38;
	[tilespmem:$0x1080] =	vst v63  }
0x1a: {  	p0 =	sne.s32 s31, $0x1;
	_ =	swait.ge [sflag:s3], $0x800  }
.Ltmp1:
0x1b: {  	[sflag:s3] =	ssyncset.done $0x0;
	(pc) =	sbr.rel @!p0 .LBB2_3-.Ltmp1, $4  }
0x1c: {  	s12 =	sadd.s32 $0x203600, s13;
	[sflag:s3] =	ssyncadd.s32 $0xFFFFF800  }
0x1d: {  	[hbm4b:s12+s2] =	stream.linear.scatter [tilespmem:s10], [sflag:$0x2], $0x800, $0x38;
	[tilespmem:$0x1080] =	vst v63  }
0x1e: {  	_ =	swait.ge [sflag:s3], $0x800  }
0x1f: {  	s13 =	sadd.s32 $0xFFFFFFFF, s31;
	[sflag:s3] =	ssyncset.done $0x0  }
.LBB2_2:
0x20: {  	p0 =	sne.s32 s13, $0x1;
	s13 =	sadd.s32 $0xFFFFFFFF, s13;
	[sflag:s3] =	ssyncadd.s32 $0xFFFFF800  }
0x21: {  	[tilespmem:s2], [sflag:$0x2] =	stream.linear.gather [hbm4b:s4+s2], $0x10, $0x38;
	[tilespmem:$0x1080] =	vst v63  }
0x22: {  	_ =	swait.ge [sflag:s3], $0x10  }
0x23: {  	[sflag:s3] =	ssyncset.done $0x0  }
0x24: {  	[sflag:s3] =	ssyncadd.s32 $0xFFFFFFF0  }
0x25: {  	[tilespmem:s7], [sflag:$0x1] =	stream.indirect.gather [hbm4b:s5+s6], $0x80, s2, s6, $0xb8;
	[tilespmem:$0x1080] =	vst v63  }
0x26: {  	_ =	swait.ge [sflag:s8], $0x800  }
0x27: {  	[sflag:s8] =	ssyncset.done $0x0  }
0x28: {  	[sflag:s8] =	ssyncadd.s32 $0xFFFFF800  }
0x29: {  	[tilespmem:s10], [sflag:$0x1] =	stream.indirect.gather [hbm4b:s9+s6], $0x80, s2, s6, $0xb8;
	[tilespmem:$0x1080] =	vst v63  }
0x2a: {  	_ =	swait.ge [sflag:s8], $0x800  }
0x2b: {  	[sflag:s8] =	ssyncset.done $0x0  }
0x2c: {  	[sflag:s8] =	ssyncadd.s32 $0xFFFFF800  }
0x2d: {  	[hbm4b:s11+s2] =	stream.linear.scatter [tilespmem:s7], [sflag:$0x2], $0x800, $0x38;
	[tilespmem:$0x1080] =	vst v63  }
0x2e: {  	_ =	swait.ge [sflag:s3], $0x800  }
.Ltmp2:
0x2f: {  	[sflag:s3] =	ssyncset.done $0x0;
	(pc) =	sbr.rel @p0 .LBB2_2-.Ltmp2, $4  }
0x30: {  	[sflag:s3] =	ssyncadd.s32 $0xFFFFF800  }
0x31: {  	[hbm4b:s12+s2] =	stream.linear.scatter [tilespmem:s10], [sflag:$0x2], $0x800, $0x38;
	[tilespmem:$0x1080] =	vst v63  }
0x32: {  	_ =	swait.ge [sflag:s3], $0x800  }
0x33: {  	[sflag:s3] =	ssyncset.done $0x0  }
.LBB2_3:
0x34: {  	[sflag:s3] =	ssyncadd.s32 $0xFFFFF800  }
.LBB2_4:
0x35: {  	_ =	sfence.sel $0x180000  }
0x36: {  	[bflag:$0x0] =	sbarrier.arrive $0xFFFF  }
0x37: {  	p0 =	sne.s32 s1, $0x0;
	_ =	strace $0x90000047  }
0x38: {  	s0 =	sadd.s32 @!p0 $0x100000, s0;
	[bflag:$0x2] =	sbarrier.arrive $0xFFFF  }
0x39: {  	[sflag:s0] =	ssyncadd.tile.s32 @!p0 $0x1;
	_ =	shalt  }
.Lfunc_end2:
_tile_overlayer_lowered:
.L_overlay_start_2:
0x3a: {  	(tag) =	ssettag $0x2  }
0x3b: {  	s0 =	rddreg [dreg:$0x0];
	s2 =	stileid.u32  }
0x3c: {  	s1 =	rddreg [dreg:$0x1];
	p0 =	sne.s32 s2, $0x0  }
0x3d: {  	s3 =	rddreg [dreg:$0x2];
	[bflag:$0x3] =	sbarrier.arrive $0xFFFF;
	s2 =	simm.s32 @!p0 $0x1C02  }
0x3e: {  	[timem:s3], [sflag:s2] =	dma.local @!p0 [hbm:s0], s1  }
0x3f: {  	s0 =	simm.s32 @!p0 $0x2  }
0x40: {  	_ =	swait.ge @!p0 [sflag:s0], s1  }
0x41: {  	s1 =	ssub.s32 @!p0 $0x0, s1;
	[sflag:s0] =	ssyncset.done @!p0 $0x0  }
0x42: {  	[sflag:s0] =	ssyncadd.s32 @!p0 s1  }
0x43: {  	[bflag:$0x3] =	sbarrier.arrive $0xFFFF  }
0x44: {  	_ =	shalt  }

</sc_bundles>
